<compile_context>
chip_gen: v7x
topology: tpu7x:2x2x1
jax: 0.10.2.dev20260603
libtpu: 0.0.44.dev20260713+nightly
codegen_flags: <defaults>
</compile_context>

<pallas_src>
import jax
import jax.numpy as jnp
from jax import lax
from jax.experimental import pallas as pl
from jax.experimental.pallas import tpu as pltpu
from jax.experimental.pallas import tpu_sc as plsc

NC = 2
NS = 16
L = 16
NW = NC * NS
NODES = 2048
PAIRS = NODES // 2
TOK = 2 * 8192
ROWS_W = TOK // NW
T = 8
GROUPS = ROWS_W // T
CHUNKS = PAIRS // L
TN = T * NODES
NB = 2


def _rot_body(inp_hbm, ii_hbm, jj_hbm, oi_hbm, oj_hbm, c_hbm, s_hbm,
              out_hbm, ii_v, jj_v, oi_v, oj_v, c_v, s_v,
              in0, in1, out0, out1, isem0, isem1, osem0, osem1):
    in_bufs = (in0, in1)
    out_bufs = (out0, out1)
    isems = (isem0, isem1)
    osems = (osem0, osem1)

    wid = lax.axis_index("s") * NC + lax.axis_index("c")
    base_e = wid * ROWS_W * NODES

    pltpu.sync_copy(ii_hbm, ii_v)
    pltpu.sync_copy(jj_hbm, jj_v)
    pltpu.sync_copy(oi_hbm, oi_v)
    pltpu.sync_copy(oj_hbm, oj_v)
    pltpu.sync_copy(c_hbm, c_v)
    pltpu.sync_copy(s_hbm, s_v)

    pltpu.async_copy(inp_hbm.at[pl.ds(base_e, TN)], in_bufs[0], isems[0])

    def step(h, carry):
        for b in range(NB):
            g = h * NB + b
            e0 = base_e + g * TN
            nb = (b + 1) % NB

            @pl.when(g + 1 < GROUPS)
            def _prefetch():
                pltpu.async_copy(inp_hbm.at[pl.ds(e0 + TN, TN)],
                                 in_bufs[nb], isems[nb])

            pltpu.make_async_copy(inp_hbm.at[pl.ds(e0, TN)],
                                  in_bufs[b], isems[b]).wait()

            @pl.when(h > 0)
            def _drain_out():
                pltpu.make_async_copy(
                    out_bufs[b], out_hbm.at[pl.ds(e0 - NB * TN, TN)],
                    osems[b]).wait()

            @plsc.parallel_loop(0, PAIRS, step=L, unroll=4)
            def chunk(o):
                ii = ii_v[pl.ds(o, L)]
                jj = jj_v[pl.ds(o, L)]
                oi = oi_v[pl.ds(o, L)]
                oj = oj_v[pl.ds(o, L)]
                cc = c_v[pl.ds(o, L)]
                ss = s_v[pl.ds(o, L)]
                for tt in range(T):
                    src = in_bufs[b].at[pl.ds(tt * NODES, NODES)]
                    dst = out_bufs[b].at[pl.ds(tt * NODES, NODES)]
                    xi = plsc.load_gather(src, [ii])
                    xj = plsc.load_gather(src, [jj])
                    yi = cc * xi - ss * xj
                    yj = cc * xj + ss * xi
                    plsc.store_scatter(dst, [oi], yi)
                    plsc.store_scatter(dst, [oj], yj)
            pltpu.async_copy(out_bufs[b], out_hbm.at[pl.ds(e0, TN)],
                             osems[b])
        return carry

    lax.fori_loop(0, GROUPS // NB, step, 0)

    for b in range(NB):
        e0 = base_e + (GROUPS - NB + b) * TN
        pltpu.make_async_copy(out_bufs[b], out_hbm.at[pl.ds(e0, TN)],
                              osems[b]).wait()


def kernel(inp, angles, pairs, outp_pairs):
    c = jnp.cos(angles)
    s = jnp.sin(angles)
    ii = pairs[:, 0]
    jj = pairs[:, 1]
    oi = outp_pairs[:, 0]
    oj = outp_pairs[:, 1]
    flat = inp.reshape(TOK * NODES)

    run = pl.kernel(
        _rot_body,
        out_type=jax.ShapeDtypeStruct((TOK * NODES,), jnp.float32),
        mesh=plsc.VectorSubcoreMesh(
            core_axis_name="c", subcore_axis_name="s",
            num_cores=NC, num_subcores=NS),
        compiler_params=pltpu.CompilerParams(needs_layout_passes=False),
        scratch_types=[
            pltpu.VMEM((PAIRS,), jnp.int32),
            pltpu.VMEM((PAIRS,), jnp.int32),
            pltpu.VMEM((PAIRS,), jnp.int32),
            pltpu.VMEM((PAIRS,), jnp.int32),
            pltpu.VMEM((PAIRS,), jnp.float32),
            pltpu.VMEM((PAIRS,), jnp.float32),
            pltpu.VMEM((TN,), jnp.float32),
            pltpu.VMEM((TN,), jnp.float32),
            pltpu.VMEM((TN,), jnp.float32),
            pltpu.VMEM((TN,), jnp.float32),
            pltpu.SemaphoreType.DMA,
            pltpu.SemaphoreType.DMA,
            pltpu.SemaphoreType.DMA,
            pltpu.SemaphoreType.DMA,
        ],
    )
    out = run(flat, ii, jj, oi, oj, c, s)
    return out.reshape(inp.shape)

# --- scband reference (transcript-rebuilt; emitter-appended) ---
"""Pipeline reference for scband-rotational-12232066859560 (READ-ONLY COPY).

The authoritative reference and input builder live on the scoring server;
editing this copy changes nothing except your own understanding.
"""

import jax, jax.numpy as jnp
import numpy as np

NODES = 2048
BATCH = 2
SEQ = 8192


def setup_inputs(seed: int = 0) -> dict:
    key = jax.random.key(seed)
    k1, k2, k3, k4 = jax.random.split(key, 4)
    inp = jax.random.normal(k1, (BATCH, SEQ, NODES), dtype=jnp.float32)
    angles = jax.random.normal(k2, (NODES // 2,), dtype=jnp.float32)
    pairs = jax.random.permutation(k3, NODES).reshape(-1, 2).astype(jnp.int32)
    outp_pairs = jax.random.permutation(k4, NODES).reshape(-1, 2).astype(jnp.int32)
    return {"inp": inp, "angles": angles, "pairs": pairs, "outp_pairs": outp_pairs}


def reference(inp, angles, pairs, outp_pairs):
    c = jnp.cos(angles)
    s = jnp.sin(angles)
    xi = inp[..., pairs[:, 0]]
    xj = inp[..., pairs[:, 1]]
    yi = c * xi - s * xj
    yj = c * xj + s * xi
    outp = inp
    outp = outp.at[..., outp_pairs[:, 0]].set(yi)
    outp = outp.at[..., outp_pairs[:, 1]].set(yj)
    return outp

if __name__ == "__main__":
    import jax
    _d = setup_inputs()
    print(jax.jit(kernel)(*tuple(_d.values())))

</pallas_src>

<mosaic_0001>
#map = affine_map<(d0, d1) -> (0)>
module attributes {stable_mosaic.version = 14 : i64} {
  func.func @_rot_body(%arg0: i32, %arg1: i32, %arg2: memref<33554432xf32, #tpu.memory_space<hbm>>, %arg3: memref<1024xi32, #tpu.memory_space<hbm>>, %arg4: memref<1024xi32, #tpu.memory_space<hbm>>, %arg5: memref<1024xi32, #tpu.memory_space<hbm>>, %arg6: memref<1024xi32, #tpu.memory_space<hbm>>, %arg7: memref<1024xf32, #tpu.memory_space<hbm>>, %arg8: memref<1024xf32, #tpu.memory_space<hbm>>, %arg9: memref<33554432xf32, #tpu.memory_space<hbm>>, %arg10: memref<1024xi32, #tpu.memory_space<vmem>>, %arg11: memref<1024xi32, #tpu.memory_space<vmem>>, %arg12: memref<1024xi32, #tpu.memory_space<vmem>>, %arg13: memref<1024xi32, #tpu.memory_space<vmem>>, %arg14: memref<1024xf32, #tpu.memory_space<vmem>>, %arg15: memref<1024xf32, #tpu.memory_space<vmem>>, %arg16: memref<16384xf32, #tpu.memory_space<vmem>>, %arg17: memref<16384xf32, #tpu.memory_space<vmem>>, %arg18: memref<16384xf32, #tpu.memory_space<vmem>>, %arg19: memref<16384xf32, #tpu.memory_space<vmem>>, %arg20: memref<!tpu.dma_semaphore, #tpu.memory_space<semaphore_mem>>, %arg21: memref<!tpu.dma_semaphore, #tpu.memory_space<semaphore_mem>>, %arg22: memref<!tpu.dma_semaphore, #tpu.memory_space<semaphore_mem>>, %arg23: memref<!tpu.dma_semaphore, #tpu.memory_space<semaphore_mem>>) attributes {dimension_semantics = [#tpu.dimension_semantics<core_parallel>, #tpu.dimension_semantics<subcore_parallel>], iteration_bounds = array<i64: 2, 16>, scalar_prefetch = 0 : i64, scratch_operands = 14 : i64, tpu.core_type = #tpu.core_type<sc_vector_subcore>, window_params = [{transform_indices = #map}, {transform_indices = #map}, {transform_indices = #map}, {transform_indices = #map}, {transform_indices = #map}, {transform_indices = #map}, {transform_indices = #map}, {transform_indices = #map}]} {
    %mul3A = arith.constant 2 : i32
    %mul3A_0 = arith.muli %arg1, %mul3A : i32
    %add3A = arith.addi %mul3A_0, %arg0 : i32
    %mul3A_1 = arith.constant 512 : i32
    %mul3A_2 = arith.muli %add3A, %mul3A_1 : i32
    %mul3A_3 = arith.constant 2048 : i32
    %mul3A_4 = arith.muli %mul3A_2, %mul3A_3 : i32
    "tpu.region"() ({
      %run_scoped3A = tpu.sem_alloc : memref<!tpu.dma_semaphore, #tpu.memory_space<semaphore_mem>>
      tpu.enqueue_dma source(%arg3 : memref<1024xi32, #tpu.memory_space<hbm>>) target(%arg10 : memref<1024xi32, #tpu.memory_space<vmem>>) target_semaphore(%run_scoped3A : memref<!tpu.dma_semaphore, #tpu.memory_space<semaphore_mem>>)
      tpu.wait_dma2 semaphore(%run_scoped3A : memref<!tpu.dma_semaphore, #tpu.memory_space<semaphore_mem>>) src(%arg3 : memref<1024xi32, #tpu.memory_space<hbm>>) dst(%arg10 : memref<1024xi32, #tpu.memory_space<vmem>>)
      tpu.yield
    }) : () -> ()
    "tpu.region"() ({
      %run_scoped3A = tpu.sem_alloc : memref<!tpu.dma_semaphore, #tpu.memory_space<semaphore_mem>>
      tpu.enqueue_dma source(%arg4 : memref<1024xi32, #tpu.memory_space<hbm>>) target(%arg11 : memref<1024xi32, #tpu.memory_space<vmem>>) target_semaphore(%run_scoped3A : memref<!tpu.dma_semaphore, #tpu.memory_space<semaphore_mem>>)
      tpu.wait_dma2 semaphore(%run_scoped3A : memref<!tpu.dma_semaphore, #tpu.memory_space<semaphore_mem>>) src(%arg4 : memref<1024xi32, #tpu.memory_space<hbm>>) dst(%arg11 : memref<1024xi32, #tpu.memory_space<vmem>>)
      tpu.yield
    }) : () -> ()
    "tpu.region"() ({
      %run_scoped3A = tpu.sem_alloc : memref<!tpu.dma_semaphore, #tpu.memory_space<semaphore_mem>>
      tpu.enqueue_dma source(%arg5 : memref<1024xi32, #tpu.memory_space<hbm>>) target(%arg12 : memref<1024xi32, #tpu.memory_space<vmem>>) target_semaphore(%run_scoped3A : memref<!tpu.dma_semaphore, #tpu.memory_space<semaphore_mem>>)
      tpu.wait_dma2 semaphore(%run_scoped3A : memref<!tpu.dma_semaphore, #tpu.memory_space<semaphore_mem>>) src(%arg5 : memref<1024xi32, #tpu.memory_space<hbm>>) dst(%arg12 : memref<1024xi32, #tpu.memory_space<vmem>>)
      tpu.yield
    }) : () -> ()
    "tpu.region"() ({
      %run_scoped3A = tpu.sem_alloc : memref<!tpu.dma_semaphore, #tpu.memory_space<semaphore_mem>>
      tpu.enqueue_dma source(%arg6 : memref<1024xi32, #tpu.memory_space<hbm>>) target(%arg13 : memref<1024xi32, #tpu.memory_space<vmem>>) target_semaphore(%run_scoped3A : memref<!tpu.dma_semaphore, #tpu.memory_space<semaphore_mem>>)
      tpu.wait_dma2 semaphore(%run_scoped3A : memref<!tpu.dma_semaphore, #tpu.memory_space<semaphore_mem>>) src(%arg6 : memref<1024xi32, #tpu.memory_space<hbm>>) dst(%arg13 : memref<1024xi32, #tpu.memory_space<vmem>>)
      tpu.yield
    }) : () -> ()
    "tpu.region"() ({
      %run_scoped3A = tpu.sem_alloc : memref<!tpu.dma_semaphore, #tpu.memory_space<semaphore_mem>>
      tpu.enqueue_dma source(%arg7 : memref<1024xf32, #tpu.memory_space<hbm>>) target(%arg14 : memref<1024xf32, #tpu.memory_space<vmem>>) target_semaphore(%run_scoped3A : memref<!tpu.dma_semaphore, #tpu.memory_space<semaphore_mem>>)
      tpu.wait_dma2 semaphore(%run_scoped3A : memref<!tpu.dma_semaphore, #tpu.memory_space<semaphore_mem>>) src(%arg7 : memref<1024xf32, #tpu.memory_space<hbm>>) dst(%arg14 : memref<1024xf32, #tpu.memory_space<vmem>>)
      tpu.yield
    }) : () -> ()
    "tpu.region"() ({
      %run_scoped3A = tpu.sem_alloc : memref<!tpu.dma_semaphore, #tpu.memory_space<semaphore_mem>>
      tpu.enqueue_dma source(%arg8 : memref<1024xf32, #tpu.memory_space<hbm>>) target(%arg15 : memref<1024xf32, #tpu.memory_space<vmem>>) target_semaphore(%run_scoped3A : memref<!tpu.dma_semaphore, #tpu.memory_space<semaphore_mem>>)
      tpu.wait_dma2 semaphore(%run_scoped3A : memref<!tpu.dma_semaphore, #tpu.memory_space<semaphore_mem>>) src(%arg8 : memref<1024xf32, #tpu.memory_space<hbm>>) dst(%arg15 : memref<1024xf32, #tpu.memory_space<vmem>>)
      tpu.yield
    }) : () -> ()
    %dma_start3A = tpu.memref_slice %arg2[%mul3A_4] : memref<33554432xf32, #tpu.memory_space<hbm>> -> memref<16384xf32, #tpu.memory_space<hbm>>
    %dma_start3A_5 = tpu.memref_slice %arg2[%mul3A_4] : memref<33554432xf32, #tpu.memory_space<hbm>> -> memref<16384xf32, #tpu.memory_space<hbm>>
    tpu.enqueue_dma source(%dma_start3A_5 : memref<16384xf32, #tpu.memory_space<hbm>>) target(%arg16 : memref<16384xf32, #tpu.memory_space<vmem>>) target_semaphore(%arg20 : memref<!tpu.dma_semaphore, #tpu.memory_space<semaphore_mem>>)
    %scan3A = arith.constant 0 : i32
    %scan3A_6 = arith.constant 0 : i32
    %scan3A_7 = arith.constant 32 : i32
    %scan3A_8 = arith.addi %scan3A_6, %scan3A_7 : i32
    %scan3A_9 = arith.constant 1 : i32
    scf.for %scan3A_18 = %scan3A_6 to %scan3A_8 step %scan3A_9  : i32 {
      %mul3A_19 = arith.constant 2 : i32
      %mul3A_20 = arith.muli %scan3A_18, %mul3A_19 : i32
      %add3A_21 = arith.constant 0 : i32
      %add3A_22 = arith.addi %mul3A_20, %add3A_21 : i32
      %mul3A_23 = arith.constant 16384 : i32
      %mul3A_24 = arith.muli %add3A_22, %mul3A_23 : i32
      %add3A_25 = arith.addi %mul3A_4, %mul3A_24 : i32
      %add3A_26 = arith.constant 1 : i32
      %add3A_27 = arith.addi %add3A_22, %add3A_26 : i32
      %lt3A = arith.constant 64 : i32
      %lt3A_28 = arith.cmpi slt, %add3A_27, %lt3A : i32
      %convert_element_type3A = arith.extui %lt3A_28 : i1 to i32
      %cond3A = arith.constant 0 : i32
      %cond3A_29 = arith.cmpi ne, %convert_element_type3A, %cond3A : i32
      scf.if %cond3A_29 {
        %add3A_66 = arith.constant 16384 : i32
        %add3A_67 = arith.addi %add3A_25, %add3A_66 : i32
        %dma_start3A_68 = tpu.memref_slice %arg2[%add3A_67] : memref<33554432xf32, #tpu.memory_space<hbm>> -> memref<16384xf32, #tpu.memory_space<hbm>>
        %dma_start3A_69 = tpu.memref_slice %arg2[%add3A_67] : memref<33554432xf32, #tpu.memory_space<hbm>> -> memref<16384xf32, #tpu.memory_space<hbm>>
        tpu.enqueue_dma source(%dma_start3A_69 : memref<16384xf32, #tpu.memory_space<hbm>>) target(%arg17 : memref<16384xf32, #tpu.memory_space<vmem>>) target_semaphore(%arg21 : memref<!tpu.dma_semaphore, #tpu.memory_space<semaphore_mem>>)
      } else {
      }
      %dma_wait3A_30 = tpu.memref_slice %arg2[%add3A_25] : memref<33554432xf32, #tpu.memory_space<hbm>> -> memref<16384xf32, #tpu.memory_space<hbm>>
      %dma_wait3A_31 = tpu.memref_slice %arg2[%add3A_25] : memref<33554432xf32, #tpu.memory_space<hbm>> -> memref<16384xf32, #tpu.memory_space<hbm>>
      tpu.wait_dma2 semaphore(%arg20 : memref<!tpu.dma_semaphore, #tpu.memory_space<semaphore_mem>>) src(%dma_wait3A_31 : memref<16384xf32, #tpu.memory_space<hbm>>) dst(%arg16 : memref<16384xf32, #tpu.memory_space<vmem>>)
      %gt3A = arith.constant 0 : i32
      %gt3A_32 = arith.cmpi sgt, %scan3A_18, %gt3A : i32
      %convert_element_type3A_33 = arith.extui %gt3A_32 : i1 to i32
      %cond3A_34 = arith.constant 0 : i32
      %cond3A_35 = arith.cmpi ne, %convert_element_type3A_33, %cond3A_34 : i32
      scf.if %cond3A_35 {
        %sub3A = arith.constant 32768 : i32
        %sub3A_66 = arith.subi %add3A_25, %sub3A : i32
        %dma_wait3A_67 = tpu.memref_slice %arg9[%sub3A_66] : memref<33554432xf32, #tpu.memory_space<hbm>> -> memref<16384xf32, #tpu.memory_space<hbm>>
        %dma_wait3A_68 = tpu.memref_slice %arg9[%sub3A_66] : memref<33554432xf32, #tpu.memory_space<hbm>> -> memref<16384xf32, #tpu.memory_space<hbm>>
        tpu.wait_dma2 semaphore(%arg22 : memref<!tpu.dma_semaphore, #tpu.memory_space<semaphore_mem>>) src(%arg18 : memref<16384xf32, #tpu.memory_space<vmem>>) dst(%dma_wait3A_68 : memref<16384xf32, #tpu.memory_space<hbm>>)
      } else {
      }
      %parallel_loop3A = arith.constant 0 : i32
      %parallel_loop3A_36 = arith.constant 1024 : i32
      %parallel_loop3A_37 = arith.constant 16 : i32
      scf.for %parallel_loop3A_66 = %parallel_loop3A to %parallel_loop3A_36 step %parallel_loop3A_37  : i32 {
        %parallel_loop3A_67 = arith.index_cast %parallel_loop3A_66 : i32 to index
        %parallel_loop3A_68 = tpu.vector_load %arg10[%parallel_loop3A_67] {strides = array<i32>} : memref<1024xi32, #tpu.memory_space<vmem>>, vector<16xi32>,
        %parallel_loop3A_69 = arith.index_cast %parallel_loop3A_66 : i32 to index
        %parallel_loop3A_70 = tpu.vector_load %arg11[%parallel_loop3A_69] {strides = array<i32>} : memref<1024xi32, #tpu.memory_space<vmem>>, vector<16xi32>,
        %parallel_loop3A_71 = arith.index_cast %parallel_loop3A_66 : i32 to index
        %parallel_loop3A_72 = tpu.vector_load %arg12[%parallel_loop3A_71] {strides = array<i32>} : memref<1024xi32, #tpu.memory_space<vmem>>, vector<16xi32>,
        %parallel_loop3A_73 = arith.index_cast %parallel_loop3A_66 : i32 to index
        %parallel_loop3A_74 = tpu.vector_load %arg13[%parallel_loop3A_73] {strides = array<i32>} : memref<1024xi32, #tpu.memory_space<vmem>>, vector<16xi32>,
        %parallel_loop3A_75 = arith.index_cast %parallel_loop3A_66 : i32 to index
        %parallel_loop3A_76 = tpu.vector_load %arg14[%parallel_loop3A_75] {strides = array<i32>} : memref<1024xf32, #tpu.memory_space<vmem>>, vector<16xf32>,
        %parallel_loop3A_77 = arith.index_cast %parallel_loop3A_66 : i32 to index
        %parallel_loop3A_78 = tpu.vector_load %arg15[%parallel_loop3A_77] {strides = array<i32>} : memref<1024xf32, #tpu.memory_space<vmem>>, vector<16xf32>,
        %parallel_loop3A_79 = arith.constant 0 : i32
        %parallel_loop3A_80 = tpu.memref_slice %arg16[%parallel_loop3A_79] : memref<16384xf32, #tpu.memory_space<vmem>> -> memref<2048xf32, #tpu.memory_space<vmem>>
        %parallel_loop3A_81 = tpu.vector_load_idx %parallel_loop3A_80[%parallel_loop3A_68] : memref<2048xf32, #tpu.memory_space<vmem>>[vector<16xi32>], vector<16xf32>,
        %parallel_loop3A_82 = arith.constant 0 : i32
        %parallel_loop3A_83 = tpu.memref_slice %arg16[%parallel_loop3A_82] : memref<16384xf32, #tpu.memory_space<vmem>> -> memref<2048xf32, #tpu.memory_space<vmem>>
        %parallel_loop3A_84 = tpu.vector_load_idx %parallel_loop3A_83[%parallel_loop3A_70] : memref<2048xf32, #tpu.memory_space<vmem>>[vector<16xi32>], vector<16xf32>,
        %parallel_loop3A_85 = arith.mulf %parallel_loop3A_76, %parallel_loop3A_81 : vector<16xf32>
        %parallel_loop3A_86 = arith.mulf %parallel_loop3A_78, %parallel_loop3A_84 : vector<16xf32>
        %parallel_loop3A_87 = arith.subf %parallel_loop3A_85, %parallel_loop3A_86 : vector<16xf32>
        %parallel_loop3A_88 = arith.mulf %parallel_loop3A_76, %parallel_loop3A_84 : vector<16xf32>
        %parallel_loop3A_89 = arith.mulf %parallel_loop3A_78, %parallel_loop3A_81 : vector<16xf32>
        %parallel_loop3A_90 = arith.addf %parallel_loop3A_88, %parallel_loop3A_89 : vector<16xf32>
        %parallel_loop3A_91 = arith.constant 0 : i32
        %parallel_loop3A_92 = tpu.memref_slice %arg18[%parallel_loop3A_91] : memref<16384xf32, #tpu.memory_space<vmem>> -> memref<2048xf32, #tpu.memory_space<vmem>>
        tpu.vector_store_idx %parallel_loop3A_92[%parallel_loop3A_72], %parallel_loop3A_87 : memref<2048xf32, #tpu.memory_space<vmem>>[vector<16xi32>], vector<16xf32>,
        %parallel_loop3A_93 = arith.constant 0 : i32
        %parallel_loop3A_94 = tpu.memref_slice %arg18[%parallel_loop3A_93] : memref<16384xf32, #tpu.memory_space<vmem>> -> memref<2048xf32, #tpu.memory_space<vmem>>
        tpu.vector_store_idx %parallel_loop3A_94[%parallel_loop3A_74], %parallel_loop3A_90 : memref<2048xf32, #tpu.memory_space<vmem>>[vector<16xi32>], vector<16xf32>,
        %parallel_loop3A_95 = arith.constant 2048 : i32
        %parallel_loop3A_96 = tpu.memref_slice %arg16[%parallel_loop3A_95] : memref<16384xf32, #tpu.memory_space<vmem>> -> memref<2048xf32, #tpu.memory_space<vmem>>
        %parallel_loop3A_97 = tpu.vector_load_idx %parallel_loop3A_96[%parallel_loop3A_68] : memref<2048xf32, #tpu.memory_space<vmem>>[vector<16xi32>], vector<16xf32>,
        %parallel_loop3A_98 = arith.constant 2048 : i32
        %parallel_loop3A_99 = tpu.memref_slice %arg16[%parallel_loop3A_98] : memref<16384xf32, #tpu.memory_space<vmem>> -> memref<2048xf32, #tpu.memory_space<vmem>>
        %parallel_loop3A_100 = tpu.vector_load_idx %parallel_loop3A_99[%parallel_loop3A_70] : memref<2048xf32, #tpu.memory_space<vmem>>[vector<16xi32>], vector<16xf32>,
        %parallel_loop3A_101 = arith.mulf %parallel_loop3A_76, %parallel_loop3A_97 : vector<16xf32>
        %parallel_loop3A_102 = arith.mulf %parallel_loop3A_78, %parallel_loop3A_100 : vector<16xf32>
        %parallel_loop3A_103 = arith.subf %parallel_loop3A_101, %parallel_loop3A_102 : vector<16xf32>
        %parallel_loop3A_104 = arith.mulf %parallel_loop3A_76, %parallel_loop3A_100 : vector<16xf32>
        %parallel_loop3A_105 = arith.mulf %parallel_loop3A_78, %parallel_loop3A_97 : vector<16xf32>
        %parallel_loop3A_106 = arith.addf %parallel_loop3A_104, %parallel_loop3A_105 : vector<16xf32>
        %parallel_loop3A_107 = arith.constant 2048 : i32
        %parallel_loop3A_108 = tpu.memref_slice %arg18[%parallel_loop3A_107] : memref<16384xf32, #tpu.memory_space<vmem>> -> memref<2048xf32, #tpu.memory_space<vmem>>
        tpu.vector_store_idx %parallel_loop3A_108[%parallel_loop3A_72], %parallel_loop3A_103 : memref<2048xf32, #tpu.memory_space<vmem>>[vector<16xi32>], vector<16xf32>,
        %parallel_loop3A_109 = arith.constant 2048 : i32
        %parallel_loop3A_110 = tpu.memref_slice %arg18[%parallel_loop3A_109] : memref<16384xf32, #tpu.memory_space<vmem>> -> memref<2048xf32, #tpu.memory_space<vmem>>
        tpu.vector_store_idx %parallel_loop3A_110[%parallel_loop3A_74], %parallel_loop3A_106 : memref<2048xf32, #tpu.memory_space<vmem>>[vector<16xi32>], vector<16xf32>,
        %parallel_loop3A_111 = arith.constant 4096 : i32
        %parallel_loop3A_112 = tpu.memref_slice %arg16[%parallel_loop3A_111] : memref<16384xf32, #tpu.memory_space<vmem>> -> memref<2048xf32, #tpu.memory_space<vmem>>
        %parallel_loop3A_113 = tpu.vector_load_idx %parallel_loop3A_112[%parallel_loop3A_68] : memref<2048xf32, #tpu.memory_space<vmem>>[vector<16xi32>], vector<16xf32>,
        %parallel_loop3A_114 = arith.constant 4096 : i32
        %parallel_loop3A_115 = tpu.memref_slice %arg16[%parallel_loop3A_114] : memref<16384xf32, #tpu.memory_space<vmem>> -> memref<2048xf32, #tpu.memory_space<vmem>>
        %parallel_loop3A_116 = tpu.vector_load_idx %parallel_loop3A_115[%parallel_loop3A_70] : memref<2048xf32, #tpu.memory_space<vmem>>[vector<16xi32>], vector<16xf32>,
        %parallel_loop3A_117 = arith.mulf %parallel_loop3A_76, %parallel_loop3A_113 : vector<16xf32>
        %parallel_loop3A_118 = arith.mulf %parallel_loop3A_78, %parallel_loop3A_116 : vector<16xf32>
        %parallel_loop3A_119 = arith.subf %parallel_loop3A_117, %parallel_loop3A_118 : vector<16xf32>
        %parallel_loop3A_120 = arith.mulf %parallel_loop3A_76, %parallel_loop3A_116 : vector<16xf32>
        %parallel_loop3A_121 = arith.mulf %parallel_loop3A_78, %parallel_loop3A_113 : vector<16xf32>
        %parallel_loop3A_122 = arith.addf %parallel_loop3A_120, %parallel_loop3A_121 : vector<16xf32>
        %parallel_loop3A_123 = arith.constant 4096 : i32
        %parallel_loop3A_124 = tpu.memref_slice %arg18[%parallel_loop3A_123] : memref<16384xf32, #tpu.memory_space<vmem>> -> memref<2048xf32, #tpu.memory_space<vmem>>
        tpu.vector_store_idx %parallel_loop3A_124[%parallel_loop3A_72], %parallel_loop3A_119 : memref<2048xf32, #tpu.memory_space<vmem>>[vector<16xi32>], vector<16xf32>,
        %parallel_loop3A_125 = arith.constant 4096 : i32
        %parallel_loop3A_126 = tpu.memref_slice %arg18[%parallel_loop3A_125] : memref<16384xf32, #tpu.memory_space<vmem>> -> memref<2048xf32, #tpu.memory_space<vmem>>
        tpu.vector_store_idx %parallel_loop3A_126[%parallel_loop3A_74], %parallel_loop3A_122 : memref<2048xf32, #tpu.memory_space<vmem>>[vector<16xi32>], vector<16xf32>,
        %parallel_loop3A_127 = arith.constant 6144 : i32
        %parallel_loop3A_128 = tpu.memref_slice %arg16[%parallel_loop3A_127] : memref<16384xf32, #tpu.memory_space<vmem>> -> memref<2048xf32, #tpu.memory_space<vmem>>
        %parallel_loop3A_129 = tpu.vector_load_idx %parallel_loop3A_128[%parallel_loop3A_68] : memref<2048xf32, #tpu.memory_space<vmem>>[vector<16xi32>], vector<16xf32>,
        %parallel_loop3A_130 = arith.constant 6144 : i32
        %parallel_loop3A_131 = tpu.memref_slice %arg16[%parallel_loop3A_130] : memref<16384xf32, #tpu.memory_space<vmem>> -> memref<2048xf32, #tpu.memory_space<vmem>>
        %parallel_loop3A_132 = tpu.vector_load_idx %parallel_loop3A_131[%parallel_loop3A_70] : memref<2048xf32, #tpu.memory_space<vmem>>[vector<16xi32>], vector<16xf32>,
        %parallel_loop3A_133 = arith.mulf %parallel_loop3A_76, %parallel_loop3A_129 : vector<16xf32>
        %parallel_loop3A_134 = arith.mulf %parallel_loop3A_78, %parallel_loop3A_132 : vector<16xf32>
        %parallel_loop3A_135 = arith.subf %parallel_loop3A_133, %parallel_loop3A_134 : vector<16xf32>
        %parallel_loop3A_136 = arith.mulf %parallel_loop3A_76, %parallel_loop3A_132 : vector<16xf32>
        %parallel_loop3A_137 = arith.mulf %parallel_loop3A_78, %parallel_loop3A_129 : vector<16xf32>
        %parallel_loop3A_138 = arith.addf %parallel_loop3A_136, %parallel_loop3A_137 : vector<16xf32>
        %parallel_loop3A_139 = arith.constant 6144 : i32
        %parallel_loop3A_140 = tpu.memref_slice %arg18[%parallel_loop3A_139] : memref<16384xf32, #tpu.memory_space<vmem>> -> memref<2048xf32, #tpu.memory_space<vmem>>
        tpu.vector_store_idx %parallel_loop3A_140[%parallel_loop3A_72], %parallel_loop3A_135 : memref<2048xf32, #tpu.memory_space<vmem>>[vector<16xi32>], vector<16xf32>,
        %parallel_loop3A_141 = arith.constant 6144 : i32
        %parallel_loop3A_142 = tpu.memref_slice %arg18[%parallel_loop3A_141] : memref<16384xf32, #tpu.memory_space<vmem>> -> memref<2048xf32, #tpu.memory_space<vmem>>
        tpu.vector_store_idx %parallel_loop3A_142[%parallel_loop3A_74], %parallel_loop3A_138 : memref<2048xf32, #tpu.memory_space<vmem>>[vector<16xi32>], vector<16xf32>,
        %parallel_loop3A_143 = arith.constant 8192 : i32
        %parallel_loop3A_144 = tpu.memref_slice %arg16[%parallel_loop3A_143] : memref<16384xf32, #tpu.memory_space<vmem>> -> memref<2048xf32, #tpu.memory_space<vmem>>
        %parallel_loop3A_145 = tpu.vector_load_idx %parallel_loop3A_144[%parallel_loop3A_68] : memref<2048xf32, #tpu.memory_space<vmem>>[vector<16xi32>], vector<16xf32>,
        %parallel_loop3A_146 = arith.constant 8192 : i32
        %parallel_loop3A_147 = tpu.memref_slice %arg16[%parallel_loop3A_146] : memref<16384xf32, #tpu.memory_space<vmem>> -> memref<2048xf32, #tpu.memory_space<vmem>>
        %parallel_loop3A_148 = tpu.vector_load_idx %parallel_loop3A_147[%parallel_loop3A_70] : memref<2048xf32, #tpu.memory_space<vmem>>[vector<16xi32>], vector<16xf32>,
        %parallel_loop3A_149 = arith.mulf %parallel_loop3A_76, %parallel_loop3A_145 : vector<16xf32>
        %parallel_loop3A_150 = arith.mulf %parallel_loop3A_78, %parallel_loop3A_148 : vector<16xf32>
        %parallel_loop3A_151 = arith.subf %parallel_loop3A_149, %parallel_loop3A_150 : vector<16xf32>
        %parallel_loop3A_152 = arith.mulf %parallel_loop3A_76, %parallel_loop3A_148 : vector<16xf32>
        %parallel_loop3A_153 = arith.mulf %parallel_loop3A_78, %parallel_loop3A_145 : vector<16xf32>
        %parallel_loop3A_154 = arith.addf %parallel_loop3A_152, %parallel_loop3A_153 : vector<16xf32>
        %parallel_loop3A_155 = arith.constant 8192 : i32
        %parallel_loop3A_156 = tpu.memref_slice %arg18[%parallel_loop3A_155] : memref<16384xf32, #tpu.memory_space<vmem>> -> memref<2048xf32, #tpu.memory_space<vmem>>
        tpu.vector_store_idx %parallel_loop3A_156[%parallel_loop3A_72], %parallel_loop3A_151 : memref<2048xf32, #tpu.memory_space<vmem>>[vector<16xi32>], vector<16xf32>,
        %parallel_loop3A_157 = arith.constant 8192 : i32
        %parallel_loop3A_158 = tpu.memref_slice %arg18[%parallel_loop3A_157] : memref<16384xf32, #tpu.memory_space<vmem>> -> memref<2048xf32, #tpu.memory_space<vmem>>
        tpu.vector_store_idx %parallel_loop3A_158[%parallel_loop3A_74], %parallel_loop3A_154 : memref<2048xf32, #tpu.memory_space<vmem>>[vector<16xi32>], vector<16xf32>,
        %parallel_loop3A_159 = arith.constant 10240 : i32
        %parallel_loop3A_160 = tpu.memref_slice %arg16[%parallel_loop3A_159] : memref<16384xf32, #tpu.memory_space<vmem>> -> memref<2048xf32, #tpu.memory_space<vmem>>
        %parallel_loop3A_161 = tpu.vector_load_idx %parallel_loop3A_160[%parallel_loop3A_68] : memref<2048xf32, #tpu.memory_space<vmem>>[vector<16xi32>], vector<16xf32>,
        %parallel_loop3A_162 = arith.constant 10240 : i32
        %parallel_loop3A_163 = tpu.memref_slice %arg16[%parallel_loop3A_162] : memref<16384xf32, #tpu.memory_space<vmem>> -> memref<2048xf32, #tpu.memory_space<vmem>>
        %parallel_loop3A_164 = tpu.vector_load_idx %parallel_loop3A_163[%parallel_loop3A_70] : memref<2048xf32, #tpu.memory_space<vmem>>[vector<16xi32>], vector<16xf32>,
        %parallel_loop3A_165 = arith.mulf %parallel_loop3A_76, %parallel_loop3A_161 : vector<16xf32>
        %parallel_loop3A_166 = arith.mulf %parallel_loop3A_78, %parallel_loop3A_164 : vector<16xf32>
        %parallel_loop3A_167 = arith.subf %parallel_loop3A_165, %parallel_loop3A_166 : vector<16xf32>
        %parallel_loop3A_168 = arith.mulf %parallel_loop3A_76, %parallel_loop3A_164 : vector<16xf32>
        %parallel_loop3A_169 = arith.mulf %parallel_loop3A_78, %parallel_loop3A_161 : vector<16xf32>
        %parallel_loop3A_170 = arith.addf %parallel_loop3A_168, %parallel_loop3A_169 : vector<16xf32>
        %parallel_loop3A_171 = arith.constant 10240 : i32
        %parallel_loop3A_172 = tpu.memref_slice %arg18[%parallel_loop3A_171] : memref<16384xf32, #tpu.memory_space<vmem>> -> memref<2048xf32, #tpu.memory_space<vmem>>
        tpu.vector_store_idx %parallel_loop3A_172[%parallel_loop3A_72], %parallel_loop3A_167 : memref<2048xf32, #tpu.memory_space<vmem>>[vector<16xi32>], vector<16xf32>,
        %parallel_loop3A_173 = arith.constant 10240 : i32
        %parallel_loop3A_174 = tpu.memref_slice %arg18[%parallel_loop3A_173] : memref<16384xf32, #tpu.memory_space<vmem>> -> memref<2048xf32, #tpu.memory_space<vmem>>
        tpu.vector_store_idx %parallel_loop3A_174[%parallel_loop3A_74], %parallel_loop3A_170 : memref<2048xf32, #tpu.memory_space<vmem>>[vector<16xi32>], vector<16xf32>,
        %parallel_loop3A_175 = arith.constant 12288 : i32
        %parallel_loop3A_176 = tpu.memref_slice %arg16[%parallel_loop3A_175] : memref<16384xf32, #tpu.memory_space<vmem>> -> memref<2048xf32, #tpu.memory_space<vmem>>
        %parallel_loop3A_177 = tpu.vector_load_idx %parallel_loop3A_176[%parallel_loop3A_68] : memref<2048xf32, #tpu.memory_space<vmem>>[vector<16xi32>], vector<16xf32>,
        %parallel_loop3A_178 = arith.constant 12288 : i32
        %parallel_loop3A_179 = tpu.memref_slice %arg16[%parallel_loop3A_178] : memref<16384xf32, #tpu.memory_space<vmem>> -> memref<2048xf32, #tpu.memory_space<vmem>>
        %parallel_loop3A_180 = tpu.vector_load_idx %parallel_loop3A_179[%parallel_loop3A_70] : memref<2048xf32, #tpu.memory_space<vmem>>[vector<16xi32>], vector<16xf32>,
        %parallel_loop3A_181 = arith.mulf %parallel_loop3A_76, %parallel_loop3A_177 : vector<16xf32>
        %parallel_loop3A_182 = arith.mulf %parallel_loop3A_78, %parallel_loop3A_180 : vector<16xf32>
        %parallel_loop3A_183 = arith.subf %parallel_loop3A_181, %parallel_loop3A_182 : vector<16xf32>
        %parallel_loop3A_184 = arith.mulf %parallel_loop3A_76, %parallel_loop3A_180 : vector<16xf32>
        %parallel_loop3A_185 = arith.mulf %parallel_loop3A_78, %parallel_loop3A_177 : vector<16xf32>
        %parallel_loop3A_186 = arith.addf %parallel_loop3A_184, %parallel_loop3A_185 : vector<16xf32>
        %parallel_loop3A_187 = arith.constant 12288 : i32
        %parallel_loop3A_188 = tpu.memref_slice %arg18[%parallel_loop3A_187] : memref<16384xf32, #tpu.memory_space<vmem>> -> memref<2048xf32, #tpu.memory_space<vmem>>
        tpu.vector_store_idx %parallel_loop3A_188[%parallel_loop3A_72], %parallel_loop3A_183 : memref<2048xf32, #tpu.memory_space<vmem>>[vector<16xi32>], vector<16xf32>,
        %parallel_loop3A_189 = arith.constant 12288 : i32
        %parallel_loop3A_190 = tpu.memref_slice %arg18[%parallel_loop3A_189] : memref<16384xf32, #tpu.memory_space<vmem>> -> memref<2048xf32, #tpu.memory_space<vmem>>
        tpu.vector_store_idx %parallel_loop3A_190[%parallel_loop3A_74], %parallel_loop3A_186 : memref<2048xf32, #tpu.memory_space<vmem>>[vector<16xi32>], vector<16xf32>,
        %parallel_loop3A_191 = arith.constant 14336 : i32
        %parallel_loop3A_192 = tpu.memref_slice %arg16[%parallel_loop3A_191] : memref<16384xf32, #tpu.memory_space<vmem>> -> memref<2048xf32, #tpu.memory_space<vmem>>
        %parallel_loop3A_193 = tpu.vector_load_idx %parallel_loop3A_192[%parallel_loop3A_68] : memref<2048xf32, #tpu.memory_space<vmem>>[vector<16xi32>], vector<16xf32>,
        %parallel_loop3A_194 = arith.constant 14336 : i32
        %parallel_loop3A_195 = tpu.memref_slice %arg16[%parallel_loop3A_194] : memref<16384xf32, #tpu.memory_space<vmem>> -> memref<2048xf32, #tpu.memory_space<vmem>>
        %parallel_loop3A_196 = tpu.vector_load_idx %parallel_loop3A_195[%parallel_loop3A_70] : memref<2048xf32, #tpu.memory_space<vmem>>[vector<16xi32>], vector<16xf32>,
        %parallel_loop3A_197 = arith.mulf %parallel_loop3A_76, %parallel_loop3A_193 : vector<16xf32>
        %parallel_loop3A_198 = arith.mulf %parallel_loop3A_78, %parallel_loop3A_196 : vector<16xf32>
        %parallel_loop3A_199 = arith.subf %parallel_loop3A_197, %parallel_loop3A_198 : vector<16xf32>
        %parallel_loop3A_200 = arith.mulf %parallel_loop3A_76, %parallel_loop3A_196 : vector<16xf32>
        %parallel_loop3A_201 = arith.mulf %parallel_loop3A_78, %parallel_loop3A_193 : vector<16xf32>
        %parallel_loop3A_202 = arith.addf %parallel_loop3A_200, %parallel_loop3A_201 : vector<16xf32>
        %parallel_loop3A_203 = arith.constant 14336 : i32
        %parallel_loop3A_204 = tpu.memref_slice %arg18[%parallel_loop3A_203] : memref<16384xf32, #tpu.memory_space<vmem>> -> memref<2048xf32, #tpu.memory_space<vmem>>
        tpu.vector_store_idx %parallel_loop3A_204[%parallel_loop3A_72], %parallel_loop3A_199 : memref<2048xf32, #tpu.memory_space<vmem>>[vector<16xi32>], vector<16xf32>,
        %parallel_loop3A_205 = arith.constant 14336 : i32
        %parallel_loop3A_206 = tpu.memref_slice %arg18[%parallel_loop3A_205] : memref<16384xf32, #tpu.memory_space<vmem>> -> memref<2048xf32, #tpu.memory_space<vmem>>
        tpu.vector_store_idx %parallel_loop3A_206[%parallel_loop3A_74], %parallel_loop3A_202 : memref<2048xf32, #tpu.memory_space<vmem>>[vector<16xi32>], vector<16xf32>,
      } {sc.loop_unroll_factor = 4 : i64, sc.parallel_access}
      %dma_start3A_38 = tpu.memref_slice %arg9[%add3A_25] : memref<33554432xf32, #tpu.memory_space<hbm>> -> memref<16384xf32, #tpu.memory_space<hbm>>
      %dma_start3A_39 = tpu.memref_slice %arg9[%add3A_25] : memref<33554432xf32, #tpu.memory_space<hbm>> -> memref<16384xf32, #tpu.memory_space<hbm>>
      tpu.enqueue_dma source(%arg18 : memref<16384xf32, #tpu.memory_space<vmem>>) target(%dma_start3A_39 : memref<16384xf32, #tpu.memory_space<hbm>>) target_semaphore(%arg22 : memref<!tpu.dma_semaphore, #tpu.memory_space<semaphore_mem>>)
      %mul3A_40 = arith.constant 2 : i32
      %mul3A_41 = arith.muli %scan3A_18, %mul3A_40 : i32
      %add3A_42 = arith.constant 1 : i32
      %add3A_43 = arith.addi %mul3A_41, %add3A_42 : i32
      %mul3A_44 = arith.constant 16384 : i32
      %mul3A_45 = arith.muli %add3A_43, %mul3A_44 : i32
      %add3A_46 = arith.addi %mul3A_4, %mul3A_45 : i32
      %add3A_47 = arith.constant 1 : i32
      %add3A_48 = arith.addi %add3A_43, %add3A_47 : i32
      %lt3A_49 = arith.constant 64 : i32
      %lt3A_50 = arith.cmpi slt, %add3A_48, %lt3A_49 : i32
      %convert_element_type3A_51 = arith.extui %lt3A_50 : i1 to i32
      %cond3A_52 = arith.constant 0 : i32
      %cond3A_53 = arith.cmpi ne, %convert_element_type3A_51, %cond3A_52 : i32
      scf.if %cond3A_53 {
        %add3A_66 = arith.constant 16384 : i32
        %add3A_67 = arith.addi %add3A_46, %add3A_66 : i32
        %dma_start3A_68 = tpu.memref_slice %arg2[%add3A_67] : memref<33554432xf32, #tpu.memory_space<hbm>> -> memref<16384xf32, #tpu.memory_space<hbm>>
        %dma_start3A_69 = tpu.memref_slice %arg2[%add3A_67] : memref<33554432xf32, #tpu.memory_space<hbm>> -> memref<16384xf32, #tpu.memory_space<hbm>>
        tpu.enqueue_dma source(%dma_start3A_69 : memref<16384xf32, #tpu.memory_space<hbm>>) target(%arg16 : memref<16384xf32, #tpu.memory_space<vmem>>) target_semaphore(%arg20 : memref<!tpu.dma_semaphore, #tpu.memory_space<semaphore_mem>>)
      } else {
      }
      %dma_wait3A_54 = tpu.memref_slice %arg2[%add3A_46] : memref<33554432xf32, #tpu.memory_space<hbm>> -> memref<16384xf32, #tpu.memory_space<hbm>>
      %dma_wait3A_55 = tpu.memref_slice %arg2[%add3A_46] : memref<33554432xf32, #tpu.memory_space<hbm>> -> memref<16384xf32, #tpu.memory_space<hbm>>
      tpu.wait_dma2 semaphore(%arg21 : memref<!tpu.dma_semaphore, #tpu.memory_space<semaphore_mem>>) src(%dma_wait3A_55 : memref<16384xf32, #tpu.memory_space<hbm>>) dst(%arg17 : memref<16384xf32, #tpu.memory_space<vmem>>)
      %gt3A_56 = arith.constant 0 : i32
      %gt3A_57 = arith.cmpi sgt, %scan3A_18, %gt3A_56 : i32
      %convert_element_type3A_58 = arith.extui %gt3A_57 : i1 to i32
      %cond3A_59 = arith.constant 0 : i32
      %cond3A_60 = arith.cmpi ne, %convert_element_type3A_58, %cond3A_59 : i32
      scf.if %cond3A_60 {
        %sub3A = arith.constant 32768 : i32
        %sub3A_66 = arith.subi %add3A_46, %sub3A : i32
        %dma_wait3A_67 = tpu.memref_slice %arg9[%sub3A_66] : memref<33554432xf32, #tpu.memory_space<hbm>> -> memref<16384xf32, #tpu.memory_space<hbm>>
        %dma_wait3A_68 = tpu.memref_slice %arg9[%sub3A_66] : memref<33554432xf32, #tpu.memory_space<hbm>> -> memref<16384xf32, #tpu.memory_space<hbm>>
        tpu.wait_dma2 semaphore(%arg23 : memref<!tpu.dma_semaphore, #tpu.memory_space<semaphore_mem>>) src(%arg19 : memref<16384xf32, #tpu.memory_space<vmem>>) dst(%dma_wait3A_68 : memref<16384xf32, #tpu.memory_space<hbm>>)
      } else {
      }
      %parallel_loop3A_61 = arith.constant 0 : i32
      %parallel_loop3A_62 = arith.constant 1024 : i32
      %parallel_loop3A_63 = arith.constant 16 : i32
      scf.for %parallel_loop3A_66 = %parallel_loop3A_61 to %parallel_loop3A_62 step %parallel_loop3A_63  : i32 {
        %parallel_loop3A_67 = arith.index_cast %parallel_loop3A_66 : i32 to index
        %parallel_loop3A_68 = tpu.vector_load %arg10[%parallel_loop3A_67] {strides = array<i32>} : memref<1024xi32, #tpu.memory_space<vmem>>, vector<16xi32>,
        %parallel_loop3A_69 = arith.index_cast %parallel_loop3A_66 : i32 to index
        %parallel_loop3A_70 = tpu.vector_load %arg11[%parallel_loop3A_69] {strides = array<i32>} : memref<1024xi32, #tpu.memory_space<vmem>>, vector<16xi32>,
        %parallel_loop3A_71 = arith.index_cast %parallel_loop3A_66 : i32 to index
        %parallel_loop3A_72 = tpu.vector_load %arg12[%parallel_loop3A_71] {strides = array<i32>} : memref<1024xi32, #tpu.memory_space<vmem>>, vector<16xi32>,
        %parallel_loop3A_73 = arith.index_cast %parallel_loop3A_66 : i32 to index
        %parallel_loop3A_74 = tpu.vector_load %arg13[%parallel_loop3A_73] {strides = array<i32>} : memref<1024xi32, #tpu.memory_space<vmem>>, vector<16xi32>,
        %parallel_loop3A_75 = arith.index_cast %parallel_loop3A_66 : i32 to index
        %parallel_loop3A_76 = tpu.vector_load %arg14[%parallel_loop3A_75] {strides = array<i32>} : memref<1024xf32, #tpu.memory_space<vmem>>, vector<16xf32>,
        %parallel_loop3A_77 = arith.index_cast %parallel_loop3A_66 : i32 to index
        %parallel_loop3A_78 = tpu.vector_load %arg15[%parallel_loop3A_77] {strides = array<i32>} : memref<1024xf32, #tpu.memory_space<vmem>>, vector<16xf32>,
        %parallel_loop3A_79 = arith.constant 0 : i32
        %parallel_loop3A_80 = tpu.memref_slice %arg17[%parallel_loop3A_79] : memref<16384xf32, #tpu.memory_space<vmem>> -> memref<2048xf32, #tpu.memory_space<vmem>>
        %parallel_loop3A_81 = tpu.vector_load_idx %parallel_loop3A_80[%parallel_loop3A_68] : memref<2048xf32, #tpu.memory_space<vmem>>[vector<16xi32>], vector<16xf32>,
        %parallel_loop3A_82 = arith.constant 0 : i32
        %parallel_loop3A_83 = tpu.memref_slice %arg17[%parallel_loop3A_82] : memref<16384xf32, #tpu.memory_space<vmem>> -> memref<2048xf32, #tpu.memory_space<vmem>>
        %parallel_loop3A_84 = tpu.vector_load_idx %parallel_loop3A_83[%parallel_loop3A_70] : memref<2048xf32, #tpu.memory_space<vmem>>[vector<16xi32>], vector<16xf32>,
        %parallel_loop3A_85 = arith.mulf %parallel_loop3A_76, %parallel_loop3A_81 : vector<16xf32>
        %parallel_loop3A_86 = arith.mulf %parallel_loop3A_78, %parallel_loop3A_84 : vector<16xf32>
        %parallel_loop3A_87 = arith.subf %parallel_loop3A_85, %parallel_loop3A_86 : vector<16xf32>
        %parallel_loop3A_88 = arith.mulf %parallel_loop3A_76, %parallel_loop3A_84 : vector<16xf32>
        %parallel_loop3A_89 = arith.mulf %parallel_loop3A_78, %parallel_loop3A_81 : vector<16xf32>
        %parallel_loop3A_90 = arith.addf %parallel_loop3A_88, %parallel_loop3A_89 : vector<16xf32>
        %parallel_loop3A_91 = arith.constant 0 : i32
        %parallel_loop3A_92 = tpu.memref_slice %arg19[%parallel_loop3A_91] : memref<16384xf32, #tpu.memory_space<vmem>> -> memref<2048xf32, #tpu.memory_space<vmem>>
        tpu.vector_store_idx %parallel_loop3A_92[%parallel_loop3A_72], %parallel_loop3A_87 : memref<2048xf32, #tpu.memory_space<vmem>>[vector<16xi32>], vector<16xf32>,
        %parallel_loop3A_93 = arith.constant 0 : i32
        %parallel_loop3A_94 = tpu.memref_slice %arg19[%parallel_loop3A_93] : memref<16384xf32, #tpu.memory_space<vmem>> -> memref<2048xf32, #tpu.memory_space<vmem>>
        tpu.vector_store_idx %parallel_loop3A_94[%parallel_loop3A_74], %parallel_loop3A_90 : memref<2048xf32, #tpu.memory_space<vmem>>[vector<16xi32>], vector<16xf32>,
        %parallel_loop3A_95 = arith.constant 2048 : i32
        %parallel_loop3A_96 = tpu.memref_slice %arg17[%parallel_loop3A_95] : memref<16384xf32, #tpu.memory_space<vmem>> -> memref<2048xf32, #tpu.memory_space<vmem>>
        %parallel_loop3A_97 = tpu.vector_load_idx %parallel_loop3A_96[%parallel_loop3A_68] : memref<2048xf32, #tpu.memory_space<vmem>>[vector<16xi32>], vector<16xf32>,
        %parallel_loop3A_98 = arith.constant 2048 : i32
        %parallel_loop3A_99 = tpu.memref_slice %arg17[%parallel_loop3A_98] : memref<16384xf32, #tpu.memory_space<vmem>> -> memref<2048xf32, #tpu.memory_space<vmem>>
        %parallel_loop3A_100 = tpu.vector_load_idx %parallel_loop3A_99[%parallel_loop3A_70] : memref<2048xf32, #tpu.memory_space<vmem>>[vector<16xi32>], vector<16xf32>,
        %parallel_loop3A_101 = arith.mulf %parallel_loop3A_76, %parallel_loop3A_97 : vector<16xf32>
        %parallel_loop3A_102 = arith.mulf %parallel_loop3A_78, %parallel_loop3A_100 : vector<16xf32>
        %parallel_loop3A_103 = arith.subf %parallel_loop3A_101, %parallel_loop3A_102 : vector<16xf32>
        %parallel_loop3A_104 = arith.mulf %parallel_loop3A_76, %parallel_loop3A_100 : vector<16xf32>
        %parallel_loop3A_105 = arith.mulf %parallel_loop3A_78, %parallel_loop3A_97 : vector<16xf32>
        %parallel_loop3A_106 = arith.addf %parallel_loop3A_104, %parallel_loop3A_105 : vector<16xf32>
        %parallel_loop3A_107 = arith.constant 2048 : i32
        %parallel_loop3A_108 = tpu.memref_slice %arg19[%parallel_loop3A_107] : memref<16384xf32, #tpu.memory_space<vmem>> -> memref<2048xf32, #tpu.memory_space<vmem>>
        tpu.vector_store_idx %parallel_loop3A_108[%parallel_loop3A_72], %parallel_loop3A_103 : memref<2048xf32, #tpu.memory_space<vmem>>[vector<16xi32>], vector<16xf32>,
        %parallel_loop3A_109 = arith.constant 2048 : i32
        %parallel_loop3A_110 = tpu.memref_slice %arg19[%parallel_loop3A_109] : memref<16384xf32, #tpu.memory_space<vmem>> -> memref<2048xf32, #tpu.memory_space<vmem>>
        tpu.vector_store_idx %parallel_loop3A_110[%parallel_loop3A_74], %parallel_loop3A_106 : memref<2048xf32, #tpu.memory_space<vmem>>[vector<16xi32>], vector<16xf32>,
        %parallel_loop3A_111 = arith.constant 4096 : i32
        %parallel_loop3A_112 = tpu.memref_slice %arg17[%parallel_loop3A_111] : memref<16384xf32, #tpu.memory_space<vmem>> -> memref<2048xf32, #tpu.memory_space<vmem>>
        %parallel_loop3A_113 = tpu.vector_load_idx %parallel_loop3A_112[%parallel_loop3A_68] : memref<2048xf32, #tpu.memory_space<vmem>>[vector<16xi32>], vector<16xf32>,
        %parallel_loop3A_114 = arith.constant 4096 : i32
        %parallel_loop3A_115 = tpu.memref_slice %arg17[%parallel_loop3A_114] : memref<16384xf32, #tpu.memory_space<vmem>> -> memref<2048xf32, #tpu.memory_space<vmem>>
        %parallel_loop3A_116 = tpu.vector_load_idx %parallel_loop3A_115[%parallel_loop3A_70] : memref<2048xf32, #tpu.memory_space<vmem>>[vector<16xi32>], vector<16xf32>,
        %parallel_loop3A_117 = arith.mulf %parallel_loop3A_76, %parallel_loop3A_113 : vector<16xf32>
        %parallel_loop3A_118 = arith.mulf %parallel_loop3A_78, %parallel_loop3A_116 : vector<16xf32>
        %parallel_loop3A_119 = arith.subf %parallel_loop3A_117, %parallel_loop3A_118 : vector<16xf32>
        %parallel_loop3A_120 = arith.mulf %parallel_loop3A_76, %parallel_loop3A_116 : vector<16xf32>
        %parallel_loop3A_121 = arith.mulf %parallel_loop3A_78, %parallel_loop3A_113 : vector<16xf32>
        %parallel_loop3A_122 = arith.addf %parallel_loop3A_120, %parallel_loop3A_121 : vector<16xf32>
        %parallel_loop3A_123 = arith.constant 4096 : i32
        %parallel_loop3A_124 = tpu.memref_slice %arg19[%parallel_loop3A_123] : memref<16384xf32, #tpu.memory_space<vmem>> -> memref<2048xf32, #tpu.memory_space<vmem>>
        tpu.vector_store_idx %parallel_loop3A_124[%parallel_loop3A_72], %parallel_loop3A_119 : memref<2048xf32, #tpu.memory_space<vmem>>[vector<16xi32>], vector<16xf32>,
        %parallel_loop3A_125 = arith.constant 4096 : i32
        %parallel_loop3A_126 = tpu.memref_slice %arg19[%parallel_loop3A_125] : memref<16384xf32, #tpu.memory_space<vmem>> -> memref<2048xf32, #tpu.memory_space<vmem>>
        tpu.vector_store_idx %parallel_loop3A_126[%parallel_loop3A_74], %parallel_loop3A_122 : memref<2048xf32, #tpu.memory_space<vmem>>[vector<16xi32>], vector<16xf32>,
        %parallel_loop3A_127 = arith.constant 6144 : i32
        %parallel_loop3A_128 = tpu.memref_slice %arg17[%parallel_loop3A_127] : memref<16384xf32, #tpu.memory_space<vmem>> -> memref<2048xf32, #tpu.memory_space<vmem>>
        %parallel_loop3A_129 = tpu.vector_load_idx %parallel_loop3A_128[%parallel_loop3A_68] : memref<2048xf32, #tpu.memory_space<vmem>>[vector<16xi32>], vector<16xf32>,
        %parallel_loop3A_130 = arith.constant 6144 : i32
        %parallel_loop3A_131 = tpu.memref_slice %arg17[%parallel_loop3A_130] : memref<16384xf32, #tpu.memory_space<vmem>> -> memref<2048xf32, #tpu.memory_space<vmem>>
        %parallel_loop3A_132 = tpu.vector_load_idx %parallel_loop3A_131[%parallel_loop3A_70] : memref<2048xf32, #tpu.memory_space<vmem>>[vector<16xi32>], vector<16xf32>,
        %parallel_loop3A_133 = arith.mulf %parallel_loop3A_76, %parallel_loop3A_129 : vector<16xf32>
        %parallel_loop3A_134 = arith.mulf %parallel_loop3A_78, %parallel_loop3A_132 : vector<16xf32>
        %parallel_loop3A_135 = arith.subf %parallel_loop3A_133, %parallel_loop3A_134 : vector<16xf32>
        %parallel_loop3A_136 = arith.mulf %parallel_loop3A_76, %parallel_loop3A_132 : vector<16xf32>
        %parallel_loop3A_137 = arith.mulf %parallel_loop3A_78, %parallel_loop3A_129 : vector<16xf32>
        %parallel_loop3A_138 = arith.addf %parallel_loop3A_136, %parallel_loop3A_137 : vector<16xf32>
        %parallel_loop3A_139 = arith.constant 6144 : i32
        %parallel_loop3A_140 = tpu.memref_slice %arg19[%parallel_loop3A_139] : memref<16384xf32, #tpu.memory_space<vmem>> -> memref<2048xf32, #tpu.memory_space<vmem>>
        tpu.vector_store_idx %parallel_loop3A_140[%parallel_loop3A_72], %parallel_loop3A_135 : memref<2048xf32, #tpu.memory_space<vmem>>[vector<16xi32>], vector<16xf32>,
        %parallel_loop3A_141 = arith.constant 6144 : i32
        %parallel_loop3A_142 = tpu.memref_slice %arg19[%parallel_loop3A_141] : memref<16384xf32, #tpu.memory_space<vmem>> -> memref<2048xf32, #tpu.memory_space<vmem>>
        tpu.vector_store_idx %parallel_loop3A_142[%parallel_loop3A_74], %parallel_loop3A_138 : memref<2048xf32, #tpu.memory_space<vmem>>[vector<16xi32>], vector<16xf32>,
        %parallel_loop3A_143 = arith.constant 8192 : i32
        %parallel_loop3A_144 = tpu.memref_slice %arg17[%parallel_loop3A_143] : memref<16384xf32, #tpu.memory_space<vmem>> -> memref<2048xf32, #tpu.memory_space<vmem>>
        %parallel_loop3A_145 = tpu.vector_load_idx %parallel_loop3A_144[%parallel_loop3A_68] : memref<2048xf32, #tpu.memory_space<vmem>>[vector<16xi32>], vector<16xf32>,
        %parallel_loop3A_146 = arith.constant 8192 : i32
        %parallel_loop3A_147 = tpu.memref_slice %arg17[%parallel_loop3A_146] : memref<16384xf32, #tpu.memory_space<vmem>> -> memref<2048xf32, #tpu.memory_space<vmem>>
        %parallel_loop3A_148 = tpu.vector_load_idx %parallel_loop3A_147[%parallel_loop3A_70] : memref<2048xf32, #tpu.memory_space<vmem>>[vector<16xi32>], vector<16xf32>,
        %parallel_loop3A_149 = arith.mulf %parallel_loop3A_76, %parallel_loop3A_145 : vector<16xf32>
        %parallel_loop3A_150 = arith.mulf %parallel_loop3A_78, %parallel_loop3A_148 : vector<16xf32>
        %parallel_loop3A_151 = arith.subf %parallel_loop3A_149, %parallel_loop3A_150 : vector<16xf32>
        %parallel_loop3A_152 = arith.mulf %parallel_loop3A_76, %parallel_loop3A_148 : vector<16xf32>
        %parallel_loop3A_153 = arith.mulf %parallel_loop3A_78, %parallel_loop3A_145 : vector<16xf32>
        %parallel_loop3A_154 = arith.addf %parallel_loop3A_152, %parallel_loop3A_153 : vector<16xf32>
        %parallel_loop3A_155 = arith.constant 8192 : i32
        %parallel_loop3A_156 = tpu.memref_slice %arg19[%parallel_loop3A_155] : memref<16384xf32, #tpu.memory_space<vmem>> -> memref<2048xf32, #tpu.memory_space<vmem>>
        tpu.vector_store_idx %parallel_loop3A_156[%parallel_loop3A_72], %parallel_loop3A_151 : memref<2048xf32, #tpu.memory_space<vmem>>[vector<16xi32>], vector<16xf32>,
        %parallel_loop3A_157 = arith.constant 8192 : i32
        %parallel_loop3A_158 = tpu.memref_slice %arg19[%parallel_loop3A_157] : memref<16384xf32, #tpu.memory_space<vmem>> -> memref<2048xf32, #tpu.memory_space<vmem>>
        tpu.vector_store_idx %parallel_loop3A_158[%parallel_loop3A_74], %parallel_loop3A_154 : memref<2048xf32, #tpu.memory_space<vmem>>[vector<16xi32>], vector<16xf32>,
        %parallel_loop3A_159 = arith.constant 10240 : i32
        %parallel_loop3A_160 = tpu.memref_slice %arg17[%parallel_loop3A_159] : memref<16384xf32, #tpu.memory_space<vmem>> -> memref<2048xf32, #tpu.memory_space<vmem>>
        %parallel_loop3A_161 = tpu.vector_load_idx %parallel_loop3A_160[%parallel_loop3A_68] : memref<2048xf32, #tpu.memory_space<vmem>>[vector<16xi32>], vector<16xf32>,
        %parallel_loop3A_162 = arith.constant 10240 : i32
        %parallel_loop3A_163 = tpu.memref_slice %arg17[%parallel_loop3A_162] : memref<16384xf32, #tpu.memory_space<vmem>> -> memref<2048xf32, #tpu.memory_space<vmem>>
        %parallel_loop3A_164 = tpu.vector_load_idx %parallel_loop3A_163[%parallel_loop3A_70] : memref<2048xf32, #tpu.memory_space<vmem>>[vector<16xi32>], vector<16xf32>,
        %parallel_loop3A_165 = arith.mulf %parallel_loop3A_76, %parallel_loop3A_161 : vector<16xf32>
        %parallel_loop3A_166 = arith.mulf %parallel_loop3A_78, %parallel_loop3A_164 : vector<16xf32>
        %parallel_loop3A_167 = arith.subf %parallel_loop3A_165, %parallel_loop3A_166 : vector<16xf32>
        %parallel_loop3A_168 = arith.mulf %parallel_loop3A_76, %parallel_loop3A_164 : vector<16xf32>
        %parallel_loop3A_169 = arith.mulf %parallel_loop3A_78, %parallel_loop3A_161 : vector<16xf32>
        %parallel_loop3A_170 = arith.addf %parallel_loop3A_168, %parallel_loop3A_169 : vector<16xf32>
        %parallel_loop3A_171 = arith.constant 10240 : i32
        %parallel_loop3A_172 = tpu.memref_slice %arg19[%parallel_loop3A_171] : memref<16384xf32, #tpu.memory_space<vmem>> -> memref<2048xf32, #tpu.memory_space<vmem>>
        tpu.vector_store_idx %parallel_loop3A_172[%parallel_loop3A_72], %parallel_loop3A_167 : memref<2048xf32, #tpu.memory_space<vmem>>[vector<16xi32>], vector<16xf32>,
        %parallel_loop3A_173 = arith.constant 10240 : i32
        %parallel_loop3A_174 = tpu.memref_slice %arg19[%parallel_loop3A_173] : memref<16384xf32, #tpu.memory_space<vmem>> -> memref<2048xf32, #tpu.memory_space<vmem>>
        tpu.vector_store_idx %parallel_loop3A_174[%parallel_loop3A_74], %parallel_loop3A_170 : memref<2048xf32, #tpu.memory_space<vmem>>[vector<16xi32>], vector<16xf32>,
        %parallel_loop3A_175 = arith.constant 12288 : i32
        %parallel_loop3A_176 = tpu.memref_slice %arg17[%parallel_loop3A_175] : memref<16384xf32, #tpu.memory_space<vmem>> -> memref<2048xf32, #tpu.memory_space<vmem>>
        %parallel_loop3A_177 = tpu.vector_load_idx %parallel_loop3A_176[%parallel_loop3A_68] : memref<2048xf32, #tpu.memory_space<vmem>>[vector<16xi32>], vector<16xf32>,
        %parallel_loop3A_178 = arith.constant 12288 : i32
        %parallel_loop3A_179 = tpu.memref_slice %arg17[%parallel_loop3A_178] : memref<16384xf32, #tpu.memory_space<vmem>> -> memref<2048xf32, #tpu.memory_space<vmem>>
        %parallel_loop3A_180 = tpu.vector_load_idx %parallel_loop3A_179[%parallel_loop3A_70] : memref<2048xf32, #tpu.memory_space<vmem>>[vector<16xi32>], vector<16xf32>,
        %parallel_loop3A_181 = arith.mulf %parallel_loop3A_76, %parallel_loop3A_177 : vector<16xf32>
        %parallel_loop3A_182 = arith.mulf %parallel_loop3A_78, %parallel_loop3A_180 : vector<16xf32>
        %parallel_loop3A_183 = arith.subf %parallel_loop3A_181, %parallel_loop3A_182 : vector<16xf32>
        %parallel_loop3A_184 = arith.mulf %parallel_loop3A_76, %parallel_loop3A_180 : vector<16xf32>
        %parallel_loop3A_185 = arith.mulf %parallel_loop3A_78, %parallel_loop3A_177 : vector<16xf32>
        %parallel_loop3A_186 = arith.addf %parallel_loop3A_184, %parallel_loop3A_185 : vector<16xf32>
        %parallel_loop3A_187 = arith.constant 12288 : i32
        %parallel_loop3A_188 = tpu.memref_slice %arg19[%parallel_loop3A_187] : memref<16384xf32, #tpu.memory_space<vmem>> -> memref<2048xf32, #tpu.memory_space<vmem>>
        tpu.vector_store_idx %parallel_loop3A_188[%parallel_loop3A_72], %parallel_loop3A_183 : memref<2048xf32, #tpu.memory_space<vmem>>[vector<16xi32>], vector<16xf32>,
        %parallel_loop3A_189 = arith.constant 12288 : i32
        %parallel_loop3A_190 = tpu.memref_slice %arg19[%parallel_loop3A_189] : memref<16384xf32, #tpu.memory_space<vmem>> -> memref<2048xf32, #tpu.memory_space<vmem>>
        tpu.vector_store_idx %parallel_loop3A_190[%parallel_loop3A_74], %parallel_loop3A_186 : memref<2048xf32, #tpu.memory_space<vmem>>[vector<16xi32>], vector<16xf32>,
        %parallel_loop3A_191 = arith.constant 14336 : i32
        %parallel_loop3A_192 = tpu.memref_slice %arg17[%parallel_loop3A_191] : memref<16384xf32, #tpu.memory_space<vmem>> -> memref<2048xf32, #tpu.memory_space<vmem>>
        %parallel_loop3A_193 = tpu.vector_load_idx %parallel_loop3A_192[%parallel_loop3A_68] : memref<2048xf32, #tpu.memory_space<vmem>>[vector<16xi32>], vector<16xf32>,
        %parallel_loop3A_194 = arith.constant 14336 : i32
        %parallel_loop3A_195 = tpu.memref_slice %arg17[%parallel_loop3A_194] : memref<16384xf32, #tpu.memory_space<vmem>> -> memref<2048xf32, #tpu.memory_space<vmem>>
        %parallel_loop3A_196 = tpu.vector_load_idx %parallel_loop3A_195[%parallel_loop3A_70] : memref<2048xf32, #tpu.memory_space<vmem>>[vector<16xi32>], vector<16xf32>,
        %parallel_loop3A_197 = arith.mulf %parallel_loop3A_76, %parallel_loop3A_193 : vector<16xf32>
        %parallel_loop3A_198 = arith.mulf %parallel_loop3A_78, %parallel_loop3A_196 : vector<16xf32>
        %parallel_loop3A_199 = arith.subf %parallel_loop3A_197, %parallel_loop3A_198 : vector<16xf32>
        %parallel_loop3A_200 = arith.mulf %parallel_loop3A_76, %parallel_loop3A_196 : vector<16xf32>
        %parallel_loop3A_201 = arith.mulf %parallel_loop3A_78, %parallel_loop3A_193 : vector<16xf32>
        %parallel_loop3A_202 = arith.addf %parallel_loop3A_200, %parallel_loop3A_201 : vector<16xf32>
        %parallel_loop3A_203 = arith.constant 14336 : i32
        %parallel_loop3A_204 = tpu.memref_slice %arg19[%parallel_loop3A_203] : memref<16384xf32, #tpu.memory_space<vmem>> -> memref<2048xf32, #tpu.memory_space<vmem>>
        tpu.vector_store_idx %parallel_loop3A_204[%parallel_loop3A_72], %parallel_loop3A_199 : memref<2048xf32, #tpu.memory_space<vmem>>[vector<16xi32>], vector<16xf32>,
        %parallel_loop3A_205 = arith.constant 14336 : i32
        %parallel_loop3A_206 = tpu.memref_slice %arg19[%parallel_loop3A_205] : memref<16384xf32, #tpu.memory_space<vmem>> -> memref<2048xf32, #tpu.memory_space<vmem>>
        tpu.vector_store_idx %parallel_loop3A_206[%parallel_loop3A_74], %parallel_loop3A_202 : memref<2048xf32, #tpu.memory_space<vmem>>[vector<16xi32>], vector<16xf32>,
      } {sc.loop_unroll_factor = 4 : i64, sc.parallel_access}
      %dma_start3A_64 = tpu.memref_slice %arg9[%add3A_46] : memref<33554432xf32, #tpu.memory_space<hbm>> -> memref<16384xf32, #tpu.memory_space<hbm>>
      %dma_start3A_65 = tpu.memref_slice %arg9[%add3A_46] : memref<33554432xf32, #tpu.memory_space<hbm>> -> memref<16384xf32, #tpu.memory_space<hbm>>
      tpu.enqueue_dma source(%arg19 : memref<16384xf32, #tpu.memory_space<vmem>>) target(%dma_start3A_65 : memref<16384xf32, #tpu.memory_space<hbm>>) target_semaphore(%arg23 : memref<!tpu.dma_semaphore, #tpu.memory_space<semaphore_mem>>)
    }
    %scan3A_10 = arith.constant 32 : i32
    %add3A_11 = arith.constant 1015808 : i32
    %add3A_12 = arith.addi %mul3A_4, %add3A_11 : i32
    %dma_wait3A = tpu.memref_slice %arg9[%add3A_12] : memref<33554432xf32, #tpu.memory_space<hbm>> -> memref<16384xf32, #tpu.memory_space<hbm>>
    %dma_wait3A_13 = tpu.memref_slice %arg9[%add3A_12] : memref<33554432xf32, #tpu.memory_space<hbm>> -> memref<16384xf32, #tpu.memory_space<hbm>>
    tpu.wait_dma2 semaphore(%arg22 : memref<!tpu.dma_semaphore, #tpu.memory_space<semaphore_mem>>) src(%arg18 : memref<16384xf32, #tpu.memory_space<vmem>>) dst(%dma_wait3A_13 : memref<16384xf32, #tpu.memory_space<hbm>>)
    %add3A_14 = arith.constant 1032192 : i32
    %add3A_15 = arith.addi %mul3A_4, %add3A_14 : i32
    %dma_wait3A_16 = tpu.memref_slice %arg9[%add3A_15] : memref<33554432xf32, #tpu.memory_space<hbm>> -> memref<16384xf32, #tpu.memory_space<hbm>>
    %dma_wait3A_17 = tpu.memref_slice %arg9[%add3A_15] : memref<33554432xf32, #tpu.memory_space<hbm>> -> memref<16384xf32, #tpu.memory_space<hbm>>
    tpu.wait_dma2 semaphore(%arg23 : memref<!tpu.dma_semaphore, #tpu.memory_space<semaphore_mem>>) src(%arg19 : memref<16384xf32, #tpu.memory_space<vmem>>) dst(%dma_wait3A_17 : memref<16384xf32, #tpu.memory_space<hbm>>)
    return
  }
}

</mosaic_0001>

<sc_bundles>
// kernel: kernel.3.cloned.1.call-start
scs
__scs_entry_jumppad:
0x0: {  	(pc) =	sbr.rel $0x88, $3  }
0x1: {  	(tag) =	ssettag $0x0;
	lr =	simm.s32 $0x1  }
0x2: {  	[smem:$0x3F9D] =	sst lr;
	_ =	strace $0xD0000000  }
0x3: {  	_ = 	snop  }
0x4: {  	_ = 	snop  }
0x5: {  	_ = 	snop  }
0x6: {  	_ = 	snop  }
0x7: {  	_ = 	snop  }
__scs_overlays_trampoline_lowered:
0x8: {  	[smem:$0x3FAC] =	sst s0  }
0x9: {  	[smem:$0x3FAD] =	sst s1  }
0xa: {  	[smem:$0x3FAE] =	sst s2  }
0xb: {  	[smem:$0x3FAF] =	sst s3  }
0xc: {  	[smem:$0x3FB0] =	sst s4  }
0xd: {  	[smem:$0x3FB1] =	sst s5  }
0xe: {  	[smem:$0x3FB2] =	sst s6  }
0xf: {  	[smem:$0x3FB3] =	sst s7  }
0x10: {  	[smem:$0x3FB4] =	sst s8  }
0x11: {  	[smem:$0x3FB5] =	sst s9;
	s0 =	simm.s32 @!p0 $0x0  }
0x12: {  	s1 =	sld [smem:$0x3F9B];
	s0 =	simm.s32 @p0 $0x1  }
0x13: {  	[smem:$0x3FB6] =	sst s0;
	s0 =	simm.s32 @!p1 $0x0  }
0x14: {  	s2 =	sld [smem:$0x3F9A];
	s0 =	simm.s32 @p1 $0x1  }
0x15: {  	[smem:$0x3FB7] =	sst s0;
	s0 =	simm.s32 @!p2 $0x0  }
0x16: {  	s3 =	sld [smem:$0x3FDB];
	s0 =	simm.s32 @p2 $0x1  }
0x17: {  	s4 =	simm.s32 $0x1BF5;
	[smem:$0x3FB9] =	sst s0  }
0x18: {  	s0 =	sld [smem:$0x3F9C];
	_ =	swait.ge [sflag:s4], $0x0  }
0x19: {  	s7 =	sld [smem:$0x3F9D]  }
0x1a: {  	s8 =	sadd.s32 $0xFFFFE003, lr  }
0x1b: {  	s9 =	sadd.s32 $0xFFFFFEF7, lr;
	s5 =	simm.s32 $0xFFFFFFFF;
	p2 =	slt.u32 s8, $0xFFFFF086  }
0x1c: {  	p1 =	slt.u32 s9, $0xF7A;
	s5 =	simm.s32 @!p2 $0x0  }
0x1d: {  	s5 =	simm.s32 @p1 $0x1;
	p0 =	seq.s32 s7, s2  }
0x1e: {  	s7 =	smul.u32 @!p0 $0xF7A, s2;
	p2 =	seq.s32 @!p0 s5, $0x0  }
0x1f: {  	s9 =	smul.u32 $0xF7A, s1;
	s8 =	simm.s32 @!p0 $0x1BF5;
	p2 =	por !p2, p0  }
0x20: {  	[sflag:s8] =	ssyncset.s32 @!p0 $0xFFFFF086;
	s6 =	sadd.s32 @!p0 s3, s7;
	s7 =	simm.s32 @!p0 $0x108  }
0x21: {  	s3 =	sadd.s32 s3, s9;
	s6 =	sadd.s32 @!p0 $0x88, s6;
	s7 =	simm.s32 @p2 $0x1082  }
0x22: {  	[simem:s7], [sflag:s8] =	dma.local @!p0 [hbm:s6], $0xF7A  }
0x23: {  	s9 =	sor.u32 $0xD0000000, s2;
	s6 =	simm.s32 $0x108;
	_ =	swait.ge @!p0 [sflag:s8], $0x0  }
0x24: {  	s3 =	sadd.s32 $0x88, s3;
	s6 =	simm.s32 @!p1 $0x1082;
	[sflag:s4] =	ssyncset.s32 $0xFFFFF086  }
0x25: {  	[simem:s6], [sflag:s4] =	dma.local [hbm:s3], $0xF7A  }
0x26: {  	[smem:$0x3F9D] =	sst s1;
	(tag) =	ssettag s2;
	_ =	strace s9  }
0x27: {  	s1 =	sld [smem:$0x3FAD]  }
0x28: {  	s2 =	sld [smem:$0x3FAE]  }
0x29: {  	s4 =	sld [smem:$0x3FB0]  }
0x2a: {  	p0 =	seq.s32 s5, $0x0;
	s5 =	sld [smem:$0x3FB1]  }
0x2b: {  	s6 =	sld [smem:$0x3FB2]  }
0x2c: {  	s7 =	sld [smem:$0x3FB3]  }
0x2d: {  	s3 =	simm.s32 $0x108;
	s8 =	sld [smem:$0x3FB4]  }
0x2e: {  	s3 =	simm.s32 @!p0 $0x1082;
	s9 =	sld [smem:$0x3FB5]  }
0x2f: {  	lr =	sadd.s32 s0, s3;
	s0 =	sld [smem:$0x3FAC]  }
0x30: {  	s3 =	sld [smem:$0x3FAF]  }
0x31: {  	[smem:$0x3FB8] =	sst s10  }
0x32: {  	s10 =	sld [smem:$0x3FB6];
	_ =	sdelay $0x3  }
0x33: {  	p0 =	seq.s32 s10, $0x1;
	s10 =	sld [smem:$0x3FB8];
	_ =	sdelay $0x3  }
0x34: {  	[smem:$0x3FB8] =	sst s10  }
0x35: {  	s10 =	sld [smem:$0x3FB7];
	_ =	sdelay $0x3  }
0x36: {  	p1 =	seq.s32 s10, $0x1;
	s10 =	sld [smem:$0x3FB8];
	_ =	sdelay $0x3  }
0x37: {  	[smem:$0x3FB8] =	sst s10  }
0x38: {  	s10 =	sld [smem:$0x3FB9]  }
0x39: {  	_ = 	snop;
	(pc) =	sbr.ind lr, $3  }
0x3a: {  	_ = 	snop  }
0x3b: {  	_ = 	snop  }
0x3c: {  	p2 =	seq.s32 s10, $0x1;
	s10 =	sld [smem:$0x3FB8]  }
0x3d: {  	_ =	shalt  }
0x3e: {  	_ =	shalt  }
0x3f: {  	_ =	shalt  }
0x40: {  	_ =	shalt  }
0x41: {  	_ =	shalt  }
0x42: {  	_ =	shalt  }
0x43: {  	_ =	shalt  }
0x44: {  	_ =	shalt  }
0x45: {  	_ =	shalt  }
0x46: {  	_ =	shalt  }
0x47: {  	_ =	shalt  }
0x48: {  	_ =	shalt  }
0x49: {  	_ =	shalt  }
0x4a: {  	_ =	shalt  }
0x4b: {  	_ =	shalt  }
0x4c: {  	_ =	shalt  }
0x4d: {  	_ =	shalt  }
0x4e: {  	_ =	shalt  }
0x4f: {  	_ =	shalt  }
0x50: {  	_ =	shalt  }
0x51: {  	_ =	shalt  }
0x52: {  	_ =	shalt  }
0x53: {  	_ =	shalt  }
0x54: {  	_ =	shalt  }
0x55: {  	_ =	shalt  }
0x56: {  	_ =	shalt  }
0x57: {  	_ =	shalt  }
0x58: {  	_ =	shalt  }
0x59: {  	_ =	shalt  }
0x5a: {  	_ =	shalt  }
0x5b: {  	_ =	shalt  }
0x5c: {  	_ =	shalt  }
0x5d: {  	_ =	shalt  }
0x5e: {  	_ =	shalt  }
0x5f: {  	_ =	shalt  }
0x60: {  	_ =	shalt  }
0x61: {  	_ =	shalt  }
0x62: {  	_ =	shalt  }
0x63: {  	_ =	shalt  }
0x64: {  	_ =	shalt  }
0x65: {  	_ =	shalt  }
0x66: {  	_ =	shalt  }
0x67: {  	_ =	shalt  }
0x68: {  	_ =	shalt  }
0x69: {  	_ =	shalt  }
0x6a: {  	_ =	shalt  }
0x6b: {  	_ =	shalt  }
0x6c: {  	_ =	shalt  }
0x6d: {  	_ =	shalt  }
0x6e: {  	_ =	shalt  }
0x6f: {  	_ =	shalt  }
0x70: {  	_ =	shalt  }
0x71: {  	_ =	shalt  }
0x72: {  	_ =	shalt  }
0x73: {  	_ =	shalt  }
0x74: {  	_ =	shalt  }
0x75: {  	_ =	shalt  }
0x76: {  	_ =	shalt  }
0x77: {  	_ =	shalt  }
0x78: {  	_ =	shalt  }
0x79: {  	_ =	shalt  }
0x7a: {  	_ =	shalt  }
0x7b: {  	_ =	shalt  }
0x7c: {  	_ =	shalt  }
0x7d: {  	_ =	shalt  }
0x7e: {  	_ =	shalt  }
0x7f: {  	_ =	shalt  }
0x80: {  	_ =	shalt  }
0x81: {  	_ =	shalt  }
0x82: {  	_ =	shalt  }
0x83: {  	_ =	shalt  }
0x84: {  	_ =	shalt  }
0x85: {  	_ =	shalt  }
0x86: {  	_ =	shalt  }
0x87: {  	_ =	shalt  }
.Lfunc_end0:
.L_simem_size_0:
called_computation.1_lowered:
.L_overlay_start_0:
0x88: {  	s2 =	sld [smem:$0x3FD9]  }
0x89: {  	s3 =	sld [smem:$0x3FFE];
	_ =	sdelay $0x1  }
0x8a: {  	s1 =	srdreg.scid  }
0x8b: {  	s0 =	sand.u32 $0x1, s1  }
0x8c: {  	s17 =	sshll.u32 s0, $0xA;
	s2 =	sadd.s32 s3, s2  }
0x8d: {  	s2 =	sadd.s32 s2, s17  }
0x8e: {  	[smem:$0x3FC4] =	sst s2  }
0x8f: {  	_ = 	snop  }
0x90: {  	s2 =	sld [smem:$0x3FD0];
	(tm) =	ssettm $0x1  }
0x91: {  	s18 =	sld [smem:$0x3FFB];
	_ =	sdelay $0x3  }
0x92: {  	_ =	strace s18  }
0x93: {  	s3 =	sld [smem:$0x3FFC];
	_ =	sdelay $0x3  }
0x94: {  	_ =	strace s3  }
0x95: {  	s3 =	sld [smem:$0x3FFD];
	_ =	sdelay $0x3  }
0x96: {  	_ =	strace s3  }
0x97: {  	_ =	strace $0x8FFFFFFF  }
0x98: {  	s19 =	sld [smem:$0x3FDB];
	_ =	sdelay $0x1  }
0x99: {  	s4 =	simm.s32 $_scs_section_size  }
0x9a: {  	s5 =	simm.s32 $_size__tile_overlayer_lowered;
	s6 =	simm.s32 $_tile_overlayer_lowered  }
0x9b: {  	s22 =	simm.s32 $0x1BFF;
	s21 =	sshll.u32 s6, $0x1;
	s3 =	sadd.s32 s4, s19  }
0x9c: {  	s7 =	simm.s32 $0x0;
	s20 =	sshll.u32 s5, $0x1;
	s5 =	sadd.s32 s21, s3  }
0x9d: {  	[timem:s7], [sflag:s22] =	dma.local [hbm:s5], s20  }
0x9e: {  	_ =	swait.ge [sflag:s22], s20  }
0x9f: {  	s4 =	ssub.s32 $0x0, s20;
	[sflag:s22] =	ssyncset.done $0x0  }
0xa0: {  	[sflag:s22] =	ssyncadd.s32 s4;
	_ =	sdelay $0x1  }
0xa1: {  	s23 =	simm.s32 $0x1B8B  }
0xa2: {  	_ =	swait.ge [sflag:s23], $0x1  }
0xa3: {  	[sflag:s23] =	ssyncset.done $0x0  }
0xa4: {  	s25 =	simm.s32 $0x1B8E;
	s24 =	sld [smem:$0x3FFE];
	[sflag:s23] =	ssyncadd.s32 $0xFFFFFFFF  }
0xa5: {  	s26 =	simm.s32 $execute0_lowered;
	[smem:$0x3FD2] =	sst s25  }
0xa6: {  	s5 =	sshll.u32 s26, $0x1;
	_ =	strace $0x80000049;
	[dreg:$0x1] =	wrdreg $0xFFFFFFFF  }
0xa7: {  	s28 =	simm.s32 $_size_execute0_lowered;
	s3 =	sadd.s32 s3, s5;
	[dreg:$0x0] =	wrdreg $0x0  }
0xa8: {  	s5 =	sshll.u32 s28, $0x1;
	[dreg:$0x2] =	wrdreg s3  }
0xa9: {  	[dreg:$0x3] =	wrdreg s5  }
0xaa: {  	[dreg:$0x4] =	wrdreg $0xC0  }
0xab: {  	_ =	task [dreg:s7], $0x5FFFF  }
0xac: {  	[dreg:$0x1] =	wrdreg $0xFFFFFFFF  }
0xad: {  	[dreg:$0x0] =	wrdreg $0x60  }
0xae: {  	[dreg:$0x2] =	wrdreg s2  }
0xaf: {  	[dreg:$0x3] =	wrdreg s24  }
0xb0: {  	[dreg:$0x4] =	wrdreg $0x9  }
0xb1: {  	_ =	task.clear_ibuf [dreg:s7], $0x5FFFF;
	_ =	strace $0x90000049  }
0xb2: {  	s29 =	simm.s32 $0x9;
	_ =	strace $0x8000004B  }
0xb3: {  	_ =	swait.ge [sflag:s29], $0x1  }
0xb4: {  	[sflag:s29] =	ssyncadd.s32 $0xFFFFFFFF  }
0xb5: {  	_ =	strace $0x9000004B  }
0xb6: {  	_ =	sfence  }
0xb7: {  	s30 =	sld [smem:$0x0];
	_ =	sdelay $0x2  }
0xb8: {  	s31 =	sshll.u32 s1, $0xD;
	s1 =	sshrl.u32 s1, $0x2  }
0xb9: {  	s3 =	sand.u32 $0x4000, s31;
	s1 =	sadd.s32 s1, s30  }
0xba: {  	s0 =	sor.u32 s3, s0;
	s1 =	sshll.u32 s1, $0x11  }
0xbb: {  	s0 =	sor.u32 s1, s0  }
0xbc: {  	s0 =	sadd.s32 $0x8F2B, s0  }
0xbd: {  	[sflag:s0] =	ssyncadd.remote.s32 $0x1  }
0xbe: {  	_ =	sfence.sel $0xFFFF  }
0xbf: {  	[dreg:$0x0] =	wrdreg $0xFFFFFFFF;
	(pc) =	sbr.abs _section_cstart, $3  }
0xc0: {  	[dreg:$0x1] =	wrdreg $0xFFFFFFFF  }
0xc1: {  	_ =	task.clear_ibuf [dreg:s7], $0x2FFFF;
	_ =	strace $0x9FFFFFFF  }
0xc2: {  	(tm) =	ssettm $0x7FFFFFFF  }
0xc3: {  	_ =	shalt  }
tec
execute0_lowered:
.L_overlay_start_1:
0x0: {  	(tag) =	ssettag $0x1  }
0x1: {  	s4 =	rddreg [dreg:$0x0]  }
0x2: {  	s0 =	rddreg [dreg:$0x1];
	s24 =	simm.s32 $0x0  }
0x3: {  	s20 =	srdreg.scid;
	s21 =	stileid.u32;
	s30 =	simm.s32 $0x1800  }
0x4: {  	s31 =	simm.s32 $0x5800;
	s16 =	simm.s32 $0xA000;
	s17 =	simm.s32 $0x2800  }
0x5: {  	s18 =	simm.s32 $0xA800;
	[smem:$0x7FF] =	sst s24;
	s1 =	sadd.s32 $0x1A00, s0  }
0x6: {  	s19 =	sadd.s32 $0x1800, s0;
	_ =	strace $0x8000004A;
	[dreg:$0x3] =	wrdreg s1  }
0x7: {  	s9 =	simm.s32 $0x7800;
	s2 =	sadd.s32 $0x1E00, s0;
	[dreg:$0x4] =	wrdreg s19  }
0x8: {  	s13 =	simm.s32 $0xF800;
	s3 =	sadd.s32 $0x1C00, s0;
	[dreg:$0x5] =	wrdreg s2  }
0x9: {  	s6 =	simm.s32 $0x8000;
	s5 =	sadd.s32 $0x1600, s0;
	[dreg:$0x6] =	wrdreg s3  }
0xa: {  	s11 =	simm.s32 $0x9000;
	s23 =	sadd.s32 $0x1400, s0;
	[dreg:$0x7] =	wrdreg s5  }
0xb: {  	s0 =	sadd.s32 $0x2000, s0;
	s29 =	sadd.s32 $0x800, s4;
	[dreg:$0x9] =	wrdreg s23  }
0xc: {  	s1 =	sand.u32 $0x1, s20;
	s2 =	sshll.u32 s21, $0x15;
	[dreg:$0xa] =	wrdreg s0  }
0xd: {  	[dreg:$0xc] =	wrdreg s29;
	s19 =	simm.s32 $0x3000;
	s20 =	simm.s32 $0xB000  }
0xe: {  	s23 =	simm.s32 $0x10000;
	s5 =	simm.s32 $0x8800;
	s22 =	sshll.u32 s1, $0x14  }
0xf: {  	s21 =	simm.s32 $0x11000;
	s1 =	ssub.s32 $0x2, s1;
	s3 =	sor.u32 s22, s2  }
0x10: {  	s25 =	sshrl.u32 s1, $0x1;
	[dreg:$0x8] =	wrdreg s3;
	s3 =	sshrl.u32 s3, $0x3  }
0x11: {  	s2 =	simm.s32 $0x10800;
	s26 =	ssub.s32 s1, s25;
	s28 =	sadd.s32 s4, s3  }
0x12: {  	s1 =	simm.s32 $0x0;
	s0 =	smax.u32 s26, $0x1;
	[dreg:$0xb] =	wrdreg s28  }
0x13: {  	s3 =	simm.s32 $0x2000;
	s4 =	simm.s32 $0x3800;
	[dreg:$0xd] =	wrdreg s0  }
.LBB2_1:
0x14: {  	[dreg:$0xe] =	wrdreg s1  }
0x15: {  	s22 =	rddreg [dreg:$0x3];
	s25 =	simm.s32 $0x5  }
0x16: {  	[tilespmem:s24], [sflag:$0x5] =	stream.linear.gather [hbm4b:s22+s24], $0x400, $0x38;
	[tilespmem:$0x11800] =	vst v63  }
0x17: {  	_ =	swait.ge [sflag:s25], $0x400  }
0x18: {  	[sflag:s25] =	ssyncset.done $0x0  }
0x19: {  	s26 =	simm.s32 $0x400;
	s1 =	rddreg [dreg:$0x4];
	[sflag:s25] =	ssyncadd.s32 $0xFFFFFC00  }
0x1a: {  	[tilespmem:s26], [sflag:$0x5] =	stream.linear.gather [hbm4b:s1+s24], $0x400, $0x38;
	[tilespmem:$0x11800] =	vst v63  }
0x1b: {  	_ =	swait.ge [sflag:s25], $0x400  }
0x1c: {  	[sflag:s25] =	ssyncset.done $0x0  }
0x1d: {  	s8 =	simm.s32 $0x800;
	s7 =	rddreg [dreg:$0x5];
	[sflag:s25] =	ssyncadd.s32 $0xFFFFFC00  }
0x1e: {  	[tilespmem:s8], [sflag:$0x5] =	stream.linear.gather [hbm4b:s7+s24], $0x400, $0x38;
	[tilespmem:$0x11800] =	vst v63  }
0x1f: {  	_ =	swait.ge [sflag:s25], $0x400  }
0x20: {  	[sflag:s25] =	ssyncset.done $0x0  }
0x21: {  	s12 =	simm.s32 $0xC00;
	s10 =	rddreg [dreg:$0x6];
	[sflag:s25] =	ssyncadd.s32 $0xFFFFFC00  }
0x22: {  	[tilespmem:s12], [sflag:$0x5] =	stream.linear.gather [hbm4b:s10+s24], $0x400, $0x38;
	[tilespmem:$0x11800] =	vst v63  }
0x23: {  	_ =	swait.ge [sflag:s25], $0x400  }
0x24: {  	[sflag:s25] =	ssyncset.done $0x0  }
0x25: {  	s15 =	simm.s32 $0x1000;
	s14 =	rddreg [dreg:$0x7];
	[sflag:s25] =	ssyncadd.s32 $0xFFFFFC00  }
0x26: {  	[tilespmem:s15], [sflag:$0x5] =	stream.linear.gather [hbm4b:s14+s24], $0x400, $0x38;
	[tilespmem:$0x11800] =	vst v63  }
0x27: {  	_ =	swait.ge [sflag:s25], $0x400  }
0x28: {  	[sflag:s25] =	ssyncset.done $0x0  }
0x29: {  	s28 =	simm.s32 $0x1400;
	s26 =	rddreg [dreg:$0x9];
	[sflag:s25] =	ssyncadd.s32 $0xFFFFFC00  }
0x2a: {  	[tilespmem:s28], [sflag:$0x5] =	stream.linear.gather [hbm4b:s26+s24], $0x400, $0x38;
	[tilespmem:$0x11800] =	vst v63  }
0x2b: {  	_ =	swait.ge [sflag:s25], $0x400  }
0x2c: {  	[sflag:s25] =	ssyncset.done $0x0  }
0x2d: {  	s14 =	simm.s32 $0x0;
	s29 =	rddreg [dreg:$0xb];
	[sflag:s25] =	ssyncadd.s32 $0xFFFFFC00  }
0x2e: {  	[tilespmem:s30], [sflag:$0x1] =	stream.linear.gather [hbm4b:s29+s24], $0x4000, $0x38;
	[tilespmem:$0x11800] =	vst v63  }
.LBB2_2:
0x2f: {  	s22 =	sshll.u32 s14, $0xF;
	s25 =	rddreg [dreg:$0x8]  }
0x30: {  	s22 =	sor.u32 s25, s22  }
0x31: {  	s7 =	rddreg [dreg:$0xc];
	s0 =	sshrl.u32 s22, $0x3  }
0x32: {  	s8 =	simm.s32 $0x1;
	[dreg:$0x10] =	wrdreg s0;
	s22 =	sadd.s32 s0, s7  }
0x33: {  	[tilespmem:s31], [sflag:$0x2] =	stream.linear.gather [hbm4b:s22+s24], $0x4000, $0x38;
	[tilespmem:$0x11800] =	vst v63  }
0x34: {  	_ =	swait.ge [sflag:s8], $0x4000  }
0x35: {  	p0 =	seq.s32 s14, $0x0;
	[sflag:s8] =	ssyncset.done $0x0  }
0x36: {  	s22 =	simm.s32 @!p0 $0x3;
	[dreg:$0xf] =	wrdreg s14;
	[sflag:s8] =	ssyncadd.s32 $0xFFFFC000  }
0x37: {  	_ =	swait.ge @!p0 [sflag:s22], $0x4000  }
0x38: {  	[sflag:s22] =	ssyncset.done @!p0 $0x0  }
0x39: {  	s10 =	simm.s32 $0x20;
	[sflag:s22] =	ssyncadd.s32 @!p0 $0xFFFFC000  }
0x3a: {  	s12 =	simm.s32 $0x420;
	v0 =	vld [tilespmem:s10+$0x10]  }
0x3b: {  	v54 =	vld [tilespmem:s12+$0x10]  }
0x3c: {  	v62 =	vld [tilespmem:s12+$0xFFFFFFE0]  }
0x3d: {  	v57 =	vld [tilespmem:s10+$0xFFFFFFF0]  }
0x3e: {  	v25 =	vld [tilespmem:s12+$0xFFFFFFF0]  }
0x3f: {  	s14 =	simm.s32 $0x1020;
	v13 =	vld [tilespmem:s10+$0x0]  }
0x40: {  	s26 =	simm.s32 $0x1420;
	v18 =	vld [tilespmem:s14+$0x10]  }
0x41: {  	s28 =	simm.s32 $0x820;
	v21 =	vld [tilespmem:s26+$0x10]  }
0x42: {  	v19 =	vld [tilespmem:s28+$0x10]  }
0x43: {  	v26 =	vld [tilespmem:s12+$0x0]  }
0x44: {  	v1 =	vld.idx.msk [tilespmem:v0+s30+$0x0], $0xffff  }
0x45: {  	v2 =	vld.idx.msk [tilespmem:v54+s30+$0x0], $0xffff  }
0x46: {  	s15 =	simm.s32 $0xC20;
	v27 =	vld [tilespmem:s10+$0xFFFFFFE0]  }
0x47: {  	v15 =	vld [tilespmem:s15+$0x10]  }
0x48: {  	v63 =	vld [tilespmem:s14+$0xFFFFFFE0]  }
0x49: {  	v60 =	vld [tilespmem:s26+$0xFFFFFFE0]  }
0x4a: {  	v32 =	vld [tilespmem:s14+$0xFFFFFFF0];
	v5 =	vmul.f32 v1, v18;
	v6 =	vmul.f32 v2, v21  }
0x4b: {  	v37 =	vld [tilespmem:s26+$0xFFFFFFF0];
	v2 =	vmul.f32 v2, v18;
	v1 =	vmul.f32 v1, v21  }
0x4c: {  	v35 =	vld [tilespmem:s14+$0x0];
	v5 =	vsub.f32 v5, v6  }
0x4d: {  	s0 =	simm.s32 $0x9800;
	v39 =	vld [tilespmem:s26+$0x0];
	v1 =	vadd.f32 v2, v1  }
0x4e: {  	v31 =	vld [tilespmem:s28+$0xFFFFFFE0];
	[tilespmem:v19+s0+$0x0] =	vst.idx.msk $0xffff, v5  }
0x4f: {  	v49 =	vld [tilespmem:s15+$0xFFFFFFE0];
	[tilespmem:v15+s0+$0x0] =	vst.idx.msk $0xffff, v1  }
0x50: {  	v1 =	vld.idx.msk [tilespmem:v0+s3+$0x0], $0xffff  }
0x51: {  	v5 =	vld.idx.msk [tilespmem:v54+s3+$0x0], $0xffff  }
0x52: {  	v61 =	vld [tilespmem:s28+$0xFFFFFFF0]  }
0x53: {  	v58 =	vld [tilespmem:s15+$0xFFFFFFF0]  }
0x54: {  	v3 =	vld.idx.msk [tilespmem:v62+s30+$0x0], $0xffff  }
0x55: {  	v2 =	vld.idx.msk [tilespmem:v27+s30+$0x0], $0xffff  }
0x56: {  	v4 =	vld.idx.msk [tilespmem:v57+s30+$0x0], $0xffff;
	v9 =	vmul.f32 v1, v18;
	v10 =	vmul.f32 v5, v21  }
0x57: {  	v7 =	vld.idx.msk [tilespmem:v25+s30+$0x0], $0xffff;
	v5 =	vmul.f32 v5, v18;
	v1 =	vmul.f32 v1, v21  }
0x58: {  	v55 =	vld [tilespmem:s28+$0x0];
	v9 =	vsub.f32 v9, v10  }
0x59: {  	v8 =	vld.idx.msk [tilespmem:v13+s30+$0x0], $0xffff;
	v1 =	vadd.f32 v5, v1  }
0x5a: {  	v6 =	vld.idx.msk [tilespmem:v26+s30+$0x0], $0xffff;
	v5 =	vmul.f32 v2, v63;
	v10 =	vmul.f32 v3, v60;
	[tilespmem:v19+s16+$0x0] =	vst.idx.msk $0xffff, v9  }
0x5b: {  	v14 =	vld [tilespmem:s15+$0x0];
	v3 =	vmul.f32 v3, v63;
	v2 =	vmul.f32 v2, v60;
	[tilespmem:v15+s16+$0x0] =	vst.idx.msk $0xffff, v1  }
0x5c: {  	v9 =	vmul.f32 v7, v37;
	v1 =	vsub.f32 v5, v10;
	v5 =	vmul.f32 v4, v32;
	v10 =	vld.idx.msk [tilespmem:v0+s17+$0x0], $0xffff  }
0x5d: {  	v2 =	vadd.f32 v3, v2;
	v3 =	vmul.f32 v7, v32;
	v4 =	vmul.f32 v4, v37;
	v7 =	vld.idx.msk [tilespmem:v54+s17+$0x0], $0xffff  }
0x5e: {  	v11 =	vmul.f32 v8, v35;
	v5 =	vsub.f32 v5, v9;
	[tilespmem:v31+s0+$0x0] =	vst.idx.msk $0xffff, v1  }
0x5f: {  	v1 =	vmul.f32 v6, v39;
	v3 =	vadd.f32 v3, v4;
	[tilespmem:v49+s0+$0x0] =	vst.idx.msk $0xffff, v2  }
0x60: {  	v4 =	vmul.f32 v8, v39;
	v2 =	vmul.f32 v6, v35;
	v6 =	vld.idx.msk [tilespmem:v27+s3+$0x0], $0xffff;
	[tilespmem:v61+s0+$0x0] =	vst.idx.msk $0xffff, v5  }
0x61: {  	v1 =	vsub.f32 v11, v1;
	v5 =	vld.idx.msk [tilespmem:v62+s3+$0x0], $0xffff;
	[tilespmem:v58+s0+$0x0] =	vst.idx.msk $0xffff, v3  }
0x62: {  	v2 =	vadd.f32 v2, v4;
	v3 =	vld.idx.msk [tilespmem:v57+s3+$0x0], $0xffff;
	v4 =	vmul.f32 v10, v18;
	v8 =	vmul.f32 v7, v21  }
0x63: {  	[tilespmem:v55+s0+$0x0] =	vst.idx.msk $0xffff, v1;
	v1 =	vld.idx.msk [tilespmem:v25+s3+$0x0], $0xffff;
	v7 =	vmul.f32 v7, v18;
	v9 =	vmul.f32 v10, v21  }
0x64: {  	[tilespmem:v14+s0+$0x0] =	vst.idx.msk $0xffff, v2;
	v2 =	vsub.f32 v4, v8  }
0x65: {  	v4 =	vld.idx.msk [tilespmem:v13+s3+$0x0], $0xffff;
	v7 =	vadd.f32 v7, v9  }
0x66: {  	v8 =	vld.idx.msk [tilespmem:v26+s3+$0x0], $0xffff;
	v9 =	vmul.f32 v6, v63;
	v10 =	vmul.f32 v5, v60;
	[tilespmem:v19+s18+$0x0] =	vst.idx.msk $0xffff, v2  }
0x67: {  	v5 =	vmul.f32 v5, v63;
	v2 =	vmul.f32 v6, v60;
	[tilespmem:v15+s18+$0x0] =	vst.idx.msk $0xffff, v7  }
0x68: {  	v6 =	vmul.f32 v3, v32;
	v7 =	vmul.f32 v1, v37;
	v9 =	vsub.f32 v9, v10  }
0x69: {  	v3 =	vmul.f32 v3, v37;
	v1 =	vmul.f32 v1, v32;
	v10 =	vld.idx.msk [tilespmem:v0+s19+$0x0], $0xffff  }
0x6a: {  	v2 =	vadd.f32 v5, v2;
	v5 =	vld.idx.msk [tilespmem:v54+s19+$0x0], $0xffff;
	v11 =	vmul.f32 v4, v35;
	[tilespmem:v31+s16+$0x0] =	vst.idx.msk $0xffff, v9  }
0x6b: {  	v6 =	vsub.f32 v6, v7;
	v7 =	vmul.f32 v8, v39;
	v1 =	vadd.f32 v1, v3  }
0x6c: {  	v3 =	vmul.f32 v8, v35;
	[tilespmem:v49+s16+$0x0] =	vst.idx.msk $0xffff, v2;
	v2 =	vmul.f32 v4, v39  }
0x6d: {  	v4 =	vld.idx.msk [tilespmem:v27+s17+$0x0], $0xffff;
	[tilespmem:v61+s16+$0x0] =	vst.idx.msk $0xffff, v6;
	v6 =	vsub.f32 v11, v7  }
0x6e: {  	v7 =	vld.idx.msk [tilespmem:v62+s17+$0x0], $0xffff;
	[tilespmem:v58+s16+$0x0] =	vst.idx.msk $0xffff, v1;
	v1 =	vadd.f32 v3, v2  }
0x6f: {  	v2 =	vld.idx.msk [tilespmem:v57+s17+$0x0], $0xffff;
	v3 =	vmul.f32 v10, v18;
	v8 =	vmul.f32 v5, v21;
	[tilespmem:v55+s16+$0x0] =	vst.idx.msk $0xffff, v6  }
0x70: {  	v6 =	vld.idx.msk [tilespmem:v25+s17+$0x0], $0xffff;
	v5 =	vmul.f32 v5, v18;
	v9 =	vmul.f32 v10, v21;
	[tilespmem:v14+s16+$0x0] =	vst.idx.msk $0xffff, v1  }
0x71: {  	v1 =	vsub.f32 v3, v8;
	v3 =	vld.idx.msk [tilespmem:v13+s17+$0x0], $0xffff  }
0x72: {  	v5 =	vadd.f32 v5, v9;
	v9 =	vld.idx.msk [tilespmem:v26+s17+$0x0], $0xffff;
	v8 =	vmul.f32 v4, v63  }
0x73: {  	v4 =	vmul.f32 v4, v60;
	v10 =	vmul.f32 v7, v60;
	[tilespmem:v19+s20+$0x0] =	vst.idx.msk $0xffff, v1  }
0x74: {  	v1 =	vmul.f32 v7, v63;
	v7 =	vmul.f32 v2, v32;
	[tilespmem:v15+s20+$0x0] =	vst.idx.msk $0xffff, v5  }
0x75: {  	v2 =	vmul.f32 v2, v37;
	v5 =	vmul.f32 v6, v37;
	v8 =	vsub.f32 v8, v10  }
0x76: {  	v6 =	vmul.f32 v6, v32;
	v11 =	vld.idx.msk [tilespmem:v0+s4+$0x0], $0xffff;
	v1 =	vadd.f32 v1, v4;
	v10 =	vmul.f32 v3, v35  }
0x77: {  	v4 =	vld.idx.msk [tilespmem:v54+s4+$0x0], $0xffff;
	v5 =	vsub.f32 v7, v5;
	v7 =	vmul.f32 v9, v39;
	[tilespmem:v31+s18+$0x0] =	vst.idx.msk $0xffff, v8  }
0x78: {  	v3 =	vmul.f32 v3, v39;
	v2 =	vadd.f32 v6, v2;
	[tilespmem:v49+s18+$0x0] =	vst.idx.msk $0xffff, v1  }
0x79: {  	v9 =	vmul.f32 v9, v35;
	v1 =	vsub.f32 v10, v7;
	[tilespmem:v61+s18+$0x0] =	vst.idx.msk $0xffff, v5  }
0x7a: {  	v6 =	vld.idx.msk [tilespmem:v27+s19+$0x0], $0xffff;
	[tilespmem:v58+s18+$0x0] =	vst.idx.msk $0xffff, v2  }
0x7b: {  	v3 =	vadd.f32 v9, v3;
	v5 =	vld.idx.msk [tilespmem:v62+s19+$0x0], $0xffff;
	[tilespmem:v55+s18+$0x0] =	vst.idx.msk $0xffff, v1  }
0x7c: {  	v2 =	vmul.f32 v11, v18;
	v7 =	vmul.f32 v4, v21;
	v8 =	vld.idx.msk [tilespmem:v57+s19+$0x0], $0xffff;
	[tilespmem:$0x1FCD0] =	vst v25  }
0x7d: {  	v1 =	vmul.f32 v4, v18;
	v4 =	vmul.f32 v11, v21;
	[tilespmem:v14+s18+$0x0] =	vst.idx.msk $0xffff, v3  }
0x7e: {  	v9 =	vld.idx.msk [tilespmem:v25+s19+$0x0], $0xffff;
	v2 =	vsub.f32 v2, v7;
	[tilespmem:$0x1FE60] =	vst v14  }
0x7f: {  	s7 =	simm.s32 $0xB800;
	v1 =	vadd.f32 v1, v4;
	v3 =	vld.idx.msk [tilespmem:v13+s19+$0x0], $0xffff  }
0x80: {  	v7 =	vmul.f32 v6, v63;
	v6 =	vmul.f32 v6, v60;
	v4 =	vld.idx.msk [tilespmem:v26+s19+$0x0], $0xffff;
	[tilespmem:v19+s7+$0x0] =	vst.idx.msk $0xffff, v2  }
0x81: {  	s8 =	simm.s32 $0x4000;
	v2 =	vmul.f32 v5, v60;
	v5 =	vmul.f32 v5, v63;
	[tilespmem:v15+s7+$0x0] =	vst.idx.msk $0xffff, v1  }
0x82: {  	v1 =	vmul.f32 v8, v32;
	v8 =	vmul.f32 v8, v37;
	v10 =	vld.idx.msk [tilespmem:v0+s8+$0x0], $0xffff  }
0x83: {  	v12 =	vld.idx.msk [tilespmem:v54+s8+$0x0], $0xffff;
	v2 =	vsub.f32 v7, v2;
	v11 =	vmul.f32 v9, v37;
	v9 =	vmul.f32 v9, v32  }
0x84: {  	v5 =	vadd.f32 v5, v6;
	v7 =	vmul.f32 v3, v35;
	v3 =	vmul.f32 v3, v39  }
0x85: {  	[tilespmem:v31+s20+$0x0] =	vst.idx.msk $0xffff, v2;
	v6 =	vmul.f32 v4, v39;
	v4 =	vmul.f32 v4, v35  }
0x86: {  	v1 =	vsub.f32 v1, v11;
	[tilespmem:$0x1FD80] =	vst v31;
	v2 =	vadd.f32 v9, v8  }
0x87: {  	[tilespmem:v49+s20+$0x0] =	vst.idx.msk $0xffff, v5;
	v5 =	vsub.f32 v7, v6;
	v3 =	vadd.f32 v4, v3  }
0x88: {  	[tilespmem:v61+s20+$0x0] =	vst.idx.msk $0xffff, v1;
	v1 =	vmul.f32 v10, v18;
	v4 =	vmul.f32 v12, v21  }
0x89: {  	[tilespmem:v58+s20+$0x0] =	vst.idx.msk $0xffff, v2  }
0x8a: {  	v6 =	vld.idx.msk [tilespmem:v27+s4+$0x0], $0xffff;
	[tilespmem:v55+s20+$0x0] =	vst.idx.msk $0xffff, v5;
	v1 =	vsub.f32 v1, v4  }
0x8b: {  	s10 =	simm.s32 $0xC000;
	v7 =	vmul.f32 v10, v21;
	v8 =	vld.idx.msk [tilespmem:v62+s4+$0x0], $0xffff;
	v2 =	vmul.f32 v12, v18;
	[tilespmem:v14+s20+$0x0] =	vst.idx.msk $0xffff, v3  }
0x8c: {  	v4 =	vld.idx.msk [tilespmem:v57+s4+$0x0], $0xffff;
	[tilespmem:v19+s10+$0x0] =	vst.idx.msk $0xffff, v1  }
0x8d: {  	v2 =	vadd.f32 v2, v7;
	v3 =	vld.idx.msk [tilespmem:v25+s4+$0x0], $0xffff;
	[tilespmem:$0x1FC70] =	vst v19  }
0x8e: {  	v1 =	vld.idx.msk [tilespmem:v13+s4+$0x0], $0xffff;
	[tilespmem:$0x1FF10] =	vst v13  }
0x8f: {  	[tilespmem:v15+s10+$0x0] =	vst.idx.msk $0xffff, v2  }
0x90: {  	s12 =	simm.s32 $0x4800;
	[tilespmem:$0x1FC80] =	vst v15  }
0x91: {  	v2 =	vld.idx.msk [tilespmem:v0+s12+$0x0], $0xffff  }
0x92: {  	s1 =	simm.s32 $0x60;
	v5 =	vld.idx.msk [tilespmem:v54+s12+$0x0], $0xffff  }
0x93: {  	s14 =	simm.s32 $0x460;
	v56 =	vld [tilespmem:s1+$0x10]  }
0x94: {  	v20 =	vld [tilespmem:s14+$0x10]  }
0x95: {  	v50 =	vld [tilespmem:s14+$0xFFFFFFE0]  }
0x96: {  	v48 =	vld [tilespmem:s1+$0xFFFFFFF0]  }
0x97: {  	v45 =	vld [tilespmem:s14+$0xFFFFFFF0]  }
0x98: {  	s15 =	simm.s32 $0x1060;
	v44 =	vld [tilespmem:s1+$0x0]  }
0x99: {  	s20 =	simm.s32 $0x1460;
	v51 =	vld [tilespmem:s15+$0x10]  }
0x9a: {  	s28 =	simm.s32 $0x860;
	v52 =	vld [tilespmem:s20+$0x10]  }
0x9b: {  	v29 =	vld [tilespmem:s28+$0x10]  }
0x9c: {  	v34 =	vld [tilespmem:s14+$0x0]  }
0x9d: {  	v7 =	vld.idx.msk [tilespmem:v56+s30+$0x0], $0xffff  }
0x9e: {  	v9 =	vld.idx.msk [tilespmem:v20+s30+$0x0], $0xffff  }
0x9f: {  	s24 =	simm.s32 $0xC60;
	v53 =	vld [tilespmem:s1+$0xFFFFFFE0]  }
0xa0: {  	v22 =	vld [tilespmem:s24+$0x10]  }
0xa1: {  	v47 =	vld [tilespmem:s15+$0xFFFFFFE0]  }
0xa2: {  	v46 =	vld [tilespmem:s20+$0xFFFFFFE0]  }
0xa3: {  	v10 =	vld.idx.msk [tilespmem:v50+s30+$0x0], $0xffff;
	v12 =	vmul.f32 v7, v51;
	v13 =	vmul.f32 v9, v52  }
0xa4: {  	v11 =	vld.idx.msk [tilespmem:v48+s30+$0x0], $0xffff;
	v9 =	vmul.f32 v9, v51;
	v7 =	vmul.f32 v7, v52  }
0xa5: {  	v14 =	vld.idx.msk [tilespmem:v45+s30+$0x0], $0xffff;
	v12 =	vsub.f32 v12, v13  }
0xa6: {  	v30 =	vmov v15;
	v15 =	vld.idx.msk [tilespmem:v44+s30+$0x0], $0xffff;
	v7 =	vadd.f32 v9, v7  }
0xa7: {  	v13 =	vld.idx.msk [tilespmem:v34+s30+$0x0], $0xffff;
	[tilespmem:v29+s0+$0x0] =	vst.idx.msk $0xffff, v12  }
0xa8: {  	v16 =	vmul.f32 v8, v60;
	v9 =	vld.idx.msk [tilespmem:v53+s30+$0x0], $0xffff;
	[tilespmem:v22+s0+$0x0] =	vst.idx.msk $0xffff, v7;
	v7 =	vmul.f32 v6, v63  }
0xa9: {  	v8 =	vmul.f32 v8, v63;
	v6 =	vmul.f32 v6, v60;
	v12 =	vld.idx.msk [tilespmem:v56+s3+$0x0], $0xffff  }
0xaa: {  	v17 =	vld.idx.msk [tilespmem:v20+s3+$0x0], $0xffff;
	[tilespmem:$0x1FD60] =	vst v32;
	v7 =	vsub.f32 v7, v16  }
0xab: {  	v42 =	vld [tilespmem:s15+$0xFFFFFFF0];
	[tilespmem:$0x1FD70] =	vst v37;
	v6 =	vadd.f32 v8, v6  }
0xac: {  	v23 =	vmul.f32 v4, v32;
	v4 =	vmul.f32 v4, v37;
	v40 =	vld [tilespmem:s20+$0xFFFFFFF0];
	[tilespmem:v31+s7+$0x0] =	vst.idx.msk $0xffff, v7  }
0xad: {  	v25 =	vmul.f32 v10, v46;
	v16 =	vmul.f32 v3, v37;
	v43 =	vld [tilespmem:s15+$0x0];
	[tilespmem:v49+s7+$0x0] =	vst.idx.msk $0xffff, v6  }
0xae: {  	v8 =	vmul.f32 v2, v18;
	v59 =	vld [tilespmem:s28+$0xFFFFFFE0];
	v7 =	vmul.f32 v5, v21;
	[tilespmem:$0x1FD90] =	vst v49  }
0xaf: {  	v6 =	vmul.f32 v12, v51;
	v24 =	vmul.f32 v17, v52;
	v41 =	vld [tilespmem:s24+$0xFFFFFFE0]  }
0xb0: {  	v7 =	vsub.f32 v8, v7;
	v8 =	vmul.f32 v17, v51;
	v12 =	vmul.f32 v12, v52;
	v31 =	vld [tilespmem:s20+$0x0]  }
0xb1: {  	s14 =	simm.s32 $0xC800;
	v2 =	vmul.f32 v2, v21;
	v17 =	vmul.f32 v9, v47;
	v37 =	vld [tilespmem:s28+$0xFFFFFFF0];
	v6 =	vsub.f32 v6, v24  }
0xb2: {  	v9 =	vmul.f32 v9, v46;
	v33 =	vld [tilespmem:s24+$0xFFFFFFF0];
	[tilespmem:v19+s14+$0x0] =	vst.idx.msk $0xffff, v7;
	v8 =	vadd.f32 v8, v12  }
0xb3: {  	v38 =	vld [tilespmem:s28+$0x0];
	v7 =	vmul.f32 v10, v47;
	v10 =	vsub.f32 v17, v25;
	[tilespmem:v29+s16+$0x0] =	vst.idx.msk $0xffff, v6  }
0xb4: {  	v12 =	vmul.f32 v14, v40;
	v6 =	vmul.f32 v11, v42;
	[tilespmem:v22+s16+$0x0] =	vst.idx.msk $0xffff, v8;
	v36 =	vld [tilespmem:s24+$0x0]  }
0xb5: {  	v5 =	vmul.f32 v5, v18;
	v7 =	vadd.f32 v7, v9;
	v8 =	vmul.f32 v14, v42;
	v9 =	vld.idx.msk [tilespmem:v56+s17+$0x0], $0xffff  }
0xb6: {  	v11 =	vmul.f32 v11, v40;
	[tilespmem:v59+s0+$0x0] =	vst.idx.msk $0xffff, v10;
	v10 =	vld.idx.msk [tilespmem:v20+s17+$0x0], $0xffff;
	v6 =	vsub.f32 v6, v12  }
0xb7: {  	v12 =	vmul.f32 v15, v43;
	[tilespmem:v41+s0+$0x0] =	vst.idx.msk $0xffff, v7;
	v7 =	vmul.f32 v13, v31  }
0xb8: {  	v14 =	vmul.f32 v15, v31;
	v13 =	vmul.f32 v13, v43  }
0xb9: {  	v2 =	vadd.f32 v5, v2;
	v7 =	vsub.f32 v12, v7  }
0xba: {  	v8 =	vadd.f32 v8, v11;
	[tilespmem:v37+s0+$0x0] =	vst.idx.msk $0xffff, v6;
	v5 =	vadd.f32 v13, v14  }
0xbb: {  	v11 =	vld.idx.msk [tilespmem:v53+s3+$0x0], $0xffff;
	v13 =	vmul.f32 v10, v52;
	[tilespmem:v38+s0+$0x0] =	vst.idx.msk $0xffff, v7;
	v7 =	vmul.f32 v9, v51  }
0xbc: {  	v6 =	vld.idx.msk [tilespmem:v50+s3+$0x0], $0xffff;
	[tilespmem:v33+s0+$0x0] =	vst.idx.msk $0xffff, v8  }
0xbd: {  	[tilespmem:v30+s14+$0x0] =	vst.idx.msk $0xffff, v2;
	v8 =	vld.idx.msk [tilespmem:v48+s3+$0x0], $0xffff;
	v7 =	vsub.f32 v7, v13  }
0xbe: {  	v14 =	vld.idx.msk [tilespmem:v45+s3+$0x0], $0xffff;
	[tilespmem:v36+s0+$0x0] =	vst.idx.msk $0xffff, v5  }
0xbf: {  	v2 =	vld.idx.msk [tilespmem:v44+s3+$0x0], $0xffff;
	[tilespmem:v29+s18+$0x0] =	vst.idx.msk $0xffff, v7  }
0xc0: {  	s1 =	simm.s32 $0x5000;
	v5 =	vmul.f32 v10, v51;
	v10 =	vld.idx.msk [tilespmem:v34+s3+$0x0], $0xffff;
	[tilespmem:$0x1FF50] =	vst v26  }
0xc1: {  	v0 =	vld.idx.msk [tilespmem:v0+s1+$0x0], $0xffff  }
0xc2: {  	v9 =	vmul.f32 v9, v52;
	_ =	sdelay $0x1  }
0xc3: {  	v17 =	vmovc v41;
	v13 =	vmul.f32 v11, v47;
	v5 =	vadd.f32 v5, v9;
	v9 =	vmul.f32 v6, v46  }
0xc4: {  	v15 =	vsub.f32 v23, v16;
	v11 =	vmul.f32 v11, v46;
	v6 =	vmul.f32 v6, v47  }
0xc5: {  	v9 =	vsub.f32 v13, v9;
	v13 =	vmul.f32 v8, v42;
	v7 =	vld.idx.msk [tilespmem:v26+s4+$0x0], $0xffff;
	[tilespmem:$0x1FC60] =	vst v0  }
0xc6: {  	v6 =	vadd.f32 v6, v11;
	[tilespmem:v22+s18+$0x0] =	vst.idx.msk $0xffff, v5;
	v5 =	vmul.f32 v14, v40  }
0xc7: {  	v19 =	vmov v31;
	v8 =	vmul.f32 v8, v40;
	v14 =	vmul.f32 v14, v42;
	[tilespmem:v59+s16+$0x0] =	vst.idx.msk $0xffff, v9  }
0xc8: {  	v11 =	vmul.f32 v2, v43;
	v9 =	vld.idx.msk [tilespmem:v56+s19+$0x0], $0xffff;
	[tilespmem:v17+s16+$0x0] =	vst.idx.msk $0xffff, v6;
	v5 =	vsub.f32 v13, v5  }
0xc9: {  	v13 =	vmul.f32 v10, v19;
	v8 =	vadd.f32 v14, v8;
	v14 =	vld.idx.msk [tilespmem:v20+s19+$0x0], $0xffff;
	[tilespmem:$0x1FCA0] =	vst v27  }
0xca: {  	v2 =	vmul.f32 v2, v19;
	v10 =	vmul.f32 v10, v43;
	v6 =	vld.idx.msk [tilespmem:v27+s8+$0x0], $0xffff;
	[tilespmem:v61+s7+$0x0] =	vst.idx.msk $0xffff, v15  }
0xcb: {  	v11 =	vsub.f32 v11, v13;
	[tilespmem:v37+s16+$0x0] =	vst.idx.msk $0xffff, v5;
	v5 =	vld.idx.msk [tilespmem:v53+s17+$0x0], $0xffff  }
0xcc: {  	v3 =	vmul.f32 v3, v32;
	v2 =	vadd.f32 v10, v2;
	v10 =	vld.idx.msk [tilespmem:v50+s17+$0x0], $0xffff;
	[tilespmem:v33+s16+$0x0] =	vst.idx.msk $0xffff, v8  }
0xcd: {  	v12 =	vmul.f32 v1, v35;
	v13 =	vmul.f32 v7, v39;
	v8 =	vld.idx.msk [tilespmem:v48+s17+$0x0], $0xffff;
	[tilespmem:v38+s16+$0x0] =	vst.idx.msk $0xffff, v11  }
0xce: {  	v3 =	vadd.f32 v3, v4;
	v11 =	vld.idx.msk [tilespmem:v45+s17+$0x0], $0xffff;
	[tilespmem:v36+s16+$0x0] =	vst.idx.msk $0xffff, v2  }
0xcf: {  	v1 =	vmul.f32 v1, v39;
	v4 =	vsub.f32 v12, v13;
	v13 =	vld.idx.msk [tilespmem:v44+s17+$0x0], $0xffff;
	[tilespmem:$0x1FDC0] =	vst v58  }
0xd0: {  	s29 =	simm.s32 $0xA0;
	v2 =	vmul.f32 v9, v51;
	v12 =	vmul.f32 v14, v52;
	[tilespmem:v58+s7+$0x0] =	vst.idx.msk $0xffff, v3  }
0xd1: {  	s28 =	simm.s32 $0x4A0;
	v7 =	vmul.f32 v7, v35;
	v14 =	vmul.f32 v14, v51;
	v30 =	vld [tilespmem:s29+$0x10];
	[tilespmem:$0x1FE40] =	vst v55  }
0xd2: {  	v9 =	vmul.f32 v9, v52;
	s17 =	simm.s32 $0x2800;
	v12 =	vsub.f32 v2, v12;
	[tilespmem:v55+s7+$0x0] =	vst.idx.msk $0xffff, v4;
	v32 =	vld [tilespmem:s28+$0x10]  }
0xd3: {  	s20 =	simm.s32 $0xB000;
	v1 =	vadd.f32 v7, v1;
	v7 =	vld.idx.msk [tilespmem:v34+s17+$0x0], $0xffff;
	[tilespmem:$0x1FF80] =	vst v34  }
0xd4: {  	v4 =	vadd.f32 v14, v9;
	[tilespmem:v29+s20+$0x0] =	vst.idx.msk $0xffff, v12  }
0xd5: {  	[tilespmem:$0x1FCB0] =	vst v62  }
0xd6: {  	[tilespmem:v22+s20+$0x0] =	vst.idx.msk $0xffff, v4  }
0xd7: {  	v3 =	vld [tilespmem:$0x1FE60];
	_ =	sdelay $0x4  }
0xd8: {  	v41 =	vmov v20;
	v9 =	vmul.f32 v5, v47;
	v14 =	vmul.f32 v10, v46  }
0xd9: {  	v31 =	vmov v59  }
0xda: {  	s22 =	simm.s32 $0x10A0;
	v5 =	vmul.f32 v5, v46;
	v9 =	vsub.f32 v9, v14;
	v14 =	vmul.f32 v11, v40;
	v12 =	vld.idx.msk [tilespmem:v62+s8+$0x0], $0xffff  }
0xdb: {  	s25 =	simm.s32 $0x14A0;
	v59 =	vmov v55;
	v11 =	vmul.f32 v11, v42;
	v55 =	vld [tilespmem:s22+$0x10];
	[tilespmem:v3+s7+$0x0] =	vst.idx.msk $0xffff, v1;
	v1 =	vmul.f32 v10, v47  }
0xdc: {  	v25 =	vmov v58;
	s4 =	simm.s32 $0x3800;
	v4 =	vmul.f32 v8, v42;
	v8 =	vmul.f32 v8, v40;
	v58 =	vld [tilespmem:s25+$0x10]  }
0xdd: {  	s18 =	simm.s32 $0xA800;
	v20 =	vmov v50;
	v15 =	vld.idx.msk [tilespmem:v41+s4+$0x0], $0xffff;
	v1 =	vadd.f32 v1, v5  }
0xde: {  	v50 =	vmov v48;
	v48 =	vmov v38;
	[tilespmem:v31+s18+$0x0] =	vst.idx.msk $0xffff, v9;
	v8 =	vadd.f32 v11, v8;
	v11 =	vld.idx.msk [tilespmem:v30+s30+$0x0], $0xffff  }
0xdf: {  	v9 =	vmul.f32 v13, v19;
	v4 =	vsub.f32 v4, v14;
	v10 =	vld.idx.msk [tilespmem:v56+s4+$0x0], $0xffff;
	[tilespmem:v17+s18+$0x0] =	vst.idx.msk $0xffff, v1  }
0xe0: {  	v14 =	vmul.f32 v7, v19;
	v5 =	vmul.f32 v13, v43;
	v13 =	vld.idx.msk [tilespmem:v32+s30+$0x0], $0xffff;
	[tilespmem:$0x1FE30] =	vst v37  }
0xe1: {  	s24 =	simm.s32 $0x8A0;
	[tilespmem:v37+s18+$0x0] =	vst.idx.msk $0xffff, v4  }
0xe2: {  	v28 =	vmov v27;
	v27 =	vmov v61;
	v5 =	vsub.f32 v5, v14;
	v61 =	vld [tilespmem:s24+$0x10];
	[tilespmem:$0x1FCE0] =	vst v33  }
0xe3: {  	s26 =	simm.s32 $0xCA0;
	v7 =	vmul.f32 v7, v43;
	[tilespmem:v33+s18+$0x0] =	vst.idx.msk $0xffff, v8  }
0xe4: {  	v38 =	vmov v44;
	v44 =	vld [tilespmem:s26+$0x10];
	[tilespmem:v48+s18+$0x0] =	vst.idx.msk $0xffff, v5  }
0xe5: {  	v7 =	vadd.f32 v7, v9;
	v8 =	vld.idx.msk [tilespmem:v54+s1+$0x0], $0xffff;
	[tilespmem:$0x1FCF0] =	vst v48  }
0xe6: {  	[tilespmem:$0x1FCC0] =	vst v57  }
0xe7: {  	[tilespmem:v36+s18+$0x0] =	vst.idx.msk $0xffff, v7  }
0xe8: {  	v0 =	vld [tilespmem:$0x1FD80];
	_ =	sdelay $0x3  }
0xe9: {  	v9 =	vmul.f32 v12, v60;
	v1 =	vmul.f32 v6, v63  }
0xea: {  	v4 =	vmul.f32 v6, v60;
	v6 =	vmul.f32 v12, v63  }
0xeb: {  	s19 =	simm.s32 $0x3000;
	v1 =	vsub.f32 v1, v9;
	v5 =	vld.idx.msk [tilespmem:v57+s8+$0x0], $0xffff;
	[tilespmem:$0x1FD00] =	vst v36  }
0xec: {  	v4 =	vadd.f32 v6, v4;
	v6 =	vld.idx.msk [tilespmem:v53+s19+$0x0], $0xffff;
	[tilespmem:$0x1FE70] =	vst v53  }
0xed: {  	[tilespmem:v0+s10+$0x0] =	vst.idx.msk $0xffff, v1  }
0xee: {  	v7 =	vmul.f32 v13, v58;
	v1 =	vmul.f32 v11, v55;
	[tilespmem:$0x1FE90] =	vst v20  }
0xef: {  	v9 =	vld.idx.msk [tilespmem:v20+s19+$0x0], $0xffff;
	[tilespmem:v49+s10+$0x0] =	vst.idx.msk $0xffff, v4  }
0xf0: {  	v12 =	vld.idx.msk [tilespmem:v50+s19+$0x0], $0xffff;
	v1 =	vsub.f32 v1, v7;
	[tilespmem:$0x1FED0] =	vst v50  }
0xf1: {  	v14 =	vld.idx.msk [tilespmem:v45+s19+$0x0], $0xffff;
	[tilespmem:$0x1FF00] =	vst v45  }
0xf2: {  	[tilespmem:v61+s0+$0x0] =	vst.idx.msk $0xffff, v1  }
0xf3: {  	v11 =	vmul.f32 v11, v58;
	v0 =	vmov v50;
	v4 =	vmul.f32 v13, v55;
	v50 =	vld [tilespmem:$0x1FCD0]  }
0xf4: {  	v7 =	vmul.f32 v10, v51;
	v13 =	vmul.f32 v15, v52;
	v2 =	vld [tilespmem:$0x1FF10]  }
0xf5: {  	v10 =	vmul.f32 v10, v52;
	v4 =	vadd.f32 v4, v11;
	v11 =	vmul.f32 v15, v51  }
0xf6: {  	v7 =	vsub.f32 v7, v13  }
0xf7: {  	v23 =	vmov v31;
	s3 =	simm.s32 $0x2000;
	v31 =	vmov v17;
	v17 =	vld.idx.msk [tilespmem:v38+s19+$0x0], $0xffff;
	v10 =	vadd.f32 v11, v10;
	[tilespmem:v44+s0+$0x0] =	vst.idx.msk $0xffff, v4  }
0xf8: {  	[tilespmem:v29+s7+$0x0] =	vst.idx.msk $0xffff, v7;
	v13 =	vld.idx.msk [tilespmem:v30+s3+$0x0], $0xffff  }
0xf9: {  	[tilespmem:v22+s7+$0x0] =	vst.idx.msk $0xffff, v10;
	v10 =	vld.idx.msk [tilespmem:v32+s3+$0x0], $0xffff  }
0xfa: {  	v4 =	vmul.f32 v6, v47;
	v7 =	vmul.f32 v9, v46;
	v24 =	vld [tilespmem:$0x1FD70]  }
0xfb: {  	v1 =	vld.idx.msk [tilespmem:v50+s8+$0x0], $0xffff  }
0xfc: {  	v6 =	vmul.f32 v6, v46;
	v9 =	vmul.f32 v9, v47;
	v4 =	vsub.f32 v4, v7;
	v11 =	vld.idx.msk [tilespmem:v2+s8+$0x0], $0xffff  }
0xfd: {  	v15 =	vmul.f32 v12, v42;
	v16 =	vmul.f32 v14, v40;
	v2 =	vmovc v29;
	v29 =	vmov v22;
	v22 =	vld [tilespmem:$0x1FD60]  }
0xfe: {  	v7 =	vld.idx.msk [tilespmem:v26+s8+$0x0], $0xffff;
	[tilespmem:v23+s20+$0x0] =	vst.idx.msk $0xffff, v4  }
0xff: {  	v6 =	vadd.f32 v9, v6;
	v15 =	vsub.f32 v15, v16;
	v16 =	vld.idx.msk [tilespmem:v56+s8+$0x0], $0xffff;
	[tilespmem:$0x1FD10] =	vst v23  }
0x100: {  	v54 =	vmov v36;
	v12 =	vmul.f32 v12, v40;
	v14 =	vmul.f32 v14, v42;
	[tilespmem:$0x1FC90] =	vst v41  }
0x101: {  	v36 =	vmov v23;
	v23 =	vmul.f32 v13, v55;
	[tilespmem:v31+s20+$0x0] =	vst.idx.msk $0xffff, v6;
	v6 =	vmul.f32 v10, v55  }
0x102: {  	v9 =	vmul.f32 v1, v24;
	v4 =	vmul.f32 v5, v22  }
0x103: {  	v12 =	vadd.f32 v14, v12;
	v14 =	vld.idx.msk [tilespmem:v34+s19+$0x0], $0xffff;
	v5 =	vmul.f32 v5, v24;
	v24 =	vmul.f32 v10, v58  }
0x104: {  	v1 =	vmul.f32 v1, v22;
	v22 =	vld.idx.msk [tilespmem:v41+s8+$0x0], $0xffff;
	[tilespmem:$0x1FD20] =	vst v31;
	v10 =	vmul.f32 v13, v58  }
0x105: {  	[tilespmem:v37+s20+$0x0] =	vst.idx.msk $0xffff, v15;
	v4 =	vsub.f32 v4, v9;
	v9 =	vsub.f32 v23, v24  }
0x106: {  	s16 =	simm.s32 $0xA000;
	v13 =	vld.idx.msk [tilespmem:v28+s12+$0x0], $0xffff;
	[tilespmem:v33+s20+$0x0] =	vst.idx.msk $0xffff, v12  }
0x107: {  	v15 =	vld.idx.msk [tilespmem:v62+s12+$0x0], $0xffff;
	v5 =	vadd.f32 v1, v5;
	v1 =	vadd.f32 v6, v10;
	[tilespmem:v61+s16+$0x0] =	vst.idx.msk $0xffff, v9  }
0x108: {  	v10 =	vld.idx.msk [tilespmem:v53+s4+$0x0], $0xffff;
	[tilespmem:v27+s10+$0x0] =	vst.idx.msk $0xffff, v4  }
0x109: {  	v6 =	vmul.f32 v16, v51;
	v62 =	vld.idx.msk [tilespmem:v0+s4+$0x0], $0xffff;
	v12 =	vmul.f32 v22, v52;
	[tilespmem:v44+s16+$0x0] =	vst.idx.msk $0xffff, v1  }
0x10a: {  	v16 =	vmul.f32 v16, v52;
	v9 =	vld.idx.msk [tilespmem:v20+s4+$0x0], $0xffff;
	v22 =	vmul.f32 v22, v51;
	[tilespmem:$0x1FDB0] =	vst v27  }
0x10b: {  	v4 =	vsub.f32 v6, v12;
	v12 =	vld.idx.msk [tilespmem:v30+s17+$0x0], $0xffff  }
0x10c: {  	v6 =	vadd.f32 v22, v16;
	v16 =	vld.idx.msk [tilespmem:v32+s17+$0x0], $0xffff;
	_ =	sdelay $0x3  }
0x10d: {  	[tilespmem:v25+s10+$0x0] =	vst.idx.msk $0xffff, v5  }
0x10e: {  	[tilespmem:v2+s10+$0x0] =	vst.idx.msk $0xffff, v4;
	v24 =	vmul.f32 v12, v55;
	v25 =	vmul.f32 v16, v58  }
0x10f: {  	[tilespmem:$0x1FD40] =	vst v2;
	v16 =	vmul.f32 v16, v55;
	v12 =	vmul.f32 v12, v58  }
0x110: {  	[tilespmem:v29+s10+$0x0] =	vst.idx.msk $0xffff, v6;
	v25 =	vsub.f32 v24, v25  }
0x111: {  	v37 =	vld.idx.msk [tilespmem:v45+s4+$0x0], $0xffff;
	[tilespmem:$0x1FD50] =	vst v29;
	v12 =	vadd.f32 v16, v12  }
0x112: {  	v0 =	vld [tilespmem:$0x1FC60];
	[tilespmem:v61+s18+$0x0] =	vst.idx.msk $0xffff, v25  }
0x113: {  	[tilespmem:v44+s18+$0x0] =	vst.idx.msk $0xffff, v12  }
0x114: {  	v1 =	vld [tilespmem:$0x1FC70];
	_ =	sdelay $0x3  }
0x115: {  	v34 =	vmov v27;
	v27 =	vmul.f32 v8, v21;
	v26 =	vmul.f32 v0, v18  }
0x116: {  	v6 =	vld.idx.msk [tilespmem:v57+s12+$0x0], $0xffff  }
0x117: {  	v4 =	vld.idx.msk [tilespmem:v56+s12+$0x0], $0xffff;
	v16 =	vsub.f32 v26, v27  }
0x118: {  	s15 =	simm.s32 $0xD000;
	v22 =	vld.idx.msk [tilespmem:v41+s12+$0x0], $0xffff  }
0x119: {  	v23 =	vld.idx.msk [tilespmem:v50+s12+$0x0], $0xffff;
	[tilespmem:v1+s15+$0x0] =	vst.idx.msk $0xffff, v16  }
0x11a: {  	v1 =	vld [tilespmem:$0x1FC80]  }
0x11b: {  	v28 =	vmov v29;
	v29 =	vld [tilespmem:s28+$0xFFFFFFE0]  }
0x11c: {  	v49 =	vmov v31;
	v31 =	vld [tilespmem:s29+$0xFFFFFFF0]  }
0x11d: {  	v5 =	vld [tilespmem:s28+$0xFFFFFFF0]  }
0x11e: {  	v8 =	vmul.f32 v8, v18;
	v50 =	vld [tilespmem:s29+$0xFFFFFFE0];
	v0 =	vmul.f32 v0, v21  }
0x11f: {  	v24 =	vld [tilespmem:s29+$0x0];
	[tilespmem:$0x1FE10] =	vst v35  }
0x120: {  	v0 =	vadd.f32 v8, v0;
	[tilespmem:$0x1FE20] =	vst v39  }
0x121: {  	v12 =	vmul.f32 v7, v39;
	v8 =	vmul.f32 v11, v35;
	v16 =	vld.idx.msk [tilespmem:v30+s19+$0x0], $0xffff  }
0x122: {  	[tilespmem:v1+s15+$0x0] =	vst.idx.msk $0xffff, v0;
	v0 =	vmul.f32 v7, v35;
	v7 =	vmul.f32 v11, v39;
	v11 =	vld.idx.msk [tilespmem:v32+s19+$0x0], $0xffff  }
0x123: {  	v18 =	vmul.f32 v14, v19;
	v8 =	vsub.f32 v8, v12;
	v12 =	vmul.f32 v17, v43  }
0x124: {  	v14 =	vmul.f32 v14, v43;
	v0 =	vadd.f32 v0, v7;
	v7 =	vmul.f32 v17, v19  }
0x125: {  	v12 =	vsub.f32 v12, v18;
	v18 =	vmul.f32 v10, v47;
	v10 =	vmul.f32 v10, v46  }
0x126: {  	v20 =	vmul.f32 v16, v55;
	v7 =	vadd.f32 v14, v7;
	v14 =	vmul.f32 v9, v46  }
0x127: {  	[tilespmem:v48+s20+$0x0] =	vst.idx.msk $0xffff, v12;
	v33 =	vld [tilespmem:s22+$0xFFFFFFE0];
	v9 =	vmul.f32 v9, v47;
	v21 =	vmul.f32 v11, v58  }
0x128: {  	v53 =	vld [tilespmem:s24+$0xFFFFFFE0];
	[tilespmem:v54+s20+$0x0] =	vst.idx.msk $0xffff, v7;
	v7 =	vmul.f32 v11, v55;
	v11 =	vmul.f32 v16, v58  }
0x129: {  	[tilespmem:v59+s10+$0x0] =	vst.idx.msk $0xffff, v8;
	v17 =	vld.idx.msk [tilespmem:v29+s30+$0x0], $0xffff;
	v8 =	vsub.f32 v18, v14;
	v14 =	vsub.f32 v20, v21  }
0x12a: {  	v1 =	vmov v29;
	v29 =	vld [tilespmem:s25+$0xFFFFFFE0];
	[tilespmem:v3+s10+$0x0] =	vst.idx.msk $0xffff, v0;
	v9 =	vadd.f32 v9, v10;
	v0 =	vadd.f32 v7, v11  }
0x12b: {  	v16 =	vld.idx.msk [tilespmem:v50+s30+$0x0], $0xffff;
	v10 =	vmul.f32 v37, v40;
	v7 =	vmul.f32 v62, v42;
	[tilespmem:v61+s20+$0x0] =	vst.idx.msk $0xffff, v14  }
0x12c: {  	v54 =	vld [tilespmem:s26+$0xFFFFFFE0];
	v11 =	vmul.f32 v4, v51;
	v14 =	vmul.f32 v22, v52;
	[tilespmem:v44+s20+$0x0] =	vst.idx.msk $0xffff, v0  }
0x12d: {  	[tilespmem:v36+s7+$0x0] =	vst.idx.msk $0xffff, v8;
	v8 =	vmul.f32 v22, v51;
	v4 =	vmul.f32 v4, v52;
	v18 =	vld.idx.msk [tilespmem:v30+s4+$0x0], $0xffff  }
0x12e: {  	[tilespmem:v49+s7+$0x0] =	vst.idx.msk $0xffff, v9;
	v0 =	vsub.f32 v7, v10;
	v7 =	vsub.f32 v11, v14;
	v9 =	vld.idx.msk [tilespmem:v32+s4+$0x0], $0xffff  }
0x12f: {  	v4 =	vadd.f32 v8, v4;
	v8 =	vmul.f32 v15, v60;
	v10 =	vmul.f32 v15, v63  }
0x130: {  	v14 =	vmul.f32 v17, v29;
	[tilespmem:v2+s14+$0x0] =	vst.idx.msk $0xffff, v7;
	v7 =	vmul.f32 v16, v33  }
0x131: {  	v15 =	vmul.f32 v16, v29;
	[tilespmem:v28+s14+$0x0] =	vst.idx.msk $0xffff, v4;
	v4 =	vmul.f32 v17, v33  }
0x132: {  	v7 =	vsub.f32 v7, v14  }
0x133: {  	v57 =	vld [tilespmem:s28+$0x0];
	v4 =	vadd.f32 v4, v15;
	v15 =	vmul.f32 v18, v55;
	v16 =	vmul.f32 v9, v58  }
0x134: {  	v12 =	vld.idx.msk [tilespmem:v24+s30+$0x0], $0xffff;
	[tilespmem:v53+s0+$0x0] =	vst.idx.msk $0xffff, v7;
	v7 =	vmul.f32 v9, v55;
	v9 =	vmul.f32 v18, v58  }
0x135: {  	v15 =	vsub.f32 v15, v16;
	v28 =	vld [tilespmem:$0x1FD60]  }
0x136: {  	v26 =	vld [tilespmem:$0x1FD70];
	[tilespmem:v54+s0+$0x0] =	vst.idx.msk $0xffff, v4;
	v4 =	vadd.f32 v7, v9  }
0x137: {  	v27 =	vld [tilespmem:s25+$0x0];
	[tilespmem:v61+s7+$0x0] =	vst.idx.msk $0xffff, v15  }
0x138: {  	v25 =	vld [tilespmem:s26+$0x0];
	[tilespmem:v44+s7+$0x0] =	vst.idx.msk $0xffff, v4  }
0x139: {  	v3 =	vld [tilespmem:$0x1FD80]  }
0x13a: {  	v35 =	vld.idx.msk [tilespmem:v5+s30+$0x0], $0xffff  }
0x13b: {  	v39 =	vmov v43;
	v43 =	vmov v24;
	v24 =	vld [tilespmem:s22+$0x0]  }
0x13c: {  	v41 =	vmov v19;
	v19 =	vld.idx.msk [tilespmem:v31+s30+$0x0], $0xffff  }
0x13d: {  	v21 =	vld [tilespmem:s22+$0xFFFFFFF0];
	v14 =	vmul.f32 v13, v63  }
0x13e: {  	v20 =	vld [tilespmem:s25+$0xFFFFFFF0]  }
0x13f: {  	v59 =	vmov v62;
	v62 =	vld [tilespmem:s26+$0xFFFFFFF0];
	v8 =	vsub.f32 v14, v8  }
0x140: {  	v49 =	vld [tilespmem:s24+$0xFFFFFFF0];
	v16 =	vmul.f32 v6, v28;
	v17 =	vmul.f32 v23, v26  }
0x141: {  	v11 =	vld.idx.msk [tilespmem:v57+s30+$0x0], $0xffff;
	[tilespmem:v3+s14+$0x0] =	vst.idx.msk $0xffff, v8  }
0x142: {  	v13 =	vmul.f32 v13, v60;
	v9 =	vsub.f32 v16, v17;
	v16 =	vld [tilespmem:$0x1FD90]  }
0x143: {  	v18 =	vld [tilespmem:s24+$0x0]  }
0x144: {  	v14 =	vmul.f32 v19, v20;
	v7 =	vadd.f32 v10, v13;
	v10 =	vmul.f32 v35, v21;
	v13 =	vld.idx.msk [tilespmem:v50+s3+$0x0], $0xffff  }
0x145: {  	v4 =	vmul.f32 v35, v20;
	v15 =	vld.idx.msk [tilespmem:v30+s8+$0x0], $0xffff;
	v8 =	vmul.f32 v19, v21  }
0x146: {  	v17 =	vld.idx.msk [tilespmem:v32+s8+$0x0], $0xffff  }
0x147: {  	v4 =	vsub.f32 v8, v4;
	v8 =	vadd.f32 v10, v14;
	v14 =	vld.idx.msk [tilespmem:v1+s3+$0x0], $0xffff  }
0x148: {  	v19 =	vmov v1;
	[tilespmem:v34+s14+$0x0] =	vst.idx.msk $0xffff, v9;
	v9 =	vmul.f32 v23, v28;
	v1 =	vld.idx.msk [tilespmem:v56+s1+$0x0], $0xffff  }
0x149: {  	v10 =	vmul.f32 v6, v26;
	[tilespmem:v49+s0+$0x0] =	vst.idx.msk $0xffff, v4;
	v4 =	vmul.f32 v11, v24  }
0x14a: {  	[tilespmem:v16+s14+$0x0] =	vst.idx.msk $0xffff, v7;
	v7 =	vmul.f32 v12, v24;
	v16 =	vmul.f32 v11, v27  }
0x14b: {  	[tilespmem:v62+s0+$0x0] =	vst.idx.msk $0xffff, v8;
	v8 =	vmul.f32 v13, v33;
	v11 =	vmul.f32 v12, v27  }
0x14c: {  	v12 =	vmul.f32 v13, v29;
	v13 =	vmul.f32 v15, v55;
	v7 =	vsub.f32 v7, v16  }
0x14d: {  	v15 =	vmul.f32 v15, v58;
	[tilespmem:$0x1FD30] =	vst v1;
	v16 =	vmul.f32 v17, v58  }
0x14e: {  	v4 =	vadd.f32 v4, v11;
	v11 =	vld.idx.msk [tilespmem:v31+s3+$0x0], $0xffff;
	[tilespmem:v18+s0+$0x0] =	vst.idx.msk $0xffff, v7;
	v7 =	vmul.f32 v17, v55  }
0x14f: {  	v34 =	vmov v18;
	v17 =	vld.idx.msk [tilespmem:v5+s3+$0x0], $0xffff;
	v13 =	vsub.f32 v13, v16;
	v16 =	vmul.f32 v14, v29;
	[tilespmem:$0x1FF70] =	vst v38  }
0x150: {  	v14 =	vmul.f32 v14, v33;
	v18 =	vld.idx.msk [tilespmem:v38+s4+$0x0], $0xffff;
	[tilespmem:v25+s0+$0x0] =	vst.idx.msk $0xffff, v4;
	v4 =	vadd.f32 v7, v15  }
0x151: {  	v48 =	vmov v38;
	v8 =	vsub.f32 v8, v16;
	v38 =	vld [tilespmem:$0x1FF80];
	[tilespmem:v61+s10+$0x0] =	vst.idx.msk $0xffff, v13  }
0x152: {  	v9 =	vadd.f32 v9, v10;
	v10 =	vadd.f32 v14, v12;
	[tilespmem:v44+s10+$0x0] =	vst.idx.msk $0xffff, v4  }
0x153: {  	[tilespmem:v53+s16+$0x0] =	vst.idx.msk $0xffff, v8  }
0x154: {  	[tilespmem:v54+s16+$0x0] =	vst.idx.msk $0xffff, v10  }
0x155: {  	v2 =	vld [tilespmem:$0x1FDC0];
	_ =	sdelay $0x1  }
0x156: {  	v1 =	vmul.f32 v59, v40;
	v4 =	vmul.f32 v37, v42  }
0x157: {  	v8 =	vmul.f32 v11, v21;
	v13 =	vmul.f32 v17, v20;
	_ =	sdelay $0x1  }
0x158: {  	v1 =	vadd.f32 v4, v1;
	v4 =	vsub.f32 v8, v13;
	_ =	sdelay $0x1  }
0x159: {  	[tilespmem:v49+s16+$0x0] =	vst.idx.msk $0xffff, v4  }
0x15a: {  	[tilespmem:v2+s14+$0x0] =	vst.idx.msk $0xffff, v9  }
0x15b: {  	v2 =	vld [tilespmem:$0x1FC90];
	_ =	sdelay $0x3  }
0x15c: {  	v10 =	vmul.f32 v11, v20;
	v11 =	vmul.f32 v17, v21;
	_ =	sdelay $0x1  }
0x15d: {  	v8 =	vadd.f32 v11, v10  }
0x15e: {  	v12 =	vld.idx.msk [tilespmem:v43+s3+$0x0], $0xffff  }
0x15f: {  	[tilespmem:v62+s16+$0x0] =	vst.idx.msk $0xffff, v8;
	v6 =	vld.idx.msk [tilespmem:v2+s1+$0x0], $0xffff  }
0x160: {  	v2 =	vld [tilespmem:$0x1FCA0]  }
0x161: {  	v23 =	vmov v5;
	v5 =	vld.idx.msk [tilespmem:v57+s3+$0x0], $0xffff  }
0x162: {  	v14 =	vld.idx.msk [tilespmem:v32+s12+$0x0], $0xffff  }
0x163: {  	v15 =	vld.idx.msk [tilespmem:v30+s12+$0x0], $0xffff  }
0x164: {  	v13 =	vld.idx.msk [tilespmem:v50+s17+$0x0], $0xffff  }
0x165: {  	v11 =	vld.idx.msk [tilespmem:v19+s17+$0x0], $0xffff;
	v10 =	vmul.f32 v12, v27  }
0x166: {  	v7 =	vld.idx.msk [tilespmem:v38+s4+$0x0], $0xffff;
	v9 =	vmul.f32 v12, v24;
	v12 =	vmul.f32 v5, v27  }
0x167: {  	v17 =	vld.idx.msk [tilespmem:v31+s17+$0x0], $0xffff  }
0x168: {  	v9 =	vsub.f32 v9, v12;
	v59 =	vld.idx.msk [tilespmem:v2+s1+$0x0], $0xffff;
	[tilespmem:$0x1FFC0] =	vst v39  }
0x169: {  	[tilespmem:$0x1FDA0] =	vst v41  }
0x16a: {  	[tilespmem:v34+s16+$0x0] =	vst.idx.msk $0xffff, v9  }
0x16b: {  	v3 =	vld [tilespmem:$0x1FCB0];
	_ =	sdelay $0x3  }
0x16c: {  	v16 =	vmul.f32 v5, v24;
	_ =	sdelay $0x1  }
0x16d: {  	v10 =	vadd.f32 v16, v10;
	_ =	sdelay $0x1  }
0x16e: {  	[tilespmem:v25+s16+$0x0] =	vst.idx.msk $0xffff, v10;
	v9 =	vld.idx.msk [tilespmem:v3+s1+$0x0], $0xffff  }
0x16f: {  	v3 =	vld [tilespmem:$0x1FCC0];
	_ =	sdelay $0x7  }
0x170: {  	v45 =	vmov v19;
	v19 =	vmul.f32 v7, v41;
	v2 =	vmov v41;
	v41 =	vld.idx.msk [tilespmem:v3+s1+$0x0], $0xffff  }
0x171: {  	v3 =	vld [tilespmem:$0x1FE30];
	_ =	sdelay $0x1  }
0x172: {  	v8 =	vmul.f32 v14, v58;
	v12 =	vmul.f32 v15, v55  }
0x173: {  	v14 =	vmul.f32 v14, v55;
	v15 =	vmul.f32 v15, v58  }
0x174: {  	v10 =	vsub.f32 v12, v8  }
0x175: {  	v12 =	vadd.f32 v14, v15  }
0x176: {  	[tilespmem:v61+s14+$0x0] =	vst.idx.msk $0xffff, v10  }
0x177: {  	[tilespmem:v44+s14+$0x0] =	vst.idx.msk $0xffff, v12  }
0x178: {  	v14 =	vld.idx.msk [tilespmem:v43+s17+$0x0], $0xffff;
	[tilespmem:v3+s7+$0x0] =	vst.idx.msk $0xffff, v0  }
0x179: {  	v5 =	vld [tilespmem:$0x1FCD0]  }
0x17a: {  	v36 =	vmov v43;
	v43 =	vld [tilespmem:$0x1FCE0];
	_ =	sdelay $0x1  }
0x17b: {  	v16 =	vmul.f32 v18, v39;
	v22 =	vld.idx.msk [tilespmem:v23+s17+$0x0], $0xffff  }
0x17c: {  	v4 =	vmovc v39;
	v56 =	vmul.f32 v11, v29;
	v39 =	vmov v23;
	v23 =	vmul.f32 v13, v33;
	_ =	sdelay $0x1  }
0x17d: {  	v11 =	vmul.f32 v11, v33;
	v10 =	vmul.f32 v13, v29;
	v0 =	vsub.f32 v23, v56  }
0x17e: {  	v16 =	vsub.f32 v16, v19;
	v15 =	vmul.f32 v17, v21;
	v13 =	vld.idx.msk [tilespmem:v57+s17+$0x0], $0xffff  }
0x17f: {  	v19 =	vmul.f32 v22, v20;
	v10 =	vadd.f32 v11, v10;
	[tilespmem:v53+s18+$0x0] =	vst.idx.msk $0xffff, v0;
	v8 =	vld.idx.msk [tilespmem:v5+s1+$0x0], $0xffff  }
0x180: {  	[tilespmem:v43+s7+$0x0] =	vst.idx.msk $0xffff, v1;
	v1 =	vmul.f32 v17, v20;
	v17 =	vmul.f32 v22, v21;
	v5 =	vld.idx.msk [tilespmem:v30+s1+$0x0], $0xffff  }
0x181: {  	v11 =	vsub.f32 v15, v19;
	v30 =	vld [tilespmem:$0x1FE70]  }
0x182: {  	v37 =	vmov v34;
	v34 =	vmov v25;
	v25 =	vld [tilespmem:$0x1FE90];
	[tilespmem:v54+s18+$0x0] =	vst.idx.msk $0xffff, v10;
	v1 =	vadd.f32 v17, v1  }
0x183: {  	[tilespmem:v49+s18+$0x0] =	vst.idx.msk $0xffff, v11  }
0x184: {  	[tilespmem:v62+s18+$0x0] =	vst.idx.msk $0xffff, v1  }
0x185: {  	v12 =	vld [tilespmem:$0x1FCF0];
	_ =	sdelay $0x1  }
0x186: {  	v15 =	vmul.f32 v18, v2;
	v28 =	vld.idx.msk [tilespmem:v32+s1+$0x0], $0xffff;
	v18 =	vmul.f32 v13, v27  }
0x187: {  	v10 =	vmul.f32 v14, v24;
	v11 =	vmul.f32 v14, v27;
	v14 =	vld.idx.msk [tilespmem:v50+s19+$0x0], $0xffff  }
0x188: {  	v1 =	vld.idx.msk [tilespmem:v45+s19+$0x0], $0xffff  }
0x189: {  	v10 =	vsub.f32 v10, v18;
	v0 =	vld.idx.msk [tilespmem:v30+s8+$0x0], $0xffff  }
0x18a: {  	v13 =	vmul.f32 v13, v24;
	v17 =	vld.idx.msk [tilespmem:v25+s8+$0x0], $0xffff;
	[tilespmem:$0x1FE50] =	vst v45  }
0x18b: {  	[tilespmem:v37+s18+$0x0] =	vst.idx.msk $0xffff, v10  }
0x18c: {  	v11 =	vadd.f32 v13, v11;
	v13 =	vld.idx.msk [tilespmem:v31+s19+$0x0], $0xffff;
	[tilespmem:v12+s7+$0x0] =	vst.idx.msk $0xffff, v16  }
0x18d: {  	v16 =	vld.idx.msk [tilespmem:v39+s19+$0x0], $0xffff;
	[tilespmem:$0x1FEA0] =	vst v39  }
0x18e: {  	[tilespmem:v34+s18+$0x0] =	vst.idx.msk $0xffff, v11  }
0x18f: {  	v32 =	vld [tilespmem:$0x1FD00];
	_ =	sdelay $0x3  }
0x190: {  	v7 =	vmul.f32 v7, v4;
	_ =	sdelay $0x1  }
0x191: {  	v2 =	vmov v54;
	v7 =	vadd.f32 v7, v15;
	v54 =	vld [tilespmem:$0x1FED0];
	_ =	sdelay $0x1  }
0x192: {  	[tilespmem:v32+s7+$0x0] =	vst.idx.msk $0xffff, v7  }
0x193: {  	v26 =	vld [tilespmem:$0x1FD10];
	_ =	sdelay $0x3  }
0x194: {  	v10 =	vmul.f32 v0, v47;
	v15 =	vmul.f32 v17, v46  }
0x195: {  	v0 =	vmul.f32 v0, v46;
	v11 =	vmul.f32 v17, v47;
	v17 =	vld.idx.msk [tilespmem:v54+s8+$0x0], $0xffff  }
0x196: {  	v7 =	vsub.f32 v10, v15;
	v10 =	vld.idx.msk [tilespmem:v36+s19+$0x0], $0xffff;
	[tilespmem:$0x1FEB0] =	vst v36  }
0x197: {  	v0 =	vadd.f32 v11, v0;
	v11 =	vld.idx.msk [tilespmem:v57+s19+$0x0], $0xffff;
	[tilespmem:$0x1FEC0] =	vst v57  }
0x198: {  	[tilespmem:v26+s10+$0x0] =	vst.idx.msk $0xffff, v7  }
0x199: {  	v4 =	vmovc v37;
	v37 =	vmov v34;
	v34 =	vmov v36;
	v36 =	vmov v57;
	v57 =	vld [tilespmem:$0x1FD20];
	_ =	sdelay $0x2  }
0x19a: {  	v18 =	vmul.f32 v1, v29;
	v15 =	vmul.f32 v14, v33;
	_ =	sdelay $0x1  }
0x19b: {  	v56 =	vmov v45;
	v15 =	vsub.f32 v15, v18;
	v45 =	vld [tilespmem:$0x1FF00];
	_ =	sdelay $0x1  }
0x19c: {  	[tilespmem:v53+s20+$0x0] =	vst.idx.msk $0xffff, v15  }
0x19d: {  	v1 =	vmul.f32 v1, v33;
	v7 =	vmul.f32 v14, v29;
	[tilespmem:v57+s10+$0x0] =	vst.idx.msk $0xffff, v0  }
0x19e: {  	v0 =	vld [tilespmem:$0x1FF10]  }
0x19f: {  	v19 =	vmul.f32 v13, v21;
	v13 =	vmul.f32 v13, v20;
	v7 =	vadd.f32 v1, v7;
	v1 =	vld [tilespmem:$0x1FF50]  }
0x1a0: {  	v22 =	vmul.f32 v16, v20;
	v16 =	vmul.f32 v16, v21;
	v18 =	vld.idx.msk [tilespmem:v48+s8+$0x0], $0xffff  }
0x1a1: {  	v23 =	vld.idx.msk [tilespmem:v38+s8+$0x0], $0xffff  }
0x1a2: {  	v13 =	vadd.f32 v16, v13;
	v16 =	vmul.f32 v11, v27;
	v15 =	vmul.f32 v10, v24;
	v14 =	vld.idx.msk [tilespmem:v45+s8+$0x0], $0xffff  }
0x1a3: {  	v19 =	vsub.f32 v19, v22;
	v22 =	vld.idx.msk [tilespmem:v30+s12+$0x0], $0xffff  }
0x1a4: {  	v15 =	vsub.f32 v15, v16;
	[tilespmem:v2+s20+$0x0] =	vst.idx.msk $0xffff, v7;
	v16 =	vld.idx.msk [tilespmem:v25+s12+$0x0], $0xffff  }
0x1a5: {  	[tilespmem:v49+s20+$0x0] =	vst.idx.msk $0xffff, v19;
	v35 =	vld.idx.msk [tilespmem:v50+s4+$0x0], $0xffff  }
0x1a6: {  	v11 =	vmul.f32 v11, v24;
	v10 =	vmul.f32 v10, v27;
	[tilespmem:v62+s20+$0x0] =	vst.idx.msk $0xffff, v13;
	v0 =	vld.idx.msk [tilespmem:v0+s12+$0x0], $0xffff  }
0x1a7: {  	v1 =	vld.idx.msk [tilespmem:v1+s12+$0x0], $0xffff;
	[tilespmem:$0x1FFB0] =	vst v62  }
0x1a8: {  	v10 =	vadd.f32 v11, v10;
	v11 =	vld.idx.msk [tilespmem:v56+s4+$0x0], $0xffff;
	[tilespmem:$0x1FFE0] =	vst v4  }
0x1a9: {  	[tilespmem:v4+s20+$0x0] =	vst.idx.msk $0xffff, v15  }
0x1aa: {  	v19 =	vmul.f32 v17, v42;
	v7 =	vmul.f32 v14, v40;
	[tilespmem:v37+s20+$0x0] =	vst.idx.msk $0xffff, v10  }
0x1ab: {  	v38 =	vmov v2;
	v17 =	vmul.f32 v17, v40;
	v14 =	vmul.f32 v14, v42;
	v2 =	vld [tilespmem:$0x1FD30]  }
0x1ac: {  	v7 =	vsub.f32 v19, v7  }
0x1ad: {  	v13 =	vadd.f32 v14, v17;
	v14 =	vld.idx.msk [tilespmem:v31+s4+$0x0], $0xffff;
	[tilespmem:$0x1FFF0] =	vst v37  }
0x1ae: {  	[tilespmem:v3+s10+$0x0] =	vst.idx.msk $0xffff, v7  }
0x1af: {  	v25 =	vmov v4;
	v15 =	vmul.f32 v6, v52;
	v4 =	vmul.f32 v6, v51;
	[tilespmem:v43+s10+$0x0] =	vst.idx.msk $0xffff, v13  }
0x1b0: {  	v10 =	vmul.f32 v2, v51;
	v6 =	vmul.f32 v2, v52;
	v2 =	vld [tilespmem:$0x1FD40];
	_ =	sdelay $0x5  }
0x1b1: {  	v10 =	vsub.f32 v10, v15;
	_ =	sdelay $0x1  }
0x1b2: {  	[tilespmem:v2+s15+$0x0] =	vst.idx.msk $0xffff, v10  }
0x1b3: {  	v3 =	vmul.f32 v5, v58;
	v15 =	vmul.f32 v5, v55;
	v5 =	vld [tilespmem:$0x1FD50];
	_ =	sdelay $0x5  }
0x1b4: {  	v19 =	vmul.f32 v28, v58;
	v4 =	vadd.f32 v4, v6  }
0x1b5: {  	v2 =	vmul.f32 v28, v55  }
0x1b6: {  	[tilespmem:v5+s15+$0x0] =	vst.idx.msk $0xffff, v4;
	v4 =	vsub.f32 v15, v19  }
0x1b7: {  	v2 =	vadd.f32 v2, v3  }
0x1b8: {  	[tilespmem:v61+s15+$0x0] =	vst.idx.msk $0xffff, v4  }
0x1b9: {  	[tilespmem:v44+s15+$0x0] =	vst.idx.msk $0xffff, v2  }
0x1ba: {  	v19 =	vld [tilespmem:$0x1FD80];
	_ =	sdelay $0x2  }
0x1bb: {  	v3 =	vmul.f32 v59, v63  }
0x1bc: {  	v15 =	vmul.f32 v9, v60;
	v4 =	vmul.f32 v9, v63;
	v9 =	vld [tilespmem:$0x1FD60];
	_ =	sdelay $0x1  }
0x1bd: {  	v2 =	vsub.f32 v3, v15  }
0x1be: {  	v5 =	vmul.f32 v59, v60  }
0x1bf: {  	v15 =	vld [tilespmem:$0x1FD70];
	[tilespmem:v19+s15+$0x0] =	vst.idx.msk $0xffff, v2  }
0x1c0: {  	v3 =	vadd.f32 v4, v5;
	v4 =	vmul.f32 v41, v9;
	v2 =	vmul.f32 v8, v9;
	v9 =	vld [tilespmem:$0x1FD90];
	_ =	sdelay $0x7  }
0x1c1: {  	[tilespmem:v9+s15+$0x0] =	vst.idx.msk $0xffff, v3  }
0x1c2: {  	v9 =	vld [tilespmem:$0x1FDB0];
	_ =	sdelay $0x1  }
0x1c3: {  	v17 =	vld.idx.msk [tilespmem:v39+s4+$0x0], $0xffff  }
0x1c4: {  	s29 =	simm.s32 $0xE0;
	v7 =	vld.idx.msk [tilespmem:v34+s4+$0x0], $0xffff  }
0x1c5: {  	s22 =	simm.s32 $0x4E0;
	v39 =	vld [tilespmem:s29+$0x10];
	v5 =	vmul.f32 v8, v15  }
0x1c6: {  	v56 =	vmov v37;
	v37 =	vld [tilespmem:s22+$0x10];
	v8 =	vmul.f32 v41, v15  }
0x1c7: {  	v48 =	vld [tilespmem:s29+$0xFFFFFFF0];
	v3 =	vsub.f32 v4, v5  }
0x1c8: {  	v2 =	vadd.f32 v2, v8;
	v8 =	vld [tilespmem:$0x1FFC0]  }
0x1c9: {  	v59 =	vld [tilespmem:$0x1FDA0];
	[tilespmem:v9+s15+$0x0] =	vst.idx.msk $0xffff, v3  }
0x1ca: {  	s25 =	simm.s32 $0x14E0;
	v15 =	vld [tilespmem:$0x1FDC0]  }
0x1cb: {  	s26 =	simm.s32 $0x8E0;
	v30 =	vmov v62;
	v62 =	vld [tilespmem:s25+$0x10]  }
0x1cc: {  	v34 =	vld [tilespmem:s26+$0x10]  }
0x1cd: {  	v13 =	vld.idx.msk [tilespmem:v36+s4+$0x0], $0xffff  }
0x1ce: {  	v36 =	vld [tilespmem:s22+$0xFFFFFFE0]  }
0x1cf: {  	v6 =	vld.idx.msk [tilespmem:v54+s12+$0x0], $0xffff  }
0x1d0: {  	v54 =	vmov v50;
	v50 =	vld [tilespmem:s22+$0xFFFFFFF0];
	v4 =	vmul.f32 v18, v8;
	v5 =	vmul.f32 v23, v59  }
0x1d1: {  	s24 =	simm.s32 $0x10E0;
	v10 =	vld.idx.msk [tilespmem:v45+s12+$0x0], $0xffff;
	v3 =	vmul.f32 v23, v8;
	v8 =	vmul.f32 v18, v59  }
0x1d2: {  	v61 =	vld [tilespmem:s24+$0x10];
	[tilespmem:v15+s15+$0x0] =	vst.idx.msk $0xffff, v2;
	v2 =	vsub.f32 v4, v5  }
0x1d3: {  	v9 =	vld.idx.msk [tilespmem:v39+s30+$0x0], $0xffff;
	v3 =	vadd.f32 v3, v8;
	v8 =	vmul.f32 v11, v29;
	v5 =	vmul.f32 v35, v33  }
0x1d4: {  	v11 =	vmul.f32 v11, v33;
	v4 =	vld.idx.msk [tilespmem:v37+s30+$0x0], $0xffff;
	[tilespmem:v12+s10+$0x0] =	vst.idx.msk $0xffff, v2;
	v2 =	vmul.f32 v35, v29  }
0x1d5: {  	s28 =	simm.s32 $0xCE0;
	v45 =	vld [tilespmem:s29+$0x0];
	v5 =	vsub.f32 v5, v8;
	v8 =	vmul.f32 v14, v21;
	v12 =	vmul.f32 v17, v20  }
0x1d6: {  	v55 =	vmov v31;
	v31 =	vld [tilespmem:s28+$0x10];
	[tilespmem:v32+s10+$0x0] =	vst.idx.msk $0xffff, v3;
	v3 =	vmul.f32 v14, v20;
	v14 =	vmul.f32 v17, v21  }
0x1d7: {  	v58 =	vld [tilespmem:s22+$0x0];
	v2 =	vadd.f32 v11, v2  }
0x1d8: {  	v23 =	vld [tilespmem:s29+$0xFFFFFFE0];
	v8 =	vsub.f32 v8, v12;
	[tilespmem:v53+s7+$0x0] =	vst.idx.msk $0xffff, v5;
	v3 =	vadd.f32 v14, v3  }
0x1d9: {  	v44 =	vld [tilespmem:s24+$0xFFFFFFE0];
	v14 =	vmul.f32 v4, v62;
	[tilespmem:v38+s7+$0x0] =	vst.idx.msk $0xffff, v2;
	v2 =	vmul.f32 v9, v61  }
0x1da: {  	v41 =	vld [tilespmem:s25+$0xFFFFFFE0];
	v4 =	vmul.f32 v4, v61;
	[tilespmem:v49+s7+$0x0] =	vst.idx.msk $0xffff, v8;
	v8 =	vmul.f32 v9, v62  }
0x1db: {  	v15 =	vld.idx.msk [tilespmem:v50+s30+$0x0], $0xffff;
	v11 =	vmul.f32 v7, v24;
	v2 =	vsub.f32 v2, v14;
	v14 =	vmul.f32 v13, v27  }
0x1dc: {  	v5 =	vld.idx.msk [tilespmem:v36+s30+$0x0], $0xffff;
	[tilespmem:v30+s7+$0x0] =	vst.idx.msk $0xffff, v3;
	v3 =	vadd.f32 v4, v8  }
0x1dd: {  	v12 =	vld.idx.msk [tilespmem:v48+s30+$0x0], $0xffff;
	v8 =	vsub.f32 v11, v14;
	[tilespmem:v34+s0+$0x0] =	vst.idx.msk $0xffff, v2  }
0x1de: {  	v7 =	vmul.f32 v7, v27;
	v9 =	vld.idx.msk [tilespmem:v45+s30+$0x0], $0xffff;
	v13 =	vmul.f32 v13, v24;
	[tilespmem:v31+s0+$0x0] =	vst.idx.msk $0xffff, v3  }
0x1df: {  	v4 =	vld.idx.msk [tilespmem:v58+s30+$0x0], $0xffff;
	[tilespmem:v25+s7+$0x0] =	vst.idx.msk $0xffff, v8  }
0x1e0: {  	v7 =	vadd.f32 v13, v7;
	v2 =	vld.idx.msk [tilespmem:v23+s30+$0x0], $0xffff;
	[tilespmem:$0x1FDD0] =	vst v47  }
0x1e1: {  	[tilespmem:$0x1FDE0] =	vst v46  }
0x1e2: {  	[tilespmem:v56+s7+$0x0] =	vst.idx.msk $0xffff, v7  }
0x1e3: {  	v28 =	vld [tilespmem:$0x1FE10]  }
0x1e4: {  	v18 =	vmov v26;
	v32 =	vld [tilespmem:$0x1FE20]  }
0x1e5: {  	v3 =	vmul.f32 v16, v46;
	v8 =	vmul.f32 v22, v47  }
0x1e6: {  	v11 =	vmul.f32 v16, v47;
	v13 =	vmul.f32 v22, v46;
	v14 =	vld.idx.msk [tilespmem:v39+s3+$0x0], $0xffff  }
0x1e7: {  	v16 =	vld.idx.msk [tilespmem:v37+s3+$0x0], $0xffff;
	v3 =	vsub.f32 v8, v3;
	[tilespmem:$0x1FDF0] =	vst v42  }
0x1e8: {  	v11 =	vadd.f32 v11, v13;
	[tilespmem:$0x1FE00] =	vst v40  }
0x1e9: {  	[tilespmem:v18+s14+$0x0] =	vst.idx.msk $0xffff, v3;
	v13 =	vmul.f32 v0, v28;
	v17 =	vmul.f32 v1, v32  }
0x1ea: {  	[tilespmem:v57+s14+$0x0] =	vst.idx.msk $0xffff, v11  }
0x1eb: {  	v3 =	vsub.f32 v13, v17;
	v17 =	vld [tilespmem:$0x1FE30];
	_ =	sdelay $0x2  }
0x1ec: {  	v7 =	vmul.f32 v10, v40;
	v8 =	vmul.f32 v6, v42  }
0x1ed: {  	v52 =	vmov v43;
	v10 =	vmul.f32 v10, v42;
	v6 =	vmul.f32 v6, v40  }
0x1ee: {  	v7 =	vsub.f32 v8, v7  }
0x1ef: {  	v6 =	vadd.f32 v10, v6;
	v8 =	vmul.f32 v2, v44;
	v10 =	vmul.f32 v5, v41  }
0x1f0: {  	v51 =	vld [tilespmem:s24+$0xFFFFFFF0];
	v11 =	vmul.f32 v14, v61;
	v13 =	vmul.f32 v16, v62  }
0x1f1: {  	v25 =	vld [tilespmem:s25+$0xFFFFFFF0];
	v14 =	vmul.f32 v14, v62;
	[tilespmem:v17+s14+$0x0] =	vst.idx.msk $0xffff, v7;
	v7 =	vmul.f32 v16, v61  }
0x1f2: {  	[tilespmem:v52+s14+$0x0] =	vst.idx.msk $0xffff, v6;
	v6 =	vsub.f32 v8, v10;
	v8 =	vsub.f32 v11, v13  }
0x1f3: {  	v7 =	vadd.f32 v7, v14  }
0x1f4: {  	v43 =	vld [tilespmem:s24+$0x0];
	[tilespmem:v34+s16+$0x0] =	vst.idx.msk $0xffff, v8  }
0x1f5: {  	v22 =	vld [tilespmem:s26+$0xFFFFFFE0];
	[tilespmem:v31+s16+$0x0] =	vst.idx.msk $0xffff, v7  }
0x1f6: {  	v11 =	vmul.f32 v12, v25;
	v7 =	vmul.f32 v12, v51;
	v12 =	vld [tilespmem:$0x1FE40]  }
0x1f7: {  	v35 =	vld [tilespmem:s28+$0xFFFFFFE0]  }
0x1f8: {  	v47 =	vmov v23;
	v23 =	vld [tilespmem:s26+$0xFFFFFFF0]  }
0x1f9: {  	v42 =	vld [tilespmem:s28+$0xFFFFFFF0]  }
0x1fa: {  	v19 =	vmov v53;
	v53 =	vld [tilespmem:s25+$0x0]  }
0x1fb: {  	v5 =	vmul.f32 v5, v44;
	v2 =	vmul.f32 v2, v41;
	v30 =	vld [tilespmem:s26+$0x0]  }
0x1fc: {  	v26 =	vmov v49;
	v49 =	vld [tilespmem:s28+$0x0];
	v10 =	vmul.f32 v15, v51;
	v8 =	vmul.f32 v15, v25  }
0x1fd: {  	v2 =	vadd.f32 v5, v2;
	[tilespmem:v22+s0+$0x0] =	vst.idx.msk $0xffff, v6;
	v6 =	vld.idx.msk [tilespmem:v37+s17+$0x0], $0xffff  }
0x1fe: {  	v5 =	vsub.f32 v7, v8;
	v7 =	vadd.f32 v10, v11;
	[tilespmem:v12+s14+$0x0] =	vst.idx.msk $0xffff, v3;
	v3 =	vld.idx.msk [tilespmem:v39+s17+$0x0], $0xffff  }
0x1ff: {  	[tilespmem:v35+s0+$0x0] =	vst.idx.msk $0xffff, v2;
	v2 =	vmul.f32 v9, v43;
	v8 =	vmul.f32 v4, v53  }
0x200: {  	v4 =	vmul.f32 v4, v43;
	[tilespmem:v23+s0+$0x0] =	vst.idx.msk $0xffff, v5;
	v5 =	vmul.f32 v9, v53;
	v9 =	vld.idx.msk [tilespmem:v47+s3+$0x0], $0xffff  }
0x201: {  	v2 =	vsub.f32 v2, v8;
	[tilespmem:v42+s0+$0x0] =	vst.idx.msk $0xffff, v7;
	v7 =	vld.idx.msk [tilespmem:v36+s3+$0x0], $0xffff  }
0x202: {  	v1 =	vmul.f32 v1, v28;
	v0 =	vmul.f32 v0, v32;
	v4 =	vadd.f32 v4, v5;
	v5 =	vld.idx.msk [tilespmem:v48+s3+$0x0], $0xffff  }
0x203: {  	[tilespmem:v30+s0+$0x0] =	vst.idx.msk $0xffff, v2;
	v2 =	vld.idx.msk [tilespmem:v50+s3+$0x0], $0xffff;
	v10 =	vmul.f32 v6, v62;
	v8 =	vmul.f32 v3, v61  }
0x204: {  	[tilespmem:v49+s0+$0x0] =	vst.idx.msk $0xffff, v4;
	v4 =	vmul.f32 v6, v61;
	v3 =	vmul.f32 v3, v62  }
0x205: {  	v0 =	vadd.f32 v1, v0;
	v6 =	vsub.f32 v8, v10;
	v8 =	vmul.f32 v9, v44  }
0x206: {  	v11 =	vld.idx.msk [tilespmem:v58+s3+$0x0], $0xffff;
	v9 =	vmul.f32 v9, v41;
	v3 =	vadd.f32 v4, v3;
	v4 =	vmul.f32 v7, v41  }
0x207: {  	v10 =	vld.idx.msk [tilespmem:v45+s3+$0x0], $0xffff;
	v7 =	vmul.f32 v7, v44;
	[tilespmem:v34+s18+$0x0] =	vst.idx.msk $0xffff, v6;
	v6 =	vmul.f32 v5, v51  }
0x208: {  	v5 =	vmul.f32 v5, v25;
	v4 =	vsub.f32 v8, v4;
	v8 =	vmul.f32 v2, v25  }
0x209: {  	v2 =	vmul.f32 v2, v51;
	v1 =	vadd.f32 v7, v9;
	[tilespmem:v31+s18+$0x0] =	vst.idx.msk $0xffff, v3  }
0x20a: {  	v63 =	vld [tilespmem:$0x1FE50];
	[tilespmem:v22+s16+$0x0] =	vst.idx.msk $0xffff, v4;
	v4 =	vsub.f32 v6, v8  }
0x20b: {  	v2 =	vadd.f32 v2, v5;
	[tilespmem:v35+s16+$0x0] =	vst.idx.msk $0xffff, v1  }
0x20c: {  	v6 =	vmul.f32 v11, v53;
	v1 =	vmul.f32 v10, v43;
	[tilespmem:v23+s16+$0x0] =	vst.idx.msk $0xffff, v4  }
0x20d: {  	[tilespmem:v42+s16+$0x0] =	vst.idx.msk $0xffff, v2  }
0x20e: {  	v1 =	vsub.f32 v1, v6;
	v6 =	vld [tilespmem:$0x1FE60];
	_ =	sdelay $0x2  }
0x20f: {  	v12 =	vld.idx.msk [tilespmem:v54+s8+$0x0], $0xffff  }
0x210: {  	v3 =	vld.idx.msk [tilespmem:v63+s8+$0x0], $0xffff;
	_ =	sdelay $0x1  }
0x211: {  	v7 =	vld.idx.msk [tilespmem:v37+s19+$0x0], $0xffff;
	v8 =	vmul.f32 v11, v43;
	v4 =	vmul.f32 v10, v53;
	_ =	sdelay $0x1  }
0x212: {  	[tilespmem:v6+s14+$0x0] =	vst.idx.msk $0xffff, v0;
	v0 =	vadd.f32 v8, v4  }
0x213: {  	[tilespmem:v30+s16+$0x0] =	vst.idx.msk $0xffff, v1;
	v1 =	vmul.f32 v12, v33;
	v6 =	vmul.f32 v3, v29  }
0x214: {  	[tilespmem:v49+s16+$0x0] =	vst.idx.msk $0xffff, v0  }
0x215: {  	v10 =	vmul.f32 v7, v62;
	v1 =	vsub.f32 v1, v6;
	v6 =	vmul.f32 v7, v61;
	v7 =	vld [tilespmem:$0x1FE70];
	_ =	sdelay $0x4  }
0x216: {  	v5 =	vld.idx.msk [tilespmem:v39+s19+$0x0], $0xffff;
	_ =	sdelay $0x2  }
0x217: {  	v7 =	vld.idx.msk [tilespmem:v7+s1+$0x0], $0xffff;
	_ =	sdelay $0x1  }
0x218: {  	v9 =	vld.idx.msk [tilespmem:v47+s17+$0x0], $0xffff;
	v0 =	vmul.f32 v5, v61  }
0x219: {  	v2 =	vld.idx.msk [tilespmem:v36+s17+$0x0], $0xffff  }
0x21a: {  	v4 =	vld.idx.msk [tilespmem:v48+s17+$0x0], $0xffff;
	v0 =	vsub.f32 v0, v10  }
0x21b: {  	v8 =	vld.idx.msk [tilespmem:v50+s17+$0x0], $0xffff;
	[tilespmem:$0x1FE80] =	vst v7  }
0x21c: {  	[tilespmem:v34+s20+$0x0] =	vst.idx.msk $0xffff, v0  }
0x21d: {  	v0 =	vld [tilespmem:$0x1FE90];
	_ =	sdelay $0x2  }
0x21e: {  	v5 =	vmul.f32 v5, v62;
	_ =	sdelay $0x1  }
0x21f: {  	v5 =	vadd.f32 v6, v5;
	v6 =	vmul.f32 v2, v41  }
0x220: {  	v2 =	vmul.f32 v2, v44;
	v7 =	vmul.f32 v9, v44;
	v11 =	vld.idx.msk [tilespmem:v45+s17+$0x0], $0xffff  }
0x221: {  	v14 =	vmul.f32 v8, v25;
	v9 =	vmul.f32 v9, v41  }
0x222: {  	[tilespmem:v31+s20+$0x0] =	vst.idx.msk $0xffff, v5;
	v5 =	vsub.f32 v7, v6;
	v10 =	vld.idx.msk [tilespmem:v0+s1+$0x0], $0xffff;
	v0 =	vmul.f32 v4, v51  }
0x223: {  	v2 =	vadd.f32 v2, v9  }
0x224: {  	v28 =	vld [tilespmem:$0x1FEA0];
	[tilespmem:v22+s18+$0x0] =	vst.idx.msk $0xffff, v5;
	v0 =	vsub.f32 v0, v14  }
0x225: {  	v5 =	vmul.f32 v11, v43;
	v9 =	vmul.f32 v11, v53;
	v11 =	vld [tilespmem:$0x1FEB0];
	[tilespmem:v35+s18+$0x0] =	vst.idx.msk $0xffff, v2  }
0x226: {  	[tilespmem:v23+s18+$0x0] =	vst.idx.msk $0xffff, v0  }
0x227: {  	v0 =	vld [tilespmem:$0x1FEC0]  }
0x228: {  	v13 =	vld.idx.msk [tilespmem:v58+s17+$0x0], $0xffff;
	_ =	sdelay $0x2  }
0x229: {  	v7 =	vmul.f32 v8, v51;
	v4 =	vmul.f32 v4, v25;
	_ =	sdelay $0x1  }
0x22a: {  	v4 =	vadd.f32 v7, v4;
	v7 =	vmul.f32 v13, v53;
	v14 =	vld.idx.msk [tilespmem:v11+s8+$0x0], $0xffff;
	v11 =	vmul.f32 v13, v43;
	_ =	sdelay $0x1  }
0x22b: {  	v5 =	vsub.f32 v5, v7;
	v7 =	vadd.f32 v11, v9;
	v9 =	vld.idx.msk [tilespmem:v0+s8+$0x0], $0xffff  }
0x22c: {  	v0 =	vld [tilespmem:$0x1FED0];
	_ =	sdelay $0x3  }
0x22d: {  	v6 =	vld.idx.msk [tilespmem:v55+s8+$0x0], $0xffff  }
0x22e: {  	v2 =	vmul.f32 v12, v29;
	v12 =	vld.idx.msk [tilespmem:v39+s4+$0x0], $0xffff  }
0x22f: {  	v8 =	vld.idx.msk [tilespmem:v28+s8+$0x0], $0xffff  }
0x230: {  	v13 =	vld.idx.msk [tilespmem:v37+s4+$0x0], $0xffff;
	[tilespmem:v42+s18+$0x0] =	vst.idx.msk $0xffff, v4  }
0x231: {  	v11 =	vld.idx.msk [tilespmem:v0+s1+$0x0], $0xffff;
	[tilespmem:$0x1FEE0] =	vst v21  }
0x232: {  	v3 =	vmul.f32 v3, v33;
	[tilespmem:$0x1FEF0] =	vst v20  }
0x233: {  	v0 =	vld [tilespmem:$0x1FF00];
	[tilespmem:v30+s18+$0x0] =	vst.idx.msk $0xffff, v5  }
0x234: {  	v2 =	vadd.f32 v3, v2;
	[tilespmem:v19+s10+$0x0] =	vst.idx.msk $0xffff, v1  }
0x235: {  	[tilespmem:v49+s18+$0x0] =	vst.idx.msk $0xffff, v7  }
0x236: {  	[tilespmem:v38+s10+$0x0] =	vst.idx.msk $0xffff, v2  }
0x237: {  	v2 =	vld [tilespmem:$0x1FF10];
	_ =	sdelay $0x6  }
0x238: {  	v3 =	vmul.f32 v6, v21;
	v15 =	vmul.f32 v8, v20  }
0x239: {  	v2 =	vld.idx.msk [tilespmem:v2+s1+$0x0], $0xffff  }
0x23a: {  	v3 =	vsub.f32 v3, v15;
	v4 =	vmul.f32 v8, v21;
	v15 =	vld.idx.msk [tilespmem:v47+s19+$0x0], $0xffff  }
0x23b: {  	v8 =	vmul.f32 v13, v62;
	v5 =	vmul.f32 v12, v61;
	v16 =	vld.idx.msk [tilespmem:v36+s19+$0x0], $0xffff  }
0x23c: {  	v18 =	vld.idx.msk [tilespmem:v48+s19+$0x0], $0xffff  }
0x23d: {  	v6 =	vmul.f32 v6, v20;
	v1 =	vld.idx.msk [tilespmem:v50+s19+$0x0], $0xffff;
	v5 =	vsub.f32 v5, v8  }
0x23e: {  	v13 =	vmul.f32 v13, v61;
	v12 =	vmul.f32 v12, v62;
	v0 =	vld.idx.msk [tilespmem:v0+s1+$0x0], $0xffff;
	[tilespmem:$0x1FF20] =	vst v2  }
0x23f: {  	[tilespmem:v34+s7+$0x0] =	vst.idx.msk $0xffff, v5  }
0x240: {  	v4 =	vadd.f32 v4, v6;
	v6 =	vadd.f32 v13, v12;
	[tilespmem:$0x1FF30] =	vst v24  }
0x241: {  	[tilespmem:$0x1FF40] =	vst v27  }
0x242: {  	[tilespmem:v31+s7+$0x0] =	vst.idx.msk $0xffff, v6  }
0x243: {  	[tilespmem:v26+s10+$0x0] =	vst.idx.msk $0xffff, v3  }
0x244: {  	v3 =	vld [tilespmem:$0x1FF50]  }
0x245: {  	v17 =	vmul.f32 v9, v27;
	v7 =	vmul.f32 v14, v24  }
0x246: {  	v8 =	vmul.f32 v14, v27;
	v12 =	vmul.f32 v16, v41;
	v2 =	vld.idx.msk [tilespmem:v45+s19+$0x0], $0xffff  }
0x247: {  	v5 =	vmul.f32 v9, v24;
	v9 =	vmul.f32 v15, v44  }
0x248: {  	v13 =	vmul.f32 v15, v41;
	v14 =	vmul.f32 v16, v44  }
0x249: {  	v16 =	vmul.f32 v1, v25;
	v9 =	vsub.f32 v9, v12;
	v12 =	vmul.f32 v18, v51  }
0x24a: {  	v13 =	vadd.f32 v14, v13;
	v14 =	vmul.f32 v18, v25  }
0x24b: {  	v12 =	vsub.f32 v12, v16;
	v16 =	vmul.f32 v2, v43;
	v18 =	vmul.f32 v2, v53;
	v2 =	vld [tilespmem:$0x1FF70]  }
0x24c: {  	v3 =	vld.idx.msk [tilespmem:v3+s1+$0x0], $0xffff;
	_ =	sdelay $0x4  }
0x24d: {  	v6 =	vld.idx.msk [tilespmem:v58+s19+$0x0], $0xffff;
	[tilespmem:$0x1FF60] =	vst v3  }
0x24e: {  	[tilespmem:v22+s20+$0x0] =	vst.idx.msk $0xffff, v9  }
0x24f: {  	[tilespmem:v23+s20+$0x0] =	vst.idx.msk $0xffff, v12  }
0x250: {  	v20 =	vld.idx.msk [tilespmem:v2+s12+$0x0], $0xffff;
	[tilespmem:v35+s20+$0x0] =	vst.idx.msk $0xffff, v13  }
0x251: {  	v60 =	vmov v2;
	v2 =	vld [tilespmem:$0x1FF80]  }
0x252: {  	v52 =	vmov v54  }
0x253: {  	v1 =	vmul.f32 v1, v51;
	v15 =	vld.idx.msk [tilespmem:v39+s8+$0x0], $0xffff  }
0x254: {  	v21 =	vsub.f32 v7, v17;
	v17 =	vld.idx.msk [tilespmem:v37+s8+$0x0], $0xffff;
	v9 =	vmul.f32 v6, v53  }
0x255: {  	v57 =	vmovc v38;
	v32 =	vmov v19;
	v38 =	vmov v22;
	v1 =	vadd.f32 v1, v14  }
0x256: {  	v6 =	vmul.f32 v6, v43;
	v19 =	vld.idx.msk [tilespmem:v63+s12+$0x0], $0xffff;
	v22 =	vadd.f32 v5, v8;
	v8 =	vsub.f32 v16, v9  }
0x257: {  	v5 =	vld.idx.msk [tilespmem:v52+s12+$0x0], $0xffff;
	[tilespmem:v42+s20+$0x0] =	vst.idx.msk $0xffff, v1  }
0x258: {  	v6 =	vadd.f32 v6, v18;
	v14 =	vld.idx.msk [tilespmem:v47+s4+$0x0], $0xffff;
	[tilespmem:v30+s20+$0x0] =	vst.idx.msk $0xffff, v8;
	v1 =	vmul.f32 v15, v61  }
0x259: {  	v12 =	vmul.f32 v17, v61;
	v15 =	vmul.f32 v15, v62;
	v13 =	vld.idx.msk [tilespmem:v2+s12+$0x0], $0xffff;
	[tilespmem:$0x1FF90] =	vst v36  }
0x25a: {  	[tilespmem:v49+s20+$0x0] =	vst.idx.msk $0xffff, v6  }
0x25b: {  	v15 =	vadd.f32 v12, v15;
	v12 =	vld [tilespmem:$0x1FFB0];
	_ =	sdelay $0x2  }
0x25c: {  	v9 =	vmul.f32 v17, v62;
	_ =	sdelay $0x1  }
0x25d: {  	v1 =	vsub.f32 v1, v9  }
0x25e: {  	v17 =	vld.idx.msk [tilespmem:v36+s4+$0x0], $0xffff;
	[tilespmem:$0x1FFA0] =	vst v48  }
0x25f: {  	[tilespmem:v34+s10+$0x0] =	vst.idx.msk $0xffff, v1  }
0x260: {  	[tilespmem:v12+s10+$0x0] =	vst.idx.msk $0xffff, v4  }
0x261: {  	v2 =	vld [tilespmem:$0x1FFC0];
	[tilespmem:v31+s10+$0x0] =	vst.idx.msk $0xffff, v15  }
0x262: {  	v4 =	vld [tilespmem:$0x1FFE0];
	_ =	sdelay $0x1  }
0x263: {  	v56 =	vmov v55  }
0x264: {  	v55 =	vmov v23;
	v23 =	vld.idx.msk [tilespmem:v48+s4+$0x0], $0xffff  }
0x265: {  	v7 =	vld.idx.msk [tilespmem:v50+s4+$0x0], $0xffff  }
0x266: {  	v46 =	vmovc v29;
	v3 =	vmov v52;
	v6 =	vmul.f32 v5, v33;
	v36 =	vmul.f32 v14, v41;
	v16 =	vld.idx.msk [tilespmem:v45+s4+$0x0], $0xffff  }
0x267: {  	v52 =	vmovc v45;
	v1 =	vld.idx.msk [tilespmem:v58+s4+$0x0], $0xffff;
	v45 =	vmul.f32 v13, v59;
	v48 =	vmov v12;
	v12 =	vmul.f32 v5, v46  }
0x268: {  	v5 =	vmul.f32 v13, v2;
	v13 =	vmul.f32 v14, v44;
	v14 =	vld.idx.msk [tilespmem:v56+s12+$0x0], $0xffff;
	[tilespmem:$0x1FFD0] =	vst v41  }
0x269: {  	[tilespmem:v4+s10+$0x0] =	vst.idx.msk $0xffff, v21  }
0x26a: {  	v18 =	vmul.f32 v17, v44;
	v15 =	vmul.f32 v17, v41;
	v17 =	vld [tilespmem:$0x1FFF0];
	_ =	sdelay $0x1  }
0x26b: {  	v27 =	vmov v28;
	_ =	sdelay $0x1  }
0x26c: {  	v40 =	vmov v26;
	v54 =	vmov v43  }
0x26d: {  	v29 =	vmovc v30;
	v28 =	vmovc v47;
	v26 =	vmov v50;
	v63 =	vmov v35;
	v43 =	vmov v34  }
0x26e: {  	v35 =	vmovc v42;
	v47 =	vmovc v49;
	v42 =	vmov v56;
	v8 =	vmul.f32 v19, v46;
	v9 =	vmul.f32 v19, v33  }
0x26f: {  	v30 =	vmovc v59;
	v59 =	vmov v44;
	v56 =	vmul.f32 v23, v51;
	v19 =	vsub.f32 v13, v15;
	v15 =	vld.idx.msk [tilespmem:v27+s12+$0x0], $0xffff  }
0x270: {  	v13 =	vmul.f32 v20, v2;
	v4 =	vld.idx.msk [tilespmem:v39+s12+$0x0], $0xffff;
	[tilespmem:v17+s10+$0x0] =	vst.idx.msk $0xffff, v22;
	v17 =	vmul.f32 v23, v25  }
0x271: {  	s31 =	simm.s32 $0x1800;
	s29 =	simm.s32 $0xC0;
	s30 =	simm.s32 $0x120;
	v44 =	vmovc v20;
	v41 =	vmov v25;
	v23 =	vld.idx.msk [tilespmem:v37+s12+$0x0], $0xffff;
	v22 =	vmul.f32 v7, v25;
	v7 =	vmul.f32 v7, v51  }
.LBB2_3:
0x272: {  	v2 =	vmov v27  }
0x273: {  	v20 =	vmul.f32 v16, v54;
	v21 =	vmul.f32 v16, v53  }
0x274: {  	s22 =	sadd.s32 $0x40, s22;
	v27 =	vmul.f32 v1, v53;
	v1 =	vmul.f32 v1, v54;
	v18 =	vadd.f32 v18, v36;
	[tilespmem:$0x1FC10] =	vst v2  }
0x275: {  	v36 =	vld [tilespmem:s22+$0xFFFFFFE0];
	[tilespmem:v38+s7+$0x0] =	vst.idx.msk $0xffff, v19;
	v2 =	vmov v26  }
0x276: {  	[tilespmem:v63+s7+$0x0] =	vst.idx.msk $0xffff, v18;
	v18 =	vsub.f32 v20, v27;
	v20 =	vadd.f32 v1, v21;
	v1 =	vld [tilespmem:$0x1FEB0];
	_ =	sdelay $0x1  }
0x277: {  	v34 =	vld [tilespmem:s30+$0x10];
	[tilespmem:$0x1FEA0] =	vst v2;
	v2 =	vmov v60  }
0x278: {  	v25 =	vld [tilespmem:$0x1FEF0]  }
0x279: {  	v24 =	vld [tilespmem:s22+$0x10]  }
0x27a: {  	v7 =	vadd.f32 v7, v17;
	v17 =	vld [tilespmem:$0x1FEE0];
	[tilespmem:$0x1FC20] =	vst v2;
	v2 =	vmov v1;
	v1 =	vmov v52  }
0x27b: {  	v22 =	vsub.f32 v56, v22;
	[tilespmem:$0x1FEB0] =	vst v1;
	v1 =	vld [tilespmem:$0x1FF80]  }
0x27c: {  	v56 =	vld [tilespmem:s30+$0xFFFFFFF0]  }
0x27d: {  	s24 =	sadd.s32 $0x40, s24;
	v26 =	vld [tilespmem:s22+$0xFFFFFFF0];
	[tilespmem:v55+s7+$0x0] =	vst.idx.msk $0xffff, v22;
	v21 =	vmul.f32 v4, v61  }
0x27e: {  	v22 =	vmul.f32 v23, v62;
	[tilespmem:v35+s7+$0x0] =	vst.idx.msk $0xffff, v7;
	v7 =	vmul.f32 v23, v61;
	v23 =	vld [tilespmem:s24+$0x10]  }
0x27f: {  	v4 =	vmul.f32 v4, v62;
	v52 =	vld [tilespmem:s30+$0x0]  }
0x280: {  	s25 =	sadd.s32 $0x40, s25;
	[tilespmem:v29+s7+$0x0] =	vst.idx.msk $0xffff, v18;
	v18 =	vsub.f32 v21, v22;
	v27 =	vmov v1;
	v1 =	vld [tilespmem:$0x1FEC0]  }
0x281: {  	v19 =	vmul.f32 v14, v17;
	v4 =	vadd.f32 v7, v4;
	v22 =	vld [tilespmem:s25+$0x10]  }
0x282: {  	v7 =	vmul.f32 v15, v17;
	v21 =	vmul.f32 v15, v25;
	v15 =	vld.idx.msk [tilespmem:v34+s31+$0x0], $0xffff;
	[tilespmem:v43+s14+$0x0] =	vst.idx.msk $0xffff, v18  }
0x283: {  	v18 =	vld.idx.msk [tilespmem:v24+s31+$0x0], $0xffff;
	[tilespmem:v31+s14+$0x0] =	vst.idx.msk $0xffff, v4;
	v4 =	vsub.f32 v6, v8  }
0x284: {  	[tilespmem:$0x1FF70] =	vst v2;
	v6 =	vadd.f32 v9, v12;
	v9 =	vsub.f32 v19, v21;
	v19 =	vld [tilespmem:$0x1FE80]  }
0x285: {  	[tilespmem:v32+s14+$0x0] =	vst.idx.msk $0xffff, v4;
	v4 =	vsub.f32 v13, v45;
	v13 =	vld [tilespmem:$0x1FDE0];
	v2 =	vmov v1;
	v1 =	vmov v58  }
0x286: {  	[tilespmem:$0x1FEC0] =	vst v1;
	v1 =	vld [tilespmem:$0x1FDD0]  }
0x287: {  	v14 =	vmul.f32 v14, v25;
	_ =	sdelay $0x1  }
0x288: {  	v7 =	vadd.f32 v7, v14;
	v14 =	vld.idx.msk [tilespmem:v37+s1+$0x0], $0xffff  }
0x289: {  	v37 =	vmov v24;
	v24 =	vld [tilespmem:$0x1FE00];
	[tilespmem:v57+s14+$0x0] =	vst.idx.msk $0xffff, v6;
	v6 =	vmul.f32 v10, v13  }
0x28a: {  	v12 =	vmul.f32 v19, v1;
	v10 =	vmul.f32 v10, v1;
	v1 =	vld [tilespmem:$0x1FDF0];
	_ =	sdelay $0x1  }
0x28b: {  	[tilespmem:$0x1FC00] =	vst v42  }
0x28c: {  	[tilespmem:v47+s7+$0x0] =	vst.idx.msk $0xffff, v20  }
0x28d: {  	v42 =	vmov v55;
	v8 =	vld.idx.msk [tilespmem:v39+s1+$0x0], $0xffff;
	[tilespmem:v40+s14+$0x0] =	vst.idx.msk $0xffff, v9  }
0x28e: {  	v55 =	vld [tilespmem:$0x1FE20];
	[tilespmem:v48+s14+$0x0] =	vst.idx.msk $0xffff, v7;
	v7 =	vmul.f32 v0, v24;
	v20 =	vmul.f32 v0, v1;
	v0 =	vmov v3  }
0x28f: {  	[tilespmem:$0x1FBF0] =	vst v0;
	v0 =	vld [tilespmem:$0x1FCF0]  }
0x290: {  	[tilespmem:$0x1FF80] =	vst v2;
	v2 =	vmul.f32 v44, v30;
	v44 =	vld [tilespmem:$0x1FF20]  }
0x291: {  	v3 =	vld [tilespmem:$0x1FF60]  }
0x292: {  	s26 =	sadd.s32 $0x40, s26;
	v9 =	vmul.f32 v19, v13;
	v13 =	vmul.f32 v11, v1;
	v1 =	vld [tilespmem:$0x1FE10]  }
0x293: {  	v16 =	vmovc v47;
	v45 =	vmul.f32 v8, v61;
	v47 =	vmul.f32 v14, v62;
	v2 =	vadd.f32 v5, v2;
	v5 =	vld [tilespmem:s26+$0x10]  }
0x294: {  	[tilespmem:$0x1FBE0] =	vst v29;
	v14 =	vmul.f32 v14, v61;
	v8 =	vmul.f32 v8, v62  }
0x295: {  	[tilespmem:$0x1FC30] =	vst v27;
	v27 =	vmul.f32 v15, v23;
	v58 =	vld [tilespmem:s22+$0x0]  }
0x296: {  	v29 =	vmovc v40;
	v40 =	vmul.f32 v18, v22;
	v8 =	vadd.f32 v14, v8;
	v19 =	vld [tilespmem:s30+$0xFFFFFFE0];
	v14 =	vmul.f32 v3, v55  }
0x297: {  	v3 =	vmul.f32 v3, v1;
	[tilespmem:v0+s14+$0x0] =	vst.idx.msk $0xffff, v4;
	v4 =	vmul.f32 v44, v1;
	v1 =	vld [tilespmem:$0x1FD10];
	_ =	sdelay $0x1  }
0x298: {  	s28 =	sadd.s32 $0x40, s28;
	v27 =	vsub.f32 v27, v40  }
0x299: {  	[tilespmem:$0x1FBD0] =	vst v35;
	v21 =	vld [tilespmem:s28+$0x10];
	v35 =	vsub.f32 v45, v47  }
0x29a: {  	v15 =	vmul.f32 v15, v22;
	v49 =	vld [tilespmem:s24+$0xFFFFFFE0];
	[tilespmem:v5+s0+$0x0] =	vst.idx.msk $0xffff, v27  }
0x29b: {  	v18 =	vmul.f32 v18, v23;
	v11 =	vmul.f32 v11, v24;
	v24 =	vld.idx.msk [tilespmem:v36+s31+$0x0], $0xffff;
	[tilespmem:v43+s15+$0x0] =	vst.idx.msk $0xffff, v35  }
0x29c: {  	v6 =	vsub.f32 v12, v6;
	[tilespmem:v31+s15+$0x0] =	vst.idx.msk $0xffff, v8;
	v8 =	vadd.f32 v10, v9;
	v10 =	vld [tilespmem:s25+$0xFFFFFFE0]  }
0x29d: {  	v15 =	vadd.f32 v18, v15;
	v18 =	vld.idx.msk [tilespmem:v19+s31+$0x0], $0xffff  }
0x29e: {  	[tilespmem:v1+s15+$0x0] =	vst.idx.msk $0xffff, v6;
	v1 =	vld [tilespmem:$0x1FD20];
	_ =	sdelay $0x6  }
0x29f: {  	v50 =	vmov v28;
	v28 =	vld [tilespmem:$0x1FD00]  }
0x2a0: {  	[tilespmem:v1+s15+$0x0] =	vst.idx.msk $0xffff, v8;
	v1 =	vld [tilespmem:$0x1FE30];
	_ =	sdelay $0x5  }
0x2a1: {  	v12 =	vld.idx.msk [tilespmem:v26+s31+$0x0], $0xffff;
	v7 =	vsub.f32 v13, v7  }
0x2a2: {  	v45 =	vmov v5;
	v5 =	vld [tilespmem:s24+$0xFFFFFFF0];
	[tilespmem:v28+s14+$0x0] =	vst.idx.msk $0xffff, v2  }
0x2a3: {  	v2 =	vld.idx.msk [tilespmem:v56+s31+$0x0], $0xffff;
	[tilespmem:v1+s15+$0x0] =	vst.idx.msk $0xffff, v7;
	v1 =	vmov v46  }
0x2a4: {  	[tilespmem:$0x1FDE0] =	vst v1;
	v1 =	vld [tilespmem:$0x1FCE0];
	_ =	sdelay $0x5  }
0x2a5: {  	v11 =	vadd.f32 v20, v11;
	_ =	sdelay $0x1  }
0x2a6: {  	[tilespmem:v1+s15+$0x0] =	vst.idx.msk $0xffff, v11;
	v1 =	vld [tilespmem:$0x1FFD0];
	_ =	sdelay $0x4  }
0x2a7: {  	v46 =	vmov v1;
	v1 =	vmov v25  }
0x2a8: {  	[tilespmem:$0x1FE00] =	vst v1;
	v1 =	vld [tilespmem:$0x1FE40];
	_ =	sdelay $0x4  }
0x2a9: {  	v39 =	vmov v34;
	v34 =	vld.idx.msk [tilespmem:v52+s31+$0x0], $0xffff  }
0x2aa: {  	v61 =	vmov v23;
	v23 =	vld.idx.msk [tilespmem:v58+s31+$0x0], $0xffff;
	v4 =	vsub.f32 v4, v14  }
0x2ab: {  	v11 =	vld [tilespmem:s24+$0x0]  }
0x2ac: {  	[tilespmem:v1+s15+$0x0] =	vst.idx.msk $0xffff, v4;
	v1 =	vld [tilespmem:$0x1FE60];
	_ =	sdelay $0x3  }
0x2ad: {  	v9 =	vmul.f32 v44, v55;
	_ =	sdelay $0x1  }
0x2ae: {  	[tilespmem:v21+s0+$0x0] =	vst.idx.msk $0xffff, v15;
	v3 =	vadd.f32 v3, v9  }
0x2af: {  	v15 =	vmul.f32 v24, v10;
	v44 =	vmovc v49;
	v6 =	vmul.f32 v24, v49;
	v49 =	vmov v10;
	v10 =	vld [tilespmem:s25+$0x0]  }
0x2b0: {  	[tilespmem:v1+s15+$0x0] =	vst.idx.msk $0xffff, v3;
	v1 =	vld [tilespmem:$0x1FFC0];
	_ =	sdelay $0x2  }
0x2b1: {  	v13 =	vld.idx.msk [tilespmem:v39+s3+$0x0], $0xffff  }
0x2b2: {  	v9 =	vld.idx.msk [tilespmem:v37+s3+$0x0], $0xffff  }
0x2b3: {  	v14 =	vmov v1;
	v1 =	vld [tilespmem:$0x1FF30]  }
0x2b4: {  	v25 =	vld [tilespmem:s25+$0xFFFFFFF0]  }
0x2b5: {  	v27 =	vmov v51;
	v51 =	vmov v5;
	v7 =	vmov v17;
	v5 =	vld [tilespmem:s26+$0xFFFFFFF0]  }
0x2b6: {  	[tilespmem:$0x1FDF0] =	vst v7;
	v7 =	vmul.f32 v18, v44  }
0x2b7: {  	v62 =	vmov v22;
	v31 =	vmov v21;
	v55 =	vmov v19  }
0x2b8: {  	v8 =	vmovc v33;
	v7 =	vsub.f32 v7, v15;
	v4 =	vmul.f32 v18, v49;
	[tilespmem:$0x1FE10] =	vst v14;
	v3 =	vmov v1  }
0x2b9: {  	v15 =	vmovc v57;
	v19 =	vmul.f32 v12, v25;
	v18 =	vmul.f32 v2, v51;
	v1 =	vmov v30;
	[tilespmem:$0x1FFC0] =	vst v3;
	v3 =	vld [tilespmem:s26+$0xFFFFFFE0]  }
0x2ba: {  	v4 =	vadd.f32 v6, v4;
	v6 =	vmul.f32 v13, v61;
	v14 =	vmul.f32 v9, v62;
	[tilespmem:$0x1FE20] =	vst v1;
	v1 =	vld [tilespmem:$0x1FF40]  }
0x2bb: {  	[tilespmem:$0x1FD20] =	vst v15;
	v15 =	vld [tilespmem:s28+$0xFFFFFFF0];
	v13 =	vmul.f32 v13, v62;
	v22 =	vsub.f32 v18, v19;
	v9 =	vmul.f32 v9, v61  }
0x2bc: {  	[tilespmem:$0x1FDD0] =	vst v8;
	v43 =	vmov v11;
	v11 =	vmul.f32 v12, v51;
	v12 =	vld [tilespmem:s26+$0x0];
	v6 =	vsub.f32 v6, v14  }
0x2bd: {  	v33 =	vmov v53;
	[tilespmem:v5+s0+$0x0] =	vst.idx.msk $0xffff, v22;
	v53 =	vmov v10;
	v10 =	vld [tilespmem:s28+$0x0];
	v9 =	vadd.f32 v9, v13  }
0x2be: {  	[tilespmem:v45+s16+$0x0] =	vst.idx.msk $0xffff, v6  }
0x2bf: {  	v2 =	vmul.f32 v2, v25;
	[tilespmem:v31+s16+$0x0] =	vst.idx.msk $0xffff, v9;
	v8 =	vmov v1;
	v1 =	vmov v32  }
0x2c0: {  	v13 =	vmul.f32 v34, v43;
	v14 =	vmul.f32 v23, v53;
	v9 =	vld.idx.msk [tilespmem:v50+s8+$0x0], $0xffff;
	[tilespmem:$0x1FDA0] =	vst v8  }
0x2c1: {  	v2 =	vadd.f32 v11, v2;
	v20 =	vmul.f32 v34, v53;
	v6 =	vmul.f32 v23, v43;
	[tilespmem:$0x1FD10] =	vst v1;
	v8 =	vld [tilespmem:s28+$0xFFFFFFE0]  }
0x2c2: {  	v11 =	vld.idx.msk [tilespmem:v39+s17+$0x0], $0xffff;
	v47 =	vmov v3;
	v1 =	vmov v29;
	[tilespmem:v3+s0+$0x0] =	vst.idx.msk $0xffff, v7;
	v3 =	vsub.f32 v13, v14  }
0x2c3: {  	v6 =	vadd.f32 v6, v20;
	v7 =	vld.idx.msk [tilespmem:v37+s17+$0x0], $0xffff;
	[tilespmem:$0x1FE30] =	vst v1  }
0x2c4: {  	[tilespmem:v12+s0+$0x0] =	vst.idx.msk $0xffff, v3  }
0x2c5: {  	v1 =	vmov v0;
	[tilespmem:v10+s0+$0x0] =	vst.idx.msk $0xffff, v6  }
0x2c6: {  	v0 =	vmov v28;
	[tilespmem:$0x1FE40] =	vst v1  }
0x2c7: {  	v21 =	vmov v59;
	v13 =	vmov v16;
	[tilespmem:$0x1FE60] =	vst v0;
	v0 =	vld [tilespmem:$0x1FFF0]  }
0x2c8: {  	v17 =	vmovc v54;
	v54 =	vld [tilespmem:$0x1FF90];
	v59 =	vmov v10;
	v10 =	vmul.f32 v11, v61;
	[tilespmem:$0x1FFF0] =	vst v13;
	v13 =	vmul.f32 v7, v62  }
0x2c9: {  	v60 =	vmov v8;
	v1 =	vld [tilespmem:$0x1FFE0];
	[tilespmem:v8+s0+$0x0] =	vst.idx.msk $0xffff, v4;
	v8 =	vmov v48  }
0x2ca: {  	[tilespmem:$0x1FCE0] =	vst v8;
	v8 =	vld [tilespmem:$0x1FBD0];
	v10 =	vsub.f32 v10, v13  }
0x2cb: {  	v40 =	vmov v42;
	v42 =	vmov v5;
	[tilespmem:v15+s0+$0x0] =	vst.idx.msk $0xffff, v2;
	v5 =	vld.idx.msk [tilespmem:v36+s3+$0x0], $0xffff  }
0x2cc: {  	v2 =	vmov v0;
	[tilespmem:v45+s18+$0x0] =	vst.idx.msk $0xffff, v10;
	v10 =	vld [tilespmem:$0x1FEB0]  }
0x2cd: {  	[tilespmem:$0x1FD00] =	vst v2;
	v2 =	vld.idx.msk [tilespmem:v56+s3+$0x0], $0xffff  }
0x2ce: {  	v23 =	vmov v56;
	v56 =	vld [tilespmem:$0x1FF70]  }
0x2cf: {  	v19 =	vmov v8;
	v8 =	vld.idx.msk [tilespmem:v55+s3+$0x0], $0xffff  }
0x2d0: {  	v35 =	vmov v41;
	v41 =	vmov v12;
	v12 =	vld.idx.msk [tilespmem:v26+s3+$0x0], $0xffff  }
0x2d1: {  	v18 =	vmov v1;
	v1 =	vld [tilespmem:$0x1FBE0]  }
0x2d2: {  	v11 =	vmul.f32 v11, v62;
	v7 =	vmul.f32 v7, v61;
	[tilespmem:$0x1FCF0] =	vst v18  }
0x2d3: {  	v30 =	vld [tilespmem:$0x1FEA0];
	v18 =	vmul.f32 v5, v49;
	[tilespmem:$0x1FFB0] =	vst v19;
	v19 =	vmul.f32 v2, v51  }
0x2d4: {  	v32 =	vmovc v38;
	v38 =	vmovc v63;
	v63 =	vld [tilespmem:$0x1FFA0];
	v48 =	vmov v15;
	v2 =	vmul.f32 v2, v25;
	v15 =	vmul.f32 v8, v44  }
0x2d5: {  	v7 =	vadd.f32 v7, v11;
	v20 =	vld.idx.msk [tilespmem:v10+s8+$0x0], $0xffff;
	v10 =	vmul.f32 v12, v25;
	v12 =	vmul.f32 v12, v51  }
0x2d6: {  	v6 =	vld.idx.msk [tilespmem:v52+s3+$0x0], $0xffff;
	v5 =	vmul.f32 v5, v44;
	v14 =	vmovc v1;
	v1 =	vmov v36;
	v8 =	vmul.f32 v8, v49  }
0x2d7: {  	[tilespmem:v31+s18+$0x0] =	vst.idx.msk $0xffff, v7;
	v15 =	vsub.f32 v15, v18;
	v12 =	vadd.f32 v12, v2;
	v2 =	vld.idx.msk [tilespmem:v56+s12+$0x0], $0xffff  }
0x2d8: {  	v4 =	vld.idx.msk [tilespmem:v54+s8+$0x0], $0xffff;
	[tilespmem:$0x1FFE0] =	vst v14;
	v5 =	vadd.f32 v5, v8  }
0x2d9: {  	v7 =	vld [tilespmem:$0x1FEC0];
	[tilespmem:v47+s16+$0x0] =	vst.idx.msk $0xffff, v15  }
0x2da: {  	v14 =	vld.idx.msk [tilespmem:v58+s3+$0x0], $0xffff;
	[tilespmem:v60+s16+$0x0] =	vst.idx.msk $0xffff, v5  }
0x2db: {  	v15 =	vld.idx.msk [tilespmem:v1+s17+$0x0], $0xffff  }
0x2dc: {  	[tilespmem:$0x1FC50] =	vst v2;
	v2 =	vld [tilespmem:$0x1FF80]  }
0x2dd: {  	v0 =	vmov v26;
	v26 =	vmov v1;
	v1 =	vld [tilespmem:$0x1FE50];
	_ =	sdelay $0x1  }
0x2de: {  	v13 =	vld.idx.msk [tilespmem:v63+s8+$0x0], $0xffff  }
0x2df: {  	[tilespmem:$0x1FC40] =	vst v50;
	v11 =	vld.idx.msk [tilespmem:v30+s8+$0x0], $0xffff  }
0x2e0: {  	v22 =	vld.idx.msk [tilespmem:v37+s19+$0x0], $0xffff;
	v18 =	vmul.f32 v6, v43;
	v10 =	vsub.f32 v19, v10;
	v8 =	vmul.f32 v14, v53  }
0x2e1: {  	[tilespmem:$0x1FEE0] =	vst v27;
	v3 =	vmul.f32 v9, v21;
	v36 =	vmov v21;
	v21 =	vld.idx.msk [tilespmem:v39+s19+$0x0], $0xffff;
	v6 =	vmul.f32 v6, v53  }
0x2e2: {  	v7 =	vld.idx.msk [tilespmem:v7+s8+$0x0], $0xffff;
	[tilespmem:v42+s16+$0x0] =	vst.idx.msk $0xffff, v10;
	v10 =	vmul.f32 v4, v46;
	v8 =	vsub.f32 v18, v8  }
0x2e3: {  	v14 =	vmul.f32 v14, v43;
	[tilespmem:v48+s16+$0x0] =	vst.idx.msk $0xffff, v12;
	v12 =	vmul.f32 v13, v27;
	v50 =	vld.idx.msk [tilespmem:v2+s12+$0x0], $0xffff  }
0x2e4: {  	[tilespmem:v41+s16+$0x0] =	vst.idx.msk $0xffff, v8;
	v8 =	vmul.f32 v11, v27;
	v27 =	vsub.f32 v3, v10;
	v10 =	vld.idx.msk [tilespmem:v1+s1+$0x0], $0xffff  }
0x2e5: {  	v1 =	vld [tilespmem:$0x1FC00]  }
0x2e6: {  	v6 =	vadd.f32 v14, v6  }
0x2e7: {  	v18 =	vmul.f32 v11, v35;
	v19 =	vld.idx.msk [tilespmem:v23+s17+$0x0], $0xffff;
	v5 =	vmov v23  }
0x2e8: {  	v23 =	vld.idx.msk [tilespmem:v0+s17+$0x0], $0xffff;
	v11 =	vmul.f32 v22, v62;
	[tilespmem:v59+s16+$0x0] =	vst.idx.msk $0xffff, v6;
	v6 =	vmul.f32 v21, v61  }
0x2e9: {  	v2 =	vmov v0;
	v22 =	vmul.f32 v22, v61;
	v0 =	vld [tilespmem:$0x1FBF0];
	v21 =	vmul.f32 v21, v62  }
0x2ea: {  	v6 =	vsub.f32 v6, v11  }
0x2eb: {  	v11 =	vadd.f32 v22, v21  }
0x2ec: {  	[tilespmem:v45+s20+$0x0] =	vst.idx.msk $0xffff, v6  }
0x2ed: {  	[tilespmem:v31+s20+$0x0] =	vst.idx.msk $0xffff, v11;
	v11 =	vld.idx.msk [tilespmem:v1+s1+$0x0], $0xffff  }
0x2ee: {  	v1 =	vld [tilespmem:$0x1FC20];
	_ =	sdelay $0x1  }
0x2ef: {  	v14 =	vld.idx.msk [tilespmem:v55+s17+$0x0], $0xffff  }
0x2f0: {  	v0 =	vld.idx.msk [tilespmem:v0+s1+$0x0], $0xffff;
	_ =	sdelay $0x4  }
0x2f1: {  	v57 =	vmul.f32 v14, v44;
	[tilespmem:$0x1FE80] =	vst v0;
	v0 =	vmul.f32 v15, v49;
	v1 =	vld.idx.msk [tilespmem:v1+s1+$0x0], $0xffff;
	_ =	sdelay $0x1  }
0x2f2: {  	v24 =	vld.idx.msk [tilespmem:v52+s17+$0x0], $0xffff;
	v6 =	vmul.f32 v19, v51;
	v21 =	vsub.f32 v57, v0;
	v0 =	vmul.f32 v23, v25  }
0x2f3: {  	v3 =	vld.idx.msk [tilespmem:v58+s17+$0x0], $0xffff  }
0x2f4: {  	v6 =	vsub.f32 v6, v0;
	v0 =	vld [tilespmem:$0x1FC10]  }
0x2f5: {  	[tilespmem:$0x1FF20] =	vst v1;
	v1 =	vld [tilespmem:$0x1FC30];
	_ =	sdelay $0x1  }
0x2f6: {  	[tilespmem:$0x1FEF0] =	vst v35;
	v14 =	vmul.f32 v14, v49;
	v15 =	vmul.f32 v15, v44  }
0x2f7: {  	[tilespmem:$0x1FF30] =	vst v17;
	v29 =	vmul.f32 v3, v53;
	v3 =	vmul.f32 v3, v43  }
0x2f8: {  	v28 =	vld.idx.msk [tilespmem:v37+s4+$0x0], $0xffff;
	v14 =	vadd.f32 v15, v14;
	v15 =	vmul.f32 v24, v43;
	v24 =	vmul.f32 v24, v53  }
0x2f9: {  	v22 =	vmul.f32 v23, v51;
	v19 =	vmul.f32 v19, v25;
	v23 =	vld.idx.msk [tilespmem:v39+s4+$0x0], $0xffff;
	[tilespmem:v47+s18+$0x0] =	vst.idx.msk $0xffff, v21  }
0x2fa: {  	[tilespmem:v60+s18+$0x0] =	vst.idx.msk $0xffff, v14;
	v14 =	vsub.f32 v15, v29;
	v15 =	vadd.f32 v3, v24;
	v3 =	vld [tilespmem:$0x1FC40]  }
0x2fb: {  	v9 =	vmul.f32 v9, v46;
	v4 =	vmul.f32 v4, v36;
	v16 =	vadd.f32 v22, v19;
	v0 =	vld.idx.msk [tilespmem:v0+s1+$0x0], $0xffff  }
0x2fc: {  	v13 =	vmul.f32 v13, v35;
	v34 =	vmul.f32 v20, v17;
	[tilespmem:v42+s18+$0x0] =	vst.idx.msk $0xffff, v6;
	v1 =	vld.idx.msk [tilespmem:v1+s1+$0x0], $0xffff  }
0x2fd: {  	v35 =	vmul.f32 v7, v33;
	v4 =	vadd.f32 v4, v9;
	v9 =	vld.idx.msk [tilespmem:v26+s19+$0x0], $0xffff;
	[tilespmem:v48+s18+$0x0] =	vst.idx.msk $0xffff, v16  }
0x2fe: {  	v7 =	vmul.f32 v7, v17;
	v12 =	vsub.f32 v12, v18;
	v13 =	vadd.f32 v8, v13;
	v8 =	vld.idx.msk [tilespmem:v5+s19+$0x0], $0xffff  }
0x2ff: {  	v16 =	vmul.f32 v28, v62;
	v17 =	vld.idx.msk [tilespmem:v2+s19+$0x0], $0xffff;
	[tilespmem:v41+s18+$0x0] =	vst.idx.msk $0xffff, v14;
	v14 =	vmul.f32 v23, v61  }
0x300: {  	v18 =	vmul.f32 v23, v62;
	[tilespmem:v59+s18+$0x0] =	vst.idx.msk $0xffff, v15;
	v15 =	vmul.f32 v28, v61  }
0x301: {  	v6 =	vmul.f32 v20, v33;
	v14 =	vsub.f32 v14, v16;
	[tilespmem:$0x1FF60] =	vst v1;
	v1 =	vld.idx.msk [tilespmem:v55+s19+$0x0], $0xffff  }
0x302: {  	v22 =	vmov v54;
	[tilespmem:v40+s10+$0x0] =	vst.idx.msk $0xffff, v12;
	v15 =	vadd.f32 v15, v18  }
0x303: {  	v7 =	vadd.f32 v7, v6;
	v6 =	vmul.f32 v9, v49;
	v19 =	vld.idx.msk [tilespmem:v52+s19+$0x0], $0xffff;
	[tilespmem:v45+s7+$0x0] =	vst.idx.msk $0xffff, v14  }
0x304: {  	v16 =	vld.idx.msk [tilespmem:v58+s19+$0x0], $0xffff;
	v18 =	vmul.f32 v8, v51;
	v24 =	vmul.f32 v17, v25;
	[tilespmem:v31+s7+$0x0] =	vst.idx.msk $0xffff, v15  }
0x305: {  	v9 =	vmul.f32 v9, v44;
	v12 =	vmul.f32 v17, v51;
	[tilespmem:v32+s10+$0x0] =	vst.idx.msk $0xffff, v27;
	v21 =	vld.idx.msk [tilespmem:v39+s8+$0x0], $0xffff  }
0x306: {  	v18 =	vsub.f32 v18, v24;
	[tilespmem:v38+s10+$0x0] =	vst.idx.msk $0xffff, v4;
	v17 =	vld.idx.msk [tilespmem:v37+s8+$0x0], $0xffff;
	v4 =	vmul.f32 v1, v44  }
0x307: {  	[tilespmem:$0x1FE50] =	vst v22;
	v8 =	vmul.f32 v8, v25;
	v14 =	vld.idx.msk [tilespmem:v3+s12+$0x0], $0xffff;
	v1 =	vmul.f32 v1, v49  }
0x308: {  	v15 =	vld.idx.msk [tilespmem:v54+s12+$0x0], $0xffff;
	[tilespmem:v42+s20+$0x0] =	vst.idx.msk $0xffff, v18;
	v4 =	vsub.f32 v4, v6;
	v6 =	vmov v26  }
0x309: {  	v22 =	vmul.f32 v16, v53;
	v1 =	vadd.f32 v9, v1;
	v9 =	vmul.f32 v19, v43;
	[tilespmem:$0x1FF90] =	vst v6  }
0x30a: {  	v16 =	vmul.f32 v16, v43;
	v19 =	vmul.f32 v19, v53;
	[tilespmem:v47+s20+$0x0] =	vst.idx.msk $0xffff, v4  }
0x30b: {  	v4 =	vadd.f32 v12, v8;
	v8 =	vmov v5;
	[tilespmem:v60+s20+$0x0] =	vst.idx.msk $0xffff, v1;
	v1 =	vsub.f32 v9, v22  }
0x30c: {  	v6 =	vmul.f32 v14, v36;
	v12 =	vadd.f32 v16, v19;
	v16 =	vmul.f32 v17, v62;
	[tilespmem:$0x1FFA0] =	vst v8  }
0x30d: {  	[tilespmem:v41+s20+$0x0] =	vst.idx.msk $0xffff, v1;
	v1 =	vmul.f32 v17, v61;
	v17 =	vmul.f32 v21, v62  }
0x30e: {  	v8 =	vmul.f32 v15, v46;
	v9 =	vmul.f32 v15, v36;
	v15 =	vld.idx.msk [tilespmem:v26+s4+$0x0], $0xffff;
	[tilespmem:v48+s20+$0x0] =	vst.idx.msk $0xffff, v4  }
0x30f: {  	[tilespmem:v59+s20+$0x0] =	vst.idx.msk $0xffff, v12;
	v12 =	vmul.f32 v14, v46;
	v14 =	vadd.f32 v1, v17;
	v1 =	vld [tilespmem:$0x1FFB0]  }
0x310: {  	v4 =	vmul.f32 v21, v61;
	v21 =	vld.idx.msk [tilespmem:v2+s4+$0x0], $0xffff  }
0x311: {  	v26 =	vmov v2;
	v2 =	vld [tilespmem:$0x1FFC0]  }
0x312: {  	v17 =	vld [tilespmem:$0x1FC50];
	_ =	sdelay $0x3  }
0x313: {  	v22 =	vld.idx.msk [tilespmem:v5+s4+$0x0], $0xffff  }
0x314: {  	v5 =	vmul.f32 v50, v2;
	[tilespmem:v1+s10+$0x0] =	vst.idx.msk $0xffff, v13;
	v13 =	vmul.f32 v17, v2;
	v2 =	vld [tilespmem:$0x1FFE0];
	_ =	sdelay $0x3  }
0x315: {  	v19 =	vld.idx.msk [tilespmem:v55+s4+$0x0], $0xffff;
	v4 =	vsub.f32 v4, v16  }
0x316: {  	v16 =	vld.idx.msk [tilespmem:v52+s4+$0x0], $0xffff  }
0x317: {  	v20 =	vsub.f32 v34, v35;
	[tilespmem:v45+s10+$0x0] =	vst.idx.msk $0xffff, v4;
	v4 =	vld [tilespmem:$0x1FDA0]  }
0x318: {  	v35 =	vmov v48;
	v48 =	vmov v1;
	v1 =	vld.idx.msk [tilespmem:v58+s4+$0x0], $0xffff  }
0x319: {  	[tilespmem:v2+s10+$0x0] =	vst.idx.msk $0xffff, v20;
	v2 =	vld [tilespmem:$0x1FFF0]  }
0x31a: {  	v23 =	vmov v63  }
0x31b: {  	s29 =	sadd.s32 $0x40, s29;
	[tilespmem:$0x1FF40] =	vst v33;
	v57 =	vmovc v38;
	v29 =	vmovc v41;
	v33 =	vmov v36;
	v63 =	vmov v60;
	v28 =	vmov v55  }
0x31c: {  	p1 =	slt.u32 s29, $0x3C0;
	[tilespmem:$0x1FFD0] =	vst v49;
	v27 =	vmovc v30;
	v38 =	vmovc v47;
	v54 =	vmov v43;
	v43 =	vmov v45;
	v47 =	vmov v59  }
.Ltmp0:
0x31d: {  	v60 =	vmov v56;
	v24 =	vmul.f32 v19, v44;
	v36 =	vmul.f32 v19, v49;
	[tilespmem:v31+s10+$0x0] =	vst.idx.msk $0xffff, v14;
	(pc) =	sbr.rel @p1 .LBB2_3-.Ltmp0, $4  }
0x31e: {  	v55 =	vmovc v42;
	v19 =	vmul.f32 v15, v49;
	v30 =	vmov v4;
	v45 =	vmul.f32 v50, v4;
	v4 =	vld.idx.msk [tilespmem:v39+s12+$0x0], $0xffff  }
0x31f: {  	v42 =	vmovc v23;
	v41 =	vmov v25;
	v18 =	vmul.f32 v15, v44;
	v56 =	vmul.f32 v22, v51;
	v14 =	vld.idx.msk [tilespmem:v23+s12+$0x0], $0xffff  }
0x320: {  	v59 =	vmovc v44;
	v19 =	vsub.f32 v24, v19;
	v44 =	vmov v17;
	v17 =	vmul.f32 v22, v25;
	v23 =	vld.idx.msk [tilespmem:v37+s12+$0x0], $0xffff  }
0x321: {  	s30 =	sadd.s32 $0x40, s30;
	v22 =	vmul.f32 v21, v25;
	v15 =	vld.idx.msk [tilespmem:v27+s12+$0x0], $0xffff;
	[tilespmem:v2+s10+$0x0] =	vst.idx.msk $0xffff, v7;
	v7 =	vmul.f32 v21, v51  }
0x322: {  	_ =	sdelay $0x2  }
0x323: {  	v20 =	vmul.f32 v4, v61;
	v21 =	vmul.f32 v23, v62  }
0x324: {  	v34 =	vmul.f32 v4, v62;
	v25 =	vmul.f32 v23, v61  }
0x325: {  	v20 =	vsub.f32 v20, v21  }
0x326: {  	v4 =	vadd.f32 v25, v34  }
0x327: {  	[tilespmem:v43+s14+$0x0] =	vst.idx.msk $0xffff, v20  }
0x328: {  	[tilespmem:v31+s14+$0x0] =	vst.idx.msk $0xffff, v4  }
0x329: {  	v4 =	vld.idx.msk [tilespmem:v39+s1+$0x0], $0xffff  }
0x32a: {  	v20 =	vld.idx.msk [tilespmem:v37+s1+$0x0], $0xffff;
	_ =	sdelay $0x4  }
0x32b: {  	v37 =	vmul.f32 v4, v61;
	v39 =	vmul.f32 v20, v62;
	_ =	sdelay $0x1  }
0x32c: {  	v21 =	vsub.f32 v37, v39;
	_ =	sdelay $0x1  }
0x32d: {  	[tilespmem:v43+s15+$0x0] =	vst.idx.msk $0xffff, v21  }
0x32e: {  	v43 =	vld [tilespmem:$0x1FDD0]  }
0x32f: {  	v2 =	vld [tilespmem:$0x1FE80]  }
0x330: {  	v24 =	vld [tilespmem:$0x1FDE0];
	_ =	sdelay $0x1  }
0x331: {  	v20 =	vmul.f32 v20, v61;
	v4 =	vmul.f32 v4, v62;
	_ =	sdelay $0x1  }
0x332: {  	v4 =	vadd.f32 v20, v4  }
0x333: {  	v61 =	vmul.f32 v10, v43;
	v62 =	vmul.f32 v2, v24  }
0x334: {  	[tilespmem:v31+s15+$0x0] =	vst.idx.msk $0xffff, v4  }
0x335: {  	v4 =	vadd.f32 v61, v62;
	v61 =	vld [tilespmem:$0x1FD10];
	_ =	sdelay $0x3  }
0x336: {  	v49 =	vmul.f32 v2, v43;
	v50 =	vmul.f32 v10, v24;
	_ =	sdelay $0x1  }
0x337: {  	v20 =	vsub.f32 v49, v50  }
0x338: {  	v31 =	vld [tilespmem:$0x1FDF0]  }
0x339: {  	v39 =	vld [tilespmem:$0x1FE00];
	[tilespmem:v61+s15+$0x0] =	vst.idx.msk $0xffff, v20  }
0x33a: {  	v20 =	vld [tilespmem:$0x1FD20];
	_ =	sdelay $0x7  }
0x33b: {  	[tilespmem:v20+s15+$0x0] =	vst.idx.msk $0xffff, v4  }
0x33c: {  	v4 =	vld [tilespmem:$0x1FE30];
	_ =	sdelay $0x3  }
0x33d: {  	v37 =	vmul.f32 v11, v31;
	v43 =	vmul.f32 v0, v39;
	_ =	sdelay $0x1  }
0x33e: {  	v62 =	vsub.f32 v37, v43;
	_ =	sdelay $0x1  }
0x33f: {  	[tilespmem:v4+s15+$0x0] =	vst.idx.msk $0xffff, v62  }
0x340: {  	v4 =	vld [tilespmem:$0x1FCE0];
	_ =	sdelay $0x3  }
0x341: {  	v49 =	vmul.f32 v0, v31;
	v50 =	vmul.f32 v11, v39;
	_ =	sdelay $0x1  }
0x342: {  	v0 =	vadd.f32 v49, v50  }
0x343: {  	[tilespmem:v38+s7+$0x0] =	vst.idx.msk $0xffff, v19  }
0x344: {  	[tilespmem:v4+s15+$0x0] =	vst.idx.msk $0xffff, v0  }
0x345: {  	v19 =	vld [tilespmem:$0x1FE10]  }
0x346: {  	v23 =	vadd.f32 v18, v36;
	v2 =	vld [tilespmem:$0x1FF20]  }
0x347: {  	v24 =	vsub.f32 v56, v22;
	v18 =	vld [tilespmem:$0x1FE20]  }
0x348: {  	v7 =	vadd.f32 v7, v17;
	v31 =	vld [tilespmem:$0x1FF60];
	[tilespmem:v63+s7+$0x0] =	vst.idx.msk $0xffff, v23  }
0x349: {  	[tilespmem:v55+s7+$0x0] =	vst.idx.msk $0xffff, v24  }
0x34a: {  	[tilespmem:v35+s7+$0x0] =	vst.idx.msk $0xffff, v7  }
0x34b: {  	v56 =	vld [tilespmem:$0x1FE40];
	_ =	sdelay $0x3  }
0x34c: {  	v37 =	vmul.f32 v2, v19;
	v39 =	vmul.f32 v31, v18;
	_ =	sdelay $0x1  }
0x34d: {  	v25 =	vmul.f32 v16, v54;
	v43 =	vmul.f32 v1, v53;
	v50 =	vsub.f32 v37, v39;
	_ =	sdelay $0x1  }
0x34e: {  	v0 =	vsub.f32 v25, v43;
	v25 =	vld [tilespmem:$0x1FEE0];
	[tilespmem:v56+s15+$0x0] =	vst.idx.msk $0xffff, v50  }
0x34f: {  	v20 =	vld [tilespmem:$0x1FEF0];
	_ =	sdelay $0x1  }
0x350: {  	v36 =	vmul.f32 v16, v53;
	v49 =	vmul.f32 v1, v54;
	_ =	sdelay $0x1  }
0x351: {  	v34 =	vmov v33;
	v1 =	vadd.f32 v49, v36;
	v43 =	vsub.f32 v6, v8  }
0x352: {  	v33 =	vmov v54;
	v54 =	vmul.f32 v14, v25;
	[tilespmem:v29+s7+$0x0] =	vst.idx.msk $0xffff, v0;
	v61 =	vmul.f32 v15, v20  }
0x353: {  	v16 =	vadd.f32 v9, v12;
	v17 =	vmul.f32 v15, v25;
	v22 =	vld [tilespmem:$0x1FF90];
	[tilespmem:v47+s7+$0x0] =	vst.idx.msk $0xffff, v1  }
0x354: {  	v21 =	vld [tilespmem:$0x1FFA0];
	[tilespmem:v32+s14+$0x0] =	vst.idx.msk $0xffff, v43;
	v36 =	vmul.f32 v14, v20;
	v4 =	vsub.f32 v54, v61  }
0x355: {  	[tilespmem:v57+s14+$0x0] =	vst.idx.msk $0xffff, v16  }
0x356: {  	v8 =	vadd.f32 v17, v36;
	[tilespmem:v40+s14+$0x0] =	vst.idx.msk $0xffff, v4  }
0x357: {  	v54 =	vld [tilespmem:$0x1FFD0]  }
0x358: {  	v61 =	vld [tilespmem:$0x1FE50];
	[tilespmem:v48+s14+$0x0] =	vst.idx.msk $0xffff, v8  }
0x359: {  	v37 =	vmul.f32 v31, v19;
	v19 =	vld [tilespmem:$0x1FE60];
	_ =	sdelay $0x1  }
0x35a: {  	v62 =	vld.idx.msk [tilespmem:v28+s8+$0x0], $0xffff  }
0x35b: {  	v0 =	vld.idx.msk [tilespmem:v26+s8+$0x0], $0xffff  }
0x35c: {  	v2 =	vmul.f32 v2, v18;
	v49 =	vld.idx.msk [tilespmem:v22+s8+$0x0], $0xffff  }
0x35d: {  	v39 =	vsub.f32 v13, v45;
	v13 =	vmov v40;
	v40 =	vld.idx.msk [tilespmem:v3+s1+$0x0], $0xffff  }
0x35e: {  	v1 =	vadd.f32 v37, v2;
	v7 =	vld.idx.msk [tilespmem:v21+s8+$0x0], $0xffff  }
0x35f: {  	v11 =	vld.idx.msk [tilespmem:v61+s1+$0x0], $0xffff  }
0x360: {  	v50 =	vmul.f32 v62, v59;
	[tilespmem:v19+s15+$0x0] =	vst.idx.msk $0xffff, v1  }
0x361: {  	v10 =	vmul.f32 v62, v54;
	v62 =	vmul.f32 v49, v54;
	v16 =	vld [tilespmem:$0x1FCF0]  }
0x362: {  	v36 =	vmul.f32 v0, v41;
	v6 =	vmul.f32 v49, v59  }
0x363: {  	v43 =	vmul.f32 v40, v34;
	v31 =	vmul.f32 v7, v51;
	v3 =	vsub.f32 v50, v62  }
0x364: {  	v6 =	vadd.f32 v6, v10;
	v45 =	vmul.f32 v11, v34;
	v11 =	vmul.f32 v11, v46  }
0x365: {  	v1 =	vsub.f32 v31, v36;
	[tilespmem:v38+s10+$0x0] =	vst.idx.msk $0xffff, v3  }
0x366: {  	v37 =	vld.idx.msk [tilespmem:v52+s8+$0x0], $0xffff;
	v4 =	vmul.f32 v40, v46;
	[tilespmem:v63+s10+$0x0] =	vst.idx.msk $0xffff, v6;
	v10 =	vsub.f32 v43, v11  }
0x367: {  	v0 =	vmul.f32 v0, v51;
	v9 =	vld.idx.msk [tilespmem:v42+s1+$0x0], $0xffff;
	v7 =	vmul.f32 v7, v41;
	[tilespmem:v55+s10+$0x0] =	vst.idx.msk $0xffff, v1  }
0x368: {  	v50 =	vld.idx.msk [tilespmem:v58+s8+$0x0], $0xffff;
	v56 =	vadd.f32 v45, v4;
	[tilespmem:v32+s15+$0x0] =	vst.idx.msk $0xffff, v10  }
0x369: {  	v0 =	vadd.f32 v0, v7;
	v3 =	vld.idx.msk [tilespmem:v27+s1+$0x0], $0xffff;
	[tilespmem:v16+s14+$0x0] =	vst.idx.msk $0xffff, v39  }
0x36a: {  	v40 =	vld [tilespmem:$0x1FEB0];
	[tilespmem:v57+s15+$0x0] =	vst.idx.msk $0xffff, v56  }
0x36b: {  	v17 =	vld [tilespmem:$0x1FEC0];
	[tilespmem:v35+s10+$0x0] =	vst.idx.msk $0xffff, v0  }
0x36c: {  	v15 =	vld [tilespmem:$0x1FD00];
	_ =	sdelay $0x2  }
0x36d: {  	v42 =	vmul.f32 v9, v25;
	v61 =	vld.idx.msk [tilespmem:v28+s12+$0x0], $0xffff;
	v43 =	vmul.f32 v3, v20  }
0x36e: {  	v49 =	vmul.f32 v44, v30;
	v62 =	vld.idx.msk [tilespmem:v22+s12+$0x0], $0xffff  }
0x36f: {  	v31 =	vmul.f32 v37, v33;
	v32 =	vmul.f32 v50, v53;
	v34 =	vsub.f32 v42, v43  }
0x370: {  	v8 =	vmul.f32 v37, v53;
	v14 =	vadd.f32 v5, v49;
	v6 =	vmul.f32 v50, v33;
	v36 =	vld.idx.msk [tilespmem:v21+s12+$0x0], $0xffff  }
0x371: {  	v9 =	vmul.f32 v9, v20;
	v0 =	vsub.f32 v31, v32;
	v37 =	vld.idx.msk [tilespmem:v26+s12+$0x0], $0xffff;
	[tilespmem:v13+s15+$0x0] =	vst.idx.msk $0xffff, v34  }
0x372: {  	v6 =	vadd.f32 v6, v8;
	v3 =	vmul.f32 v3, v25;
	[tilespmem:v15+s14+$0x0] =	vst.idx.msk $0xffff, v14  }
0x373: {  	v42 =	vmul.f32 v62, v54;
	v39 =	vmul.f32 v61, v59;
	v18 =	vld [tilespmem:$0x1FF30];
	[tilespmem:v29+s10+$0x0] =	vst.idx.msk $0xffff, v0  }
0x374: {  	v5 =	vmul.f32 v62, v59;
	v4 =	vmul.f32 v61, v54;
	v19 =	vld [tilespmem:$0x1FF40];
	[tilespmem:v47+s10+$0x0] =	vst.idx.msk $0xffff, v6  }
0x375: {  	v9 =	vadd.f32 v3, v9;
	v57 =	vsub.f32 v39, v42;
	v49 =	vld [tilespmem:$0x1FF80]  }
0x376: {  	v4 =	vadd.f32 v5, v4;
	v56 =	vmul.f32 v36, v51;
	v43 =	vld.idx.msk [tilespmem:v60+s1+$0x0], $0xffff;
	v60 =	vmul.f32 v37, v41  }
0x377: {  	v61 =	vmul.f32 v37, v51;
	v10 =	vmul.f32 v36, v41;
	[tilespmem:v38+s14+$0x0] =	vst.idx.msk $0xffff, v57  }
0x378: {  	v62 =	vsub.f32 v56, v60;
	[tilespmem:v48+s15+$0x0] =	vst.idx.msk $0xffff, v9  }
0x379: {  	v7 =	vld.idx.msk [tilespmem:v40+s12+$0x0], $0xffff;
	v5 =	vadd.f32 v61, v10;
	[tilespmem:v63+s14+$0x0] =	vst.idx.msk $0xffff, v4  }
0x37a: {  	v23 =	vmov v29;
	v29 =	vld [tilespmem:$0x1FFC0];
	[tilespmem:v55+s14+$0x0] =	vst.idx.msk $0xffff, v62  }
0x37b: {  	v44 =	vld.idx.msk [tilespmem:v17+s12+$0x0], $0xffff;
	[tilespmem:v35+s14+$0x0] =	vst.idx.msk $0xffff, v5  }
0x37c: {  	v32 =	vld [tilespmem:$0x1FFE0]  }
0x37d: {  	v50 =	vld.idx.msk [tilespmem:v49+s1+$0x0], $0xffff;
	_ =	sdelay $0x3  }
0x37e: {  	v12 =	vld.idx.msk [tilespmem:v52+s12+$0x0], $0xffff;
	v45 =	vmul.f32 v7, v18;
	v46 =	vmul.f32 v44, v19  }
0x37f: {  	v14 =	vld.idx.msk [tilespmem:v58+s12+$0x0], $0xffff;
	v20 =	vmul.f32 v43, v29;
	v25 =	vmul.f32 v50, v30  }
0x380: {  	v0 =	vsub.f32 v45, v46  }
0x381: {  	v2 =	vsub.f32 v20, v25  }
0x382: {  	[tilespmem:v32+s14+$0x0] =	vst.idx.msk $0xffff, v0  }
0x383: {  	v27 =	vld.idx.msk [tilespmem:v28+s1+$0x0], $0xffff;
	[tilespmem:v16+s15+$0x0] =	vst.idx.msk $0xffff, v2  }
0x384: {  	v24 =	vmov v47;
	v34 =	vmul.f32 v12, v33;
	v36 =	vmul.f32 v14, v53;
	v47 =	vld [tilespmem:$0x1FFF0]  }
0x385: {  	v31 =	vld.idx.msk [tilespmem:v21+s1+$0x0], $0xffff;
	v4 =	vmul.f32 v14, v33;
	v3 =	vmul.f32 v12, v53  }
0x386: {  	v37 =	vld.idx.msk [tilespmem:v26+s1+$0x0], $0xffff;
	v2 =	vsub.f32 v34, v36  }
0x387: {  	v28 =	vld.idx.msk [tilespmem:v22+s1+$0x0], $0xffff;
	v3 =	vadd.f32 v4, v3  }
0x388: {  	v1 =	vmul.f32 v44, v18;
	v7 =	vmul.f32 v7, v19;
	[tilespmem:v23+s14+$0x0] =	vst.idx.msk $0xffff, v2  }
0x389: {  	[tilespmem:v24+s14+$0x0] =	vst.idx.msk $0xffff, v3  }
0x38a: {  	v8 =	vmul.f32 v43, v30;
	v1 =	vadd.f32 v1, v7;
	v6 =	vmul.f32 v50, v29;
	v49 =	vld.idx.msk [tilespmem:v52+s1+$0x0], $0xffff  }
0x38b: {  	v46 =	vmul.f32 v31, v51;
	v48 =	vmul.f32 v37, v41;
	v52 =	vld.idx.msk [tilespmem:v58+s1+$0x0], $0xffff  }
0x38c: {  	v42 =	vmul.f32 v28, v54;
	v6 =	vadd.f32 v6, v8;
	[tilespmem:v47+s14+$0x0] =	vst.idx.msk $0xffff, v1  }
0x38d: {  	v4 =	vsub.f32 v46, v48;
	v0 =	vmul.f32 v31, v41;
	v1 =	vmul.f32 v37, v51;
	v39 =	vld.idx.msk [tilespmem:v40+s1+$0x0], $0xffff  }
0x38e: {  	v5 =	vmul.f32 v28, v59;
	[tilespmem:v15+s15+$0x0] =	vst.idx.msk $0xffff, v6;
	v40 =	vmul.f32 v27, v59;
	v43 =	vld.idx.msk [tilespmem:v17+s1+$0x0], $0xffff  }
0x38f: {  	v44 =	vmul.f32 v27, v54;
	[tilespmem:v55+s15+$0x0] =	vst.idx.msk $0xffff, v4;
	v0 =	vadd.f32 v1, v0  }
0x390: {  	v60 =	vmul.f32 v52, v53;
	v59 =	vmul.f32 v49, v33;
	v45 =	vsub.f32 v40, v42  }
0x391: {  	v50 =	vadd.f32 v5, v44;
	v61 =	vmul.f32 v52, v33;
	[tilespmem:v35+s15+$0x0] =	vst.idx.msk $0xffff, v0  }
0x392: {  	v62 =	vmul.f32 v49, v53;
	v0 =	vsub.f32 v59, v60;
	[tilespmem:v38+s15+$0x0] =	vst.idx.msk $0xffff, v45  }
0x393: {  	[tilespmem:v63+s15+$0x0] =	vst.idx.msk $0xffff, v50;
	v54 =	vmul.f32 v39, v18;
	v56 =	vmul.f32 v43, v19  }
0x394: {  	v57 =	vmul.f32 v43, v18;
	v58 =	vmul.f32 v39, v19;
	v63 =	vadd.f32 v61, v62  }
0x395: {  	[tilespmem:v23+s15+$0x0] =	vst.idx.msk $0xffff, v0;
	v3 =	vsub.f32 v54, v56  }
0x396: {  	v1 =	vadd.f32 v57, v58;
	[tilespmem:v24+s15+$0x0] =	vst.idx.msk $0xffff, v63  }
0x397: {  	[tilespmem:v32+s15+$0x0] =	vst.idx.msk $0xffff, v3  }
0x398: {  	[tilespmem:v47+s15+$0x0] =	vst.idx.msk $0xffff, v1  }
0x399: {  	s14 =	rddreg [dreg:$0xf]  }
0x39a: {  	p1 =	sne.s32 s14, $0x1F  }
.Ltmp1:
0x39b: {  	_ = 	snop;
	(pc) =	sbr.rel @p1 .LBB2_6-.Ltmp1, $4  }
0x39c: {  	s22 =	rddreg [dreg:$0xa]  }
0x39d: {  	s15 =	rddreg [dreg:$0x10]  }
0x39e: {  	s25 =	simm.s32 $0x1800;
	s24 =	simm.s32 $0x0;
	s22 =	sadd.s32 s22, s15  }
0x39f: {  	[hbm4b:s22+s24] =	stream.linear.scatter [tilespmem:s0], [sflag:$0x3], $0x4000, $0x38;
	[tilespmem:$0x11800] =	vst v63  }
.Ltmp2:
0x3a0: {  	(pc) =	sbr.rel .LBB2_7-.Ltmp2, $4  }
0x3a1: {  	s0 =	simm.s32 $0x2;
	s31 =	simm.s32 $0x5800;
	s1 =	simm.s32 $0xD800  }
0x3a2: {  	s3 =	simm.s32 $0x6000;
	s4 =	simm.s32 $0xE000;
	_ =	swait.ge [sflag:s0], $0x4000  }
0x3a3: {  	s7 =	simm.s32 $0x6800;
	s8 =	simm.s32 $0xE800;
	[sflag:s0] =	ssyncset.done $0x0  }
0x3a4: {  	s10 =	simm.s32 $0x7000;
	s12 =	simm.s32 $0xF000;
	[sflag:s0] =	ssyncadd.s32 $0xFFFFC000  }
.LBB2_6:
0x3a5: {  	s22 =	rddreg [dreg:$0x0]  }
0x3a6: {  	s0 =	simm.s32 $0x2;
	s31 =	simm.s32 $0x5800;
	s22 =	sadd.s32 s22, s15  }
.Ltmp3:
0x3a7: {  	s1 =	simm.s32 $0xD800;
	s22 =	sadd.s32 $0x1000, s22;
	(pc) =	sbr.rel @p0 .LBB2_8-.Ltmp3, $4  }
0x3a8: {  	[tilespmem:s25], [sflag:$0x1] =	stream.linear.gather [hbm4b:s22+s24], $0x4000, $0x38;
	[tilespmem:$0x11800] =	vst v63  }
0x3a9: {  	s3 =	simm.s32 $0x6000;
	s4 =	simm.s32 $0xE000;
	_ =	swait.ge [sflag:s0], $0x4000  }
0x3aa: {  	s7 =	simm.s32 $0x6800;
	s8 =	simm.s32 $0xE800;
	[sflag:s0] =	ssyncset.done $0x0  }
0x3ab: {  	s10 =	simm.s32 $0x7000;
	s12 =	simm.s32 $0xF000;
	[sflag:s0] =	ssyncadd.s32 $0xFFFFC000  }
.LBB2_7:
0x3ac: {  	s0 =	simm.s32 $0x4  }
0x3ad: {  	_ =	swait.ge [sflag:s0], $0x4000  }
0x3ae: {  	[sflag:s0] =	ssyncset.done $0x0  }
0x3af: {  	[sflag:s0] =	ssyncadd.s32 $0xFFFFC000  }
.LBB2_8:
0x3b0: {  	s22 =	simm.s32 $0x20  }
0x3b1: {  	s24 =	simm.s32 $0x420;
	v0 =	vld [tilespmem:s22+$0x10]  }
0x3b2: {  	v54 =	vld [tilespmem:s24+$0x10]  }
0x3b3: {  	v62 =	vld [tilespmem:s24+$0xFFFFFFE0]  }
0x3b4: {  	v57 =	vld [tilespmem:s22+$0xFFFFFFF0]  }
0x3b5: {  	v25 =	vld [tilespmem:s24+$0xFFFFFFF0]  }
0x3b6: {  	s25 =	simm.s32 $0x1020;
	v13 =	vld [tilespmem:s22+$0x0]  }
0x3b7: {  	s26 =	simm.s32 $0x1420;
	v18 =	vld [tilespmem:s25+$0x10]  }
0x3b8: {  	s28 =	simm.s32 $0x820;
	v21 =	vld [tilespmem:s26+$0x10]  }
0x3b9: {  	v19 =	vld [tilespmem:s28+$0x10]  }
0x3ba: {  	v26 =	vld [tilespmem:s24+$0x0]  }
0x3bb: {  	v1 =	vld.idx.msk [tilespmem:v0+s31+$0x0], $0xffff  }
0x3bc: {  	v2 =	vld.idx.msk [tilespmem:v54+s31+$0x0], $0xffff  }
0x3bd: {  	s19 =	simm.s32 $0xC20;
	v27 =	vld [tilespmem:s22+$0xFFFFFFE0]  }
0x3be: {  	v15 =	vld [tilespmem:s19+$0x10]  }
0x3bf: {  	v63 =	vld [tilespmem:s25+$0xFFFFFFE0]  }
0x3c0: {  	v60 =	vld [tilespmem:s26+$0xFFFFFFE0]  }
0x3c1: {  	v32 =	vld [tilespmem:s25+$0xFFFFFFF0];
	v5 =	vmul.f32 v1, v18;
	v6 =	vmul.f32 v2, v21  }
0x3c2: {  	v37 =	vld [tilespmem:s26+$0xFFFFFFF0];
	v2 =	vmul.f32 v2, v18;
	v1 =	vmul.f32 v1, v21  }
0x3c3: {  	v35 =	vld [tilespmem:s25+$0x0];
	v5 =	vsub.f32 v5, v6  }
0x3c4: {  	v39 =	vld [tilespmem:s26+$0x0];
	v1 =	vadd.f32 v2, v1  }
0x3c5: {  	v31 =	vld [tilespmem:s28+$0xFFFFFFE0];
	[tilespmem:v19+s1+$0x0] =	vst.idx.msk $0xffff, v5  }
0x3c6: {  	v49 =	vld [tilespmem:s19+$0xFFFFFFE0];
	[tilespmem:v15+s1+$0x0] =	vst.idx.msk $0xffff, v1  }
0x3c7: {  	v1 =	vld.idx.msk [tilespmem:v0+s3+$0x0], $0xffff  }
0x3c8: {  	v5 =	vld.idx.msk [tilespmem:v54+s3+$0x0], $0xffff  }
0x3c9: {  	v61 =	vld [tilespmem:s28+$0xFFFFFFF0]  }
0x3ca: {  	v58 =	vld [tilespmem:s19+$0xFFFFFFF0]  }
0x3cb: {  	v3 =	vld.idx.msk [tilespmem:v62+s31+$0x0], $0xffff  }
0x3cc: {  	v2 =	vld.idx.msk [tilespmem:v27+s31+$0x0], $0xffff  }
0x3cd: {  	v4 =	vld.idx.msk [tilespmem:v57+s31+$0x0], $0xffff;
	v9 =	vmul.f32 v1, v18;
	v10 =	vmul.f32 v5, v21  }
0x3ce: {  	v7 =	vld.idx.msk [tilespmem:v25+s31+$0x0], $0xffff;
	v5 =	vmul.f32 v5, v18;
	v1 =	vmul.f32 v1, v21  }
0x3cf: {  	v55 =	vld [tilespmem:s28+$0x0];
	v9 =	vsub.f32 v9, v10  }
0x3d0: {  	v8 =	vld.idx.msk [tilespmem:v13+s31+$0x0], $0xffff;
	v1 =	vadd.f32 v5, v1  }
0x3d1: {  	v6 =	vld.idx.msk [tilespmem:v26+s31+$0x0], $0xffff;
	v5 =	vmul.f32 v2, v63;
	v10 =	vmul.f32 v3, v60;
	[tilespmem:v19+s4+$0x0] =	vst.idx.msk $0xffff, v9  }
0x3d2: {  	v14 =	vld [tilespmem:s19+$0x0];
	v3 =	vmul.f32 v3, v63;
	v2 =	vmul.f32 v2, v60;
	[tilespmem:v15+s4+$0x0] =	vst.idx.msk $0xffff, v1  }
0x3d3: {  	v9 =	vmul.f32 v7, v37;
	v1 =	vsub.f32 v5, v10;
	v5 =	vmul.f32 v4, v32;
	v10 =	vld.idx.msk [tilespmem:v0+s7+$0x0], $0xffff  }
0x3d4: {  	v2 =	vadd.f32 v3, v2;
	v3 =	vmul.f32 v7, v32;
	v4 =	vmul.f32 v4, v37;
	v7 =	vld.idx.msk [tilespmem:v54+s7+$0x0], $0xffff  }
0x3d5: {  	v11 =	vmul.f32 v8, v35;
	v5 =	vsub.f32 v5, v9;
	[tilespmem:v31+s1+$0x0] =	vst.idx.msk $0xffff, v1  }
0x3d6: {  	v1 =	vmul.f32 v6, v39;
	v3 =	vadd.f32 v3, v4;
	[tilespmem:v49+s1+$0x0] =	vst.idx.msk $0xffff, v2  }
0x3d7: {  	v4 =	vmul.f32 v8, v39;
	v2 =	vmul.f32 v6, v35;
	v6 =	vld.idx.msk [tilespmem:v27+s3+$0x0], $0xffff;
	[tilespmem:v61+s1+$0x0] =	vst.idx.msk $0xffff, v5  }
0x3d8: {  	v1 =	vsub.f32 v11, v1;
	v5 =	vld.idx.msk [tilespmem:v62+s3+$0x0], $0xffff;
	[tilespmem:v58+s1+$0x0] =	vst.idx.msk $0xffff, v3  }
0x3d9: {  	v2 =	vadd.f32 v2, v4;
	v3 =	vld.idx.msk [tilespmem:v57+s3+$0x0], $0xffff;
	v4 =	vmul.f32 v10, v18;
	v8 =	vmul.f32 v7, v21  }
0x3da: {  	[tilespmem:v55+s1+$0x0] =	vst.idx.msk $0xffff, v1;
	v1 =	vld.idx.msk [tilespmem:v25+s3+$0x0], $0xffff;
	v7 =	vmul.f32 v7, v18;
	v9 =	vmul.f32 v10, v21  }
0x3db: {  	[tilespmem:v14+s1+$0x0] =	vst.idx.msk $0xffff, v2;
	v2 =	vsub.f32 v4, v8  }
0x3dc: {  	v4 =	vld.idx.msk [tilespmem:v13+s3+$0x0], $0xffff;
	v7 =	vadd.f32 v7, v9  }
0x3dd: {  	v8 =	vld.idx.msk [tilespmem:v26+s3+$0x0], $0xffff;
	v9 =	vmul.f32 v6, v63;
	v10 =	vmul.f32 v5, v60;
	[tilespmem:v19+s8+$0x0] =	vst.idx.msk $0xffff, v2  }
0x3de: {  	v5 =	vmul.f32 v5, v63;
	v2 =	vmul.f32 v6, v60;
	[tilespmem:v15+s8+$0x0] =	vst.idx.msk $0xffff, v7  }
0x3df: {  	v6 =	vmul.f32 v3, v32;
	v7 =	vmul.f32 v1, v37;
	v9 =	vsub.f32 v9, v10  }
0x3e0: {  	v3 =	vmul.f32 v3, v37;
	v1 =	vmul.f32 v1, v32;
	v10 =	vld.idx.msk [tilespmem:v0+s10+$0x0], $0xffff  }
0x3e1: {  	v2 =	vadd.f32 v5, v2;
	v5 =	vld.idx.msk [tilespmem:v54+s10+$0x0], $0xffff;
	v11 =	vmul.f32 v4, v35;
	[tilespmem:v31+s4+$0x0] =	vst.idx.msk $0xffff, v9  }
0x3e2: {  	v6 =	vsub.f32 v6, v7;
	v7 =	vmul.f32 v8, v39;
	v1 =	vadd.f32 v1, v3  }
0x3e3: {  	v3 =	vmul.f32 v8, v35;
	[tilespmem:v49+s4+$0x0] =	vst.idx.msk $0xffff, v2;
	v2 =	vmul.f32 v4, v39  }
0x3e4: {  	v4 =	vld.idx.msk [tilespmem:v27+s7+$0x0], $0xffff;
	[tilespmem:v61+s4+$0x0] =	vst.idx.msk $0xffff, v6;
	v6 =	vsub.f32 v11, v7  }
0x3e5: {  	v7 =	vld.idx.msk [tilespmem:v62+s7+$0x0], $0xffff;
	[tilespmem:v58+s4+$0x0] =	vst.idx.msk $0xffff, v1;
	v1 =	vadd.f32 v3, v2  }
0x3e6: {  	v2 =	vld.idx.msk [tilespmem:v57+s7+$0x0], $0xffff;
	v3 =	vmul.f32 v10, v18;
	v8 =	vmul.f32 v5, v21;
	[tilespmem:v55+s4+$0x0] =	vst.idx.msk $0xffff, v6  }
0x3e7: {  	v6 =	vld.idx.msk [tilespmem:v25+s7+$0x0], $0xffff;
	v5 =	vmul.f32 v5, v18;
	v9 =	vmul.f32 v10, v21;
	[tilespmem:v14+s4+$0x0] =	vst.idx.msk $0xffff, v1  }
0x3e8: {  	v1 =	vsub.f32 v3, v8;
	v3 =	vld.idx.msk [tilespmem:v13+s7+$0x0], $0xffff  }
0x3e9: {  	v5 =	vadd.f32 v5, v9;
	v9 =	vld.idx.msk [tilespmem:v26+s7+$0x0], $0xffff;
	v8 =	vmul.f32 v4, v63  }
0x3ea: {  	v4 =	vmul.f32 v4, v60;
	v10 =	vmul.f32 v7, v60;
	[tilespmem:v19+s12+$0x0] =	vst.idx.msk $0xffff, v1  }
0x3eb: {  	v1 =	vmul.f32 v7, v63;
	v7 =	vmul.f32 v2, v32;
	[tilespmem:v15+s12+$0x0] =	vst.idx.msk $0xffff, v5  }
0x3ec: {  	v2 =	vmul.f32 v2, v37;
	v5 =	vmul.f32 v6, v37;
	v8 =	vsub.f32 v8, v10  }
0x3ed: {  	v6 =	vmul.f32 v6, v32;
	v11 =	vld.idx.msk [tilespmem:v0+s9+$0x0], $0xffff;
	v1 =	vadd.f32 v1, v4;
	v10 =	vmul.f32 v3, v35  }
0x3ee: {  	v4 =	vld.idx.msk [tilespmem:v54+s9+$0x0], $0xffff;
	v5 =	vsub.f32 v7, v5;
	v7 =	vmul.f32 v9, v39;
	[tilespmem:v31+s8+$0x0] =	vst.idx.msk $0xffff, v8  }
0x3ef: {  	v3 =	vmul.f32 v3, v39;
	v2 =	vadd.f32 v6, v2;
	[tilespmem:v49+s8+$0x0] =	vst.idx.msk $0xffff, v1  }
0x3f0: {  	v9 =	vmul.f32 v9, v35;
	v1 =	vsub.f32 v10, v7;
	[tilespmem:v61+s8+$0x0] =	vst.idx.msk $0xffff, v5  }
0x3f1: {  	v6 =	vld.idx.msk [tilespmem:v27+s10+$0x0], $0xffff;
	[tilespmem:v58+s8+$0x0] =	vst.idx.msk $0xffff, v2  }
0x3f2: {  	v3 =	vadd.f32 v9, v3;
	v5 =	vld.idx.msk [tilespmem:v62+s10+$0x0], $0xffff;
	[tilespmem:v55+s8+$0x0] =	vst.idx.msk $0xffff, v1  }
0x3f3: {  	v2 =	vmul.f32 v11, v18;
	v7 =	vmul.f32 v4, v21;
	v8 =	vld.idx.msk [tilespmem:v57+s10+$0x0], $0xffff;
	[tilespmem:$0x1F8A0] =	vst v25  }
0x3f4: {  	v1 =	vmul.f32 v4, v18;
	v4 =	vmul.f32 v11, v21;
	[tilespmem:v14+s8+$0x0] =	vst.idx.msk $0xffff, v3  }
0x3f5: {  	v9 =	vld.idx.msk [tilespmem:v25+s10+$0x0], $0xffff;
	v2 =	vsub.f32 v2, v7;
	[tilespmem:$0x1FA30] =	vst v14  }
0x3f6: {  	v1 =	vadd.f32 v1, v4;
	v3 =	vld.idx.msk [tilespmem:v13+s10+$0x0], $0xffff  }
0x3f7: {  	v7 =	vmul.f32 v6, v63;
	v6 =	vmul.f32 v6, v60;
	v4 =	vld.idx.msk [tilespmem:v26+s10+$0x0], $0xffff;
	[tilespmem:v19+s13+$0x0] =	vst.idx.msk $0xffff, v2  }
0x3f8: {  	v2 =	vmul.f32 v5, v60;
	v5 =	vmul.f32 v5, v63;
	[tilespmem:v15+s13+$0x0] =	vst.idx.msk $0xffff, v1  }
0x3f9: {  	v1 =	vmul.f32 v8, v32;
	v8 =	vmul.f32 v8, v37;
	v10 =	vld.idx.msk [tilespmem:v0+s6+$0x0], $0xffff  }
0x3fa: {  	v12 =	vld.idx.msk [tilespmem:v54+s6+$0x0], $0xffff;
	v2 =	vsub.f32 v7, v2;
	v11 =	vmul.f32 v9, v37;
	v9 =	vmul.f32 v9, v32  }
0x3fb: {  	v5 =	vadd.f32 v5, v6;
	v7 =	vmul.f32 v3, v35;
	v3 =	vmul.f32 v3, v39  }
0x3fc: {  	[tilespmem:v31+s12+$0x0] =	vst.idx.msk $0xffff, v2;
	v6 =	vmul.f32 v4, v39;
	v4 =	vmul.f32 v4, v35  }
0x3fd: {  	v1 =	vsub.f32 v1, v11;
	[tilespmem:$0x1F950] =	vst v31;
	v2 =	vadd.f32 v9, v8  }
0x3fe: {  	[tilespmem:v49+s12+$0x0] =	vst.idx.msk $0xffff, v5;
	v5 =	vsub.f32 v7, v6;
	v3 =	vadd.f32 v4, v3  }
0x3ff: {  	[tilespmem:v61+s12+$0x0] =	vst.idx.msk $0xffff, v1;
	v1 =	vmul.f32 v10, v18;
	v4 =	vmul.f32 v12, v21  }
0x400: {  	[tilespmem:v58+s12+$0x0] =	vst.idx.msk $0xffff, v2  }
0x401: {  	v6 =	vld.idx.msk [tilespmem:v27+s9+$0x0], $0xffff;
	[tilespmem:v55+s12+$0x0] =	vst.idx.msk $0xffff, v5;
	v1 =	vsub.f32 v1, v4  }
0x402: {  	v7 =	vmul.f32 v10, v21;
	v8 =	vld.idx.msk [tilespmem:v62+s9+$0x0], $0xffff;
	v2 =	vmul.f32 v12, v18;
	[tilespmem:v14+s12+$0x0] =	vst.idx.msk $0xffff, v3  }
0x403: {  	v4 =	vld.idx.msk [tilespmem:v57+s9+$0x0], $0xffff;
	[tilespmem:v19+s23+$0x0] =	vst.idx.msk $0xffff, v1  }
0x404: {  	v2 =	vadd.f32 v2, v7;
	v3 =	vld.idx.msk [tilespmem:v25+s9+$0x0], $0xffff;
	[tilespmem:$0x1F840] =	vst v19  }
0x405: {  	v1 =	vld.idx.msk [tilespmem:v13+s9+$0x0], $0xffff;
	[tilespmem:$0x1FAE0] =	vst v13  }
0x406: {  	[tilespmem:v15+s23+$0x0] =	vst.idx.msk $0xffff, v2  }
0x407: {  	[tilespmem:$0x1F850] =	vst v15  }
0x408: {  	v2 =	vld.idx.msk [tilespmem:v0+s5+$0x0], $0xffff  }
0x409: {  	s20 =	simm.s32 $0x60;
	v5 =	vld.idx.msk [tilespmem:v54+s5+$0x0], $0xffff  }
0x40a: {  	s25 =	simm.s32 $0x460;
	v56 =	vld [tilespmem:s20+$0x10]  }
0x40b: {  	v20 =	vld [tilespmem:s25+$0x10]  }
0x40c: {  	v50 =	vld [tilespmem:s25+$0xFFFFFFE0]  }
0x40d: {  	v48 =	vld [tilespmem:s20+$0xFFFFFFF0]  }
0x40e: {  	v45 =	vld [tilespmem:s25+$0xFFFFFFF0]  }
0x40f: {  	s26 =	simm.s32 $0x1060;
	v44 =	vld [tilespmem:s20+$0x0]  }
0x410: {  	s0 =	simm.s32 $0x1460;
	v51 =	vld [tilespmem:s26+$0x10]  }
0x411: {  	s28 =	simm.s32 $0x860;
	v52 =	vld [tilespmem:s0+$0x10]  }
0x412: {  	v29 =	vld [tilespmem:s28+$0x10]  }
0x413: {  	v34 =	vld [tilespmem:s25+$0x0]  }
0x414: {  	v7 =	vld.idx.msk [tilespmem:v56+s31+$0x0], $0xffff  }
0x415: {  	v9 =	vld.idx.msk [tilespmem:v20+s31+$0x0], $0xffff  }
0x416: {  	s16 =	simm.s32 $0xC60;
	v53 =	vld [tilespmem:s20+$0xFFFFFFE0]  }
0x417: {  	v22 =	vld [tilespmem:s16+$0x10]  }
0x418: {  	v47 =	vld [tilespmem:s26+$0xFFFFFFE0]  }
0x419: {  	v46 =	vld [tilespmem:s0+$0xFFFFFFE0]  }
0x41a: {  	v10 =	vld.idx.msk [tilespmem:v50+s31+$0x0], $0xffff;
	v12 =	vmul.f32 v7, v51;
	v13 =	vmul.f32 v9, v52  }
0x41b: {  	v11 =	vld.idx.msk [tilespmem:v48+s31+$0x0], $0xffff;
	v9 =	vmul.f32 v9, v51;
	v7 =	vmul.f32 v7, v52  }
0x41c: {  	v14 =	vld.idx.msk [tilespmem:v45+s31+$0x0], $0xffff;
	v12 =	vsub.f32 v12, v13  }
0x41d: {  	v30 =	vmov v15;
	v15 =	vld.idx.msk [tilespmem:v44+s31+$0x0], $0xffff;
	v7 =	vadd.f32 v9, v7  }
0x41e: {  	v13 =	vld.idx.msk [tilespmem:v34+s31+$0x0], $0xffff;
	[tilespmem:v29+s1+$0x0] =	vst.idx.msk $0xffff, v12  }
0x41f: {  	v16 =	vmul.f32 v8, v60;
	v9 =	vld.idx.msk [tilespmem:v53+s31+$0x0], $0xffff;
	[tilespmem:v22+s1+$0x0] =	vst.idx.msk $0xffff, v7;
	v7 =	vmul.f32 v6, v63  }
0x420: {  	v8 =	vmul.f32 v8, v63;
	v6 =	vmul.f32 v6, v60;
	v12 =	vld.idx.msk [tilespmem:v56+s3+$0x0], $0xffff  }
0x421: {  	v17 =	vld.idx.msk [tilespmem:v20+s3+$0x0], $0xffff;
	[tilespmem:$0x1F930] =	vst v32;
	v7 =	vsub.f32 v7, v16  }
0x422: {  	v42 =	vld [tilespmem:s26+$0xFFFFFFF0];
	[tilespmem:$0x1F940] =	vst v37;
	v6 =	vadd.f32 v8, v6  }
0x423: {  	v23 =	vmul.f32 v4, v32;
	v4 =	vmul.f32 v4, v37;
	v40 =	vld [tilespmem:s0+$0xFFFFFFF0];
	[tilespmem:v31+s13+$0x0] =	vst.idx.msk $0xffff, v7  }
0x424: {  	v25 =	vmul.f32 v10, v46;
	v16 =	vmul.f32 v3, v37;
	v43 =	vld [tilespmem:s26+$0x0];
	[tilespmem:v49+s13+$0x0] =	vst.idx.msk $0xffff, v6  }
0x425: {  	v8 =	vmul.f32 v2, v18;
	v59 =	vld [tilespmem:s28+$0xFFFFFFE0];
	v7 =	vmul.f32 v5, v21;
	[tilespmem:$0x1F960] =	vst v49  }
0x426: {  	v6 =	vmul.f32 v12, v51;
	v24 =	vmul.f32 v17, v52;
	v41 =	vld [tilespmem:s16+$0xFFFFFFE0]  }
0x427: {  	v7 =	vsub.f32 v8, v7;
	v8 =	vmul.f32 v17, v51;
	v12 =	vmul.f32 v12, v52;
	v31 =	vld [tilespmem:s0+$0x0]  }
0x428: {  	v2 =	vmul.f32 v2, v21;
	v17 =	vmul.f32 v9, v47;
	v37 =	vld [tilespmem:s28+$0xFFFFFFF0];
	v6 =	vsub.f32 v6, v24  }
0x429: {  	v9 =	vmul.f32 v9, v46;
	v33 =	vld [tilespmem:s16+$0xFFFFFFF0];
	[tilespmem:v19+s2+$0x0] =	vst.idx.msk $0xffff, v7;
	v8 =	vadd.f32 v8, v12  }
0x42a: {  	v38 =	vld [tilespmem:s28+$0x0];
	v7 =	vmul.f32 v10, v47;
	v10 =	vsub.f32 v17, v25;
	[tilespmem:v29+s4+$0x0] =	vst.idx.msk $0xffff, v6  }
0x42b: {  	v12 =	vmul.f32 v14, v40;
	v6 =	vmul.f32 v11, v42;
	[tilespmem:v22+s4+$0x0] =	vst.idx.msk $0xffff, v8;
	v36 =	vld [tilespmem:s16+$0x0]  }
0x42c: {  	v5 =	vmul.f32 v5, v18;
	v7 =	vadd.f32 v7, v9;
	v8 =	vmul.f32 v14, v42;
	v9 =	vld.idx.msk [tilespmem:v56+s7+$0x0], $0xffff  }
0x42d: {  	v11 =	vmul.f32 v11, v40;
	[tilespmem:v59+s1+$0x0] =	vst.idx.msk $0xffff, v10;
	v10 =	vld.idx.msk [tilespmem:v20+s7+$0x0], $0xffff;
	v6 =	vsub.f32 v6, v12  }
0x42e: {  	v12 =	vmul.f32 v15, v43;
	[tilespmem:v41+s1+$0x0] =	vst.idx.msk $0xffff, v7;
	v7 =	vmul.f32 v13, v31  }
0x42f: {  	v14 =	vmul.f32 v15, v31;
	v13 =	vmul.f32 v13, v43  }
0x430: {  	v2 =	vadd.f32 v5, v2;
	v7 =	vsub.f32 v12, v7  }
0x431: {  	v8 =	vadd.f32 v8, v11;
	[tilespmem:v37+s1+$0x0] =	vst.idx.msk $0xffff, v6;
	v5 =	vadd.f32 v13, v14  }
0x432: {  	v11 =	vld.idx.msk [tilespmem:v53+s3+$0x0], $0xffff;
	v13 =	vmul.f32 v10, v52;
	[tilespmem:v38+s1+$0x0] =	vst.idx.msk $0xffff, v7;
	v7 =	vmul.f32 v9, v51  }
0x433: {  	v6 =	vld.idx.msk [tilespmem:v50+s3+$0x0], $0xffff;
	[tilespmem:v33+s1+$0x0] =	vst.idx.msk $0xffff, v8  }
0x434: {  	[tilespmem:v30+s2+$0x0] =	vst.idx.msk $0xffff, v2;
	v8 =	vld.idx.msk [tilespmem:v48+s3+$0x0], $0xffff;
	v7 =	vsub.f32 v7, v13  }
0x435: {  	v14 =	vld.idx.msk [tilespmem:v45+s3+$0x0], $0xffff;
	[tilespmem:v36+s1+$0x0] =	vst.idx.msk $0xffff, v5  }
0x436: {  	v2 =	vld.idx.msk [tilespmem:v44+s3+$0x0], $0xffff;
	[tilespmem:v29+s8+$0x0] =	vst.idx.msk $0xffff, v7  }
0x437: {  	v5 =	vmul.f32 v10, v51;
	v10 =	vld.idx.msk [tilespmem:v34+s3+$0x0], $0xffff;
	[tilespmem:$0x1FB20] =	vst v26  }
0x438: {  	v0 =	vld.idx.msk [tilespmem:v0+s11+$0x0], $0xffff  }
0x439: {  	v9 =	vmul.f32 v9, v52;
	_ =	sdelay $0x1  }
0x43a: {  	v17 =	vmovc v41;
	v13 =	vmul.f32 v11, v47;
	v5 =	vadd.f32 v5, v9;
	v9 =	vmul.f32 v6, v46  }
0x43b: {  	v15 =	vsub.f32 v23, v16;
	v11 =	vmul.f32 v11, v46;
	v6 =	vmul.f32 v6, v47  }
0x43c: {  	v9 =	vsub.f32 v13, v9;
	v13 =	vmul.f32 v8, v42;
	v7 =	vld.idx.msk [tilespmem:v26+s9+$0x0], $0xffff;
	[tilespmem:$0x1F830] =	vst v0  }
0x43d: {  	v6 =	vadd.f32 v6, v11;
	[tilespmem:v22+s8+$0x0] =	vst.idx.msk $0xffff, v5;
	v5 =	vmul.f32 v14, v40  }
0x43e: {  	v19 =	vmov v31;
	v8 =	vmul.f32 v8, v40;
	v14 =	vmul.f32 v14, v42;
	[tilespmem:v59+s4+$0x0] =	vst.idx.msk $0xffff, v9  }
0x43f: {  	v11 =	vmul.f32 v2, v43;
	v9 =	vld.idx.msk [tilespmem:v56+s10+$0x0], $0xffff;
	[tilespmem:v17+s4+$0x0] =	vst.idx.msk $0xffff, v6;
	v5 =	vsub.f32 v13, v5  }
0x440: {  	v13 =	vmul.f32 v10, v19;
	v8 =	vadd.f32 v14, v8;
	v14 =	vld.idx.msk [tilespmem:v20+s10+$0x0], $0xffff;
	[tilespmem:$0x1F870] =	vst v27  }
0x441: {  	v2 =	vmul.f32 v2, v19;
	v10 =	vmul.f32 v10, v43;
	v6 =	vld.idx.msk [tilespmem:v27+s6+$0x0], $0xffff;
	[tilespmem:v61+s13+$0x0] =	vst.idx.msk $0xffff, v15  }
0x442: {  	v11 =	vsub.f32 v11, v13;
	[tilespmem:v37+s4+$0x0] =	vst.idx.msk $0xffff, v5;
	v5 =	vld.idx.msk [tilespmem:v53+s7+$0x0], $0xffff  }
0x443: {  	v3 =	vmul.f32 v3, v32;
	v2 =	vadd.f32 v10, v2;
	v10 =	vld.idx.msk [tilespmem:v50+s7+$0x0], $0xffff;
	[tilespmem:v33+s4+$0x0] =	vst.idx.msk $0xffff, v8  }
0x444: {  	v12 =	vmul.f32 v1, v35;
	v13 =	vmul.f32 v7, v39;
	v8 =	vld.idx.msk [tilespmem:v48+s7+$0x0], $0xffff;
	[tilespmem:v38+s4+$0x0] =	vst.idx.msk $0xffff, v11  }
0x445: {  	v3 =	vadd.f32 v3, v4;
	v11 =	vld.idx.msk [tilespmem:v45+s7+$0x0], $0xffff;
	[tilespmem:v36+s4+$0x0] =	vst.idx.msk $0xffff, v2  }
0x446: {  	v1 =	vmul.f32 v1, v39;
	v4 =	vsub.f32 v12, v13;
	v13 =	vld.idx.msk [tilespmem:v44+s7+$0x0], $0xffff;
	[tilespmem:$0x1F990] =	vst v58  }
0x447: {  	s29 =	simm.s32 $0xA0;
	v2 =	vmul.f32 v9, v51;
	v12 =	vmul.f32 v14, v52;
	[tilespmem:v58+s13+$0x0] =	vst.idx.msk $0xffff, v3  }
0x448: {  	s28 =	simm.s32 $0x4A0;
	v7 =	vmul.f32 v7, v35;
	v14 =	vmul.f32 v14, v51;
	v30 =	vld [tilespmem:s29+$0x10];
	[tilespmem:$0x1FA10] =	vst v55  }
0x449: {  	v9 =	vmul.f32 v9, v52;
	v12 =	vsub.f32 v2, v12;
	[tilespmem:v55+s13+$0x0] =	vst.idx.msk $0xffff, v4;
	v32 =	vld [tilespmem:s28+$0x10]  }
0x44a: {  	v1 =	vadd.f32 v7, v1;
	v7 =	vld.idx.msk [tilespmem:v34+s7+$0x0], $0xffff;
	[tilespmem:$0x1FB50] =	vst v34  }
0x44b: {  	v4 =	vadd.f32 v14, v9;
	[tilespmem:v29+s12+$0x0] =	vst.idx.msk $0xffff, v12  }
0x44c: {  	[tilespmem:$0x1F880] =	vst v62  }
0x44d: {  	[tilespmem:v22+s12+$0x0] =	vst.idx.msk $0xffff, v4  }
0x44e: {  	v3 =	vld [tilespmem:$0x1FA30];
	_ =	sdelay $0x4  }
0x44f: {  	v41 =	vmov v20;
	v9 =	vmul.f32 v5, v47;
	v14 =	vmul.f32 v10, v46  }
0x450: {  	v31 =	vmov v59  }
0x451: {  	s17 =	simm.s32 $0x10A0;
	v5 =	vmul.f32 v5, v46;
	v9 =	vsub.f32 v9, v14;
	v14 =	vmul.f32 v11, v40;
	v12 =	vld.idx.msk [tilespmem:v62+s6+$0x0], $0xffff  }
0x452: {  	s18 =	simm.s32 $0x14A0;
	v59 =	vmov v55;
	v11 =	vmul.f32 v11, v42;
	v55 =	vld [tilespmem:s17+$0x10];
	[tilespmem:v3+s13+$0x0] =	vst.idx.msk $0xffff, v1;
	v1 =	vmul.f32 v10, v47  }
0x453: {  	v25 =	vmov v58;
	v4 =	vmul.f32 v8, v42;
	v8 =	vmul.f32 v8, v40;
	v58 =	vld [tilespmem:s18+$0x10]  }
0x454: {  	v20 =	vmov v50;
	v15 =	vld.idx.msk [tilespmem:v41+s9+$0x0], $0xffff;
	v1 =	vadd.f32 v1, v5  }
0x455: {  	v50 =	vmov v48;
	v48 =	vmov v38;
	[tilespmem:v31+s8+$0x0] =	vst.idx.msk $0xffff, v9;
	v8 =	vadd.f32 v11, v8;
	v11 =	vld.idx.msk [tilespmem:v30+s31+$0x0], $0xffff  }
0x456: {  	v9 =	vmul.f32 v13, v19;
	v4 =	vsub.f32 v4, v14;
	v10 =	vld.idx.msk [tilespmem:v56+s9+$0x0], $0xffff;
	[tilespmem:v17+s8+$0x0] =	vst.idx.msk $0xffff, v1  }
0x457: {  	v14 =	vmul.f32 v7, v19;
	v5 =	vmul.f32 v13, v43;
	v13 =	vld.idx.msk [tilespmem:v32+s31+$0x0], $0xffff;
	[tilespmem:$0x1FA00] =	vst v37  }
0x458: {  	s19 =	simm.s32 $0x8A0;
	[tilespmem:v37+s8+$0x0] =	vst.idx.msk $0xffff, v4  }
0x459: {  	v28 =	vmov v27;
	v27 =	vmov v61;
	v5 =	vsub.f32 v5, v14;
	v61 =	vld [tilespmem:s19+$0x10];
	[tilespmem:$0x1F8B0] =	vst v33  }
0x45a: {  	s20 =	simm.s32 $0xCA0;
	v7 =	vmul.f32 v7, v43;
	[tilespmem:v33+s8+$0x0] =	vst.idx.msk $0xffff, v8  }
0x45b: {  	v38 =	vmov v44;
	v44 =	vld [tilespmem:s20+$0x10];
	[tilespmem:v48+s8+$0x0] =	vst.idx.msk $0xffff, v5  }
0x45c: {  	v7 =	vadd.f32 v7, v9;
	v8 =	vld.idx.msk [tilespmem:v54+s11+$0x0], $0xffff;
	[tilespmem:$0x1F8C0] =	vst v48  }
0x45d: {  	[tilespmem:$0x1F890] =	vst v57  }
0x45e: {  	[tilespmem:v36+s8+$0x0] =	vst.idx.msk $0xffff, v7  }
0x45f: {  	v0 =	vld [tilespmem:$0x1F950];
	_ =	sdelay $0x3  }
0x460: {  	v9 =	vmul.f32 v12, v60;
	v1 =	vmul.f32 v6, v63  }
0x461: {  	v4 =	vmul.f32 v6, v60;
	v6 =	vmul.f32 v12, v63  }
0x462: {  	v1 =	vsub.f32 v1, v9;
	v5 =	vld.idx.msk [tilespmem:v57+s6+$0x0], $0xffff;
	[tilespmem:$0x1F8D0] =	vst v36  }
0x463: {  	v4 =	vadd.f32 v6, v4;
	v6 =	vld.idx.msk [tilespmem:v53+s10+$0x0], $0xffff;
	[tilespmem:$0x1FA40] =	vst v53  }
0x464: {  	[tilespmem:v0+s23+$0x0] =	vst.idx.msk $0xffff, v1  }
0x465: {  	v7 =	vmul.f32 v13, v58;
	v1 =	vmul.f32 v11, v55;
	[tilespmem:$0x1FA60] =	vst v20  }
0x466: {  	v9 =	vld.idx.msk [tilespmem:v20+s10+$0x0], $0xffff;
	[tilespmem:v49+s23+$0x0] =	vst.idx.msk $0xffff, v4  }
0x467: {  	v12 =	vld.idx.msk [tilespmem:v50+s10+$0x0], $0xffff;
	v1 =	vsub.f32 v1, v7;
	[tilespmem:$0x1FAA0] =	vst v50  }
0x468: {  	v14 =	vld.idx.msk [tilespmem:v45+s10+$0x0], $0xffff;
	[tilespmem:$0x1FAD0] =	vst v45  }
0x469: {  	[tilespmem:v61+s1+$0x0] =	vst.idx.msk $0xffff, v1  }
0x46a: {  	v11 =	vmul.f32 v11, v58;
	v0 =	vmov v50;
	v4 =	vmul.f32 v13, v55;
	v50 =	vld [tilespmem:$0x1F8A0]  }
0x46b: {  	v7 =	vmul.f32 v10, v51;
	v13 =	vmul.f32 v15, v52;
	v2 =	vld [tilespmem:$0x1FAE0]  }
0x46c: {  	v10 =	vmul.f32 v10, v52;
	v4 =	vadd.f32 v4, v11;
	v11 =	vmul.f32 v15, v51  }
0x46d: {  	v7 =	vsub.f32 v7, v13  }
0x46e: {  	v23 =	vmov v31;
	v31 =	vmov v17;
	v17 =	vld.idx.msk [tilespmem:v38+s10+$0x0], $0xffff;
	v10 =	vadd.f32 v11, v10;
	[tilespmem:v44+s1+$0x0] =	vst.idx.msk $0xffff, v4  }
0x46f: {  	[tilespmem:v29+s13+$0x0] =	vst.idx.msk $0xffff, v7;
	v13 =	vld.idx.msk [tilespmem:v30+s3+$0x0], $0xffff  }
0x470: {  	[tilespmem:v22+s13+$0x0] =	vst.idx.msk $0xffff, v10;
	v10 =	vld.idx.msk [tilespmem:v32+s3+$0x0], $0xffff  }
0x471: {  	v4 =	vmul.f32 v6, v47;
	v7 =	vmul.f32 v9, v46;
	v24 =	vld [tilespmem:$0x1F940]  }
0x472: {  	v1 =	vld.idx.msk [tilespmem:v50+s6+$0x0], $0xffff  }
0x473: {  	v6 =	vmul.f32 v6, v46;
	v9 =	vmul.f32 v9, v47;
	v4 =	vsub.f32 v4, v7;
	v11 =	vld.idx.msk [tilespmem:v2+s6+$0x0], $0xffff  }
0x474: {  	v15 =	vmul.f32 v12, v42;
	v16 =	vmul.f32 v14, v40;
	v2 =	vmovc v29;
	v29 =	vmov v22;
	v22 =	vld [tilespmem:$0x1F930]  }
0x475: {  	v7 =	vld.idx.msk [tilespmem:v26+s6+$0x0], $0xffff;
	[tilespmem:v23+s12+$0x0] =	vst.idx.msk $0xffff, v4  }
0x476: {  	v6 =	vadd.f32 v9, v6;
	v15 =	vsub.f32 v15, v16;
	v16 =	vld.idx.msk [tilespmem:v56+s6+$0x0], $0xffff;
	[tilespmem:$0x1F8E0] =	vst v23  }
0x477: {  	v54 =	vmov v36;
	v12 =	vmul.f32 v12, v40;
	v14 =	vmul.f32 v14, v42;
	[tilespmem:$0x1F860] =	vst v41  }
0x478: {  	v36 =	vmov v23;
	v23 =	vmul.f32 v13, v55;
	[tilespmem:v31+s12+$0x0] =	vst.idx.msk $0xffff, v6;
	v6 =	vmul.f32 v10, v55  }
0x479: {  	v9 =	vmul.f32 v1, v24;
	v4 =	vmul.f32 v5, v22  }
0x47a: {  	v12 =	vadd.f32 v14, v12;
	v14 =	vld.idx.msk [tilespmem:v34+s10+$0x0], $0xffff;
	v5 =	vmul.f32 v5, v24;
	v24 =	vmul.f32 v10, v58  }
0x47b: {  	v1 =	vmul.f32 v1, v22;
	v22 =	vld.idx.msk [tilespmem:v41+s6+$0x0], $0xffff;
	[tilespmem:$0x1F8F0] =	vst v31;
	v10 =	vmul.f32 v13, v58  }
0x47c: {  	[tilespmem:v37+s12+$0x0] =	vst.idx.msk $0xffff, v15;
	v4 =	vsub.f32 v4, v9;
	v9 =	vsub.f32 v23, v24  }
0x47d: {  	v13 =	vld.idx.msk [tilespmem:v28+s5+$0x0], $0xffff;
	[tilespmem:v33+s12+$0x0] =	vst.idx.msk $0xffff, v12  }
0x47e: {  	v15 =	vld.idx.msk [tilespmem:v62+s5+$0x0], $0xffff;
	v5 =	vadd.f32 v1, v5;
	v1 =	vadd.f32 v6, v10;
	[tilespmem:v61+s4+$0x0] =	vst.idx.msk $0xffff, v9  }
0x47f: {  	v10 =	vld.idx.msk [tilespmem:v53+s9+$0x0], $0xffff;
	[tilespmem:v27+s23+$0x0] =	vst.idx.msk $0xffff, v4  }
0x480: {  	v6 =	vmul.f32 v16, v51;
	v62 =	vld.idx.msk [tilespmem:v0+s9+$0x0], $0xffff;
	v12 =	vmul.f32 v22, v52;
	[tilespmem:v44+s4+$0x0] =	vst.idx.msk $0xffff, v1  }
0x481: {  	v16 =	vmul.f32 v16, v52;
	v9 =	vld.idx.msk [tilespmem:v20+s9+$0x0], $0xffff;
	v22 =	vmul.f32 v22, v51;
	[tilespmem:$0x1F980] =	vst v27  }
0x482: {  	v4 =	vsub.f32 v6, v12;
	v12 =	vld.idx.msk [tilespmem:v30+s7+$0x0], $0xffff  }
0x483: {  	v6 =	vadd.f32 v22, v16;
	v16 =	vld.idx.msk [tilespmem:v32+s7+$0x0], $0xffff;
	_ =	sdelay $0x3  }
0x484: {  	[tilespmem:v25+s23+$0x0] =	vst.idx.msk $0xffff, v5  }
0x485: {  	[tilespmem:v2+s23+$0x0] =	vst.idx.msk $0xffff, v4;
	v24 =	vmul.f32 v12, v55;
	v25 =	vmul.f32 v16, v58  }
0x486: {  	[tilespmem:$0x1F910] =	vst v2;
	v16 =	vmul.f32 v16, v55;
	v12 =	vmul.f32 v12, v58  }
0x487: {  	[tilespmem:v29+s23+$0x0] =	vst.idx.msk $0xffff, v6;
	v25 =	vsub.f32 v24, v25  }
0x488: {  	v37 =	vld.idx.msk [tilespmem:v45+s9+$0x0], $0xffff;
	[tilespmem:$0x1F920] =	vst v29;
	v12 =	vadd.f32 v16, v12  }
0x489: {  	v0 =	vld [tilespmem:$0x1F830];
	[tilespmem:v61+s8+$0x0] =	vst.idx.msk $0xffff, v25  }
0x48a: {  	[tilespmem:v44+s8+$0x0] =	vst.idx.msk $0xffff, v12  }
0x48b: {  	v1 =	vld [tilespmem:$0x1F840];
	_ =	sdelay $0x3  }
0x48c: {  	v34 =	vmov v27;
	v27 =	vmul.f32 v8, v21;
	v26 =	vmul.f32 v0, v18  }
0x48d: {  	v6 =	vld.idx.msk [tilespmem:v57+s5+$0x0], $0xffff  }
0x48e: {  	v4 =	vld.idx.msk [tilespmem:v56+s5+$0x0], $0xffff;
	v16 =	vsub.f32 v26, v27  }
0x48f: {  	v22 =	vld.idx.msk [tilespmem:v41+s5+$0x0], $0xffff  }
0x490: {  	v23 =	vld.idx.msk [tilespmem:v50+s5+$0x0], $0xffff;
	[tilespmem:v1+s21+$0x0] =	vst.idx.msk $0xffff, v16  }
0x491: {  	v1 =	vld [tilespmem:$0x1F850]  }
0x492: {  	v28 =	vmov v29;
	v29 =	vld [tilespmem:s28+$0xFFFFFFE0]  }
0x493: {  	v49 =	vmov v31;
	v31 =	vld [tilespmem:s29+$0xFFFFFFF0]  }
0x494: {  	v5 =	vld [tilespmem:s28+$0xFFFFFFF0]  }
0x495: {  	v8 =	vmul.f32 v8, v18;
	v50 =	vld [tilespmem:s29+$0xFFFFFFE0];
	v0 =	vmul.f32 v0, v21  }
0x496: {  	v24 =	vld [tilespmem:s29+$0x0];
	[tilespmem:$0x1F9E0] =	vst v35  }
0x497: {  	v0 =	vadd.f32 v8, v0;
	[tilespmem:$0x1F9F0] =	vst v39  }
0x498: {  	v12 =	vmul.f32 v7, v39;
	v8 =	vmul.f32 v11, v35;
	v16 =	vld.idx.msk [tilespmem:v30+s10+$0x0], $0xffff  }
0x499: {  	[tilespmem:v1+s21+$0x0] =	vst.idx.msk $0xffff, v0;
	v0 =	vmul.f32 v7, v35;
	v7 =	vmul.f32 v11, v39;
	v11 =	vld.idx.msk [tilespmem:v32+s10+$0x0], $0xffff  }
0x49a: {  	v18 =	vmul.f32 v14, v19;
	v8 =	vsub.f32 v8, v12;
	v12 =	vmul.f32 v17, v43  }
0x49b: {  	v14 =	vmul.f32 v14, v43;
	v0 =	vadd.f32 v0, v7;
	v7 =	vmul.f32 v17, v19  }
0x49c: {  	v12 =	vsub.f32 v12, v18;
	v18 =	vmul.f32 v10, v47;
	v10 =	vmul.f32 v10, v46  }
0x49d: {  	v20 =	vmul.f32 v16, v55;
	v7 =	vadd.f32 v14, v7;
	v14 =	vmul.f32 v9, v46  }
0x49e: {  	[tilespmem:v48+s12+$0x0] =	vst.idx.msk $0xffff, v12;
	v33 =	vld [tilespmem:s17+$0xFFFFFFE0];
	v9 =	vmul.f32 v9, v47;
	v21 =	vmul.f32 v11, v58  }
0x49f: {  	v53 =	vld [tilespmem:s19+$0xFFFFFFE0];
	[tilespmem:v54+s12+$0x0] =	vst.idx.msk $0xffff, v7;
	v7 =	vmul.f32 v11, v55;
	v11 =	vmul.f32 v16, v58  }
0x4a0: {  	[tilespmem:v59+s23+$0x0] =	vst.idx.msk $0xffff, v8;
	v17 =	vld.idx.msk [tilespmem:v29+s31+$0x0], $0xffff;
	v8 =	vsub.f32 v18, v14;
	v14 =	vsub.f32 v20, v21  }
0x4a1: {  	v1 =	vmov v29;
	v29 =	vld [tilespmem:s18+$0xFFFFFFE0];
	[tilespmem:v3+s23+$0x0] =	vst.idx.msk $0xffff, v0;
	v9 =	vadd.f32 v9, v10;
	v0 =	vadd.f32 v7, v11  }
0x4a2: {  	v16 =	vld.idx.msk [tilespmem:v50+s31+$0x0], $0xffff;
	v10 =	vmul.f32 v37, v40;
	v7 =	vmul.f32 v62, v42;
	[tilespmem:v61+s12+$0x0] =	vst.idx.msk $0xffff, v14  }
0x4a3: {  	v54 =	vld [tilespmem:s20+$0xFFFFFFE0];
	v11 =	vmul.f32 v4, v51;
	v14 =	vmul.f32 v22, v52;
	[tilespmem:v44+s12+$0x0] =	vst.idx.msk $0xffff, v0  }
0x4a4: {  	[tilespmem:v36+s13+$0x0] =	vst.idx.msk $0xffff, v8;
	v8 =	vmul.f32 v22, v51;
	v4 =	vmul.f32 v4, v52;
	v18 =	vld.idx.msk [tilespmem:v30+s9+$0x0], $0xffff  }
0x4a5: {  	[tilespmem:v49+s13+$0x0] =	vst.idx.msk $0xffff, v9;
	v0 =	vsub.f32 v7, v10;
	v7 =	vsub.f32 v11, v14;
	v9 =	vld.idx.msk [tilespmem:v32+s9+$0x0], $0xffff  }
0x4a6: {  	v4 =	vadd.f32 v8, v4;
	v8 =	vmul.f32 v15, v60;
	v10 =	vmul.f32 v15, v63  }
0x4a7: {  	v14 =	vmul.f32 v17, v29;
	[tilespmem:v2+s2+$0x0] =	vst.idx.msk $0xffff, v7;
	v7 =	vmul.f32 v16, v33  }
0x4a8: {  	v15 =	vmul.f32 v16, v29;
	[tilespmem:v28+s2+$0x0] =	vst.idx.msk $0xffff, v4;
	v4 =	vmul.f32 v17, v33  }
0x4a9: {  	v7 =	vsub.f32 v7, v14  }
0x4aa: {  	v57 =	vld [tilespmem:s28+$0x0];
	v4 =	vadd.f32 v4, v15;
	v15 =	vmul.f32 v18, v55;
	v16 =	vmul.f32 v9, v58  }
0x4ab: {  	v12 =	vld.idx.msk [tilespmem:v24+s31+$0x0], $0xffff;
	[tilespmem:v53+s1+$0x0] =	vst.idx.msk $0xffff, v7;
	v7 =	vmul.f32 v9, v55;
	v9 =	vmul.f32 v18, v58  }
0x4ac: {  	v15 =	vsub.f32 v15, v16;
	v28 =	vld [tilespmem:$0x1F930]  }
0x4ad: {  	v26 =	vld [tilespmem:$0x1F940];
	[tilespmem:v54+s1+$0x0] =	vst.idx.msk $0xffff, v4;
	v4 =	vadd.f32 v7, v9  }
0x4ae: {  	v27 =	vld [tilespmem:s18+$0x0];
	[tilespmem:v61+s13+$0x0] =	vst.idx.msk $0xffff, v15  }
0x4af: {  	v25 =	vld [tilespmem:s20+$0x0];
	[tilespmem:v44+s13+$0x0] =	vst.idx.msk $0xffff, v4  }
0x4b0: {  	v3 =	vld [tilespmem:$0x1F950]  }
0x4b1: {  	v35 =	vld.idx.msk [tilespmem:v5+s31+$0x0], $0xffff  }
0x4b2: {  	v39 =	vmov v43;
	v43 =	vmov v24;
	v24 =	vld [tilespmem:s17+$0x0]  }
0x4b3: {  	v41 =	vmov v19;
	v19 =	vld.idx.msk [tilespmem:v31+s31+$0x0], $0xffff  }
0x4b4: {  	v21 =	vld [tilespmem:s17+$0xFFFFFFF0];
	v14 =	vmul.f32 v13, v63  }
0x4b5: {  	v20 =	vld [tilespmem:s18+$0xFFFFFFF0]  }
0x4b6: {  	v59 =	vmov v62;
	v62 =	vld [tilespmem:s20+$0xFFFFFFF0];
	v8 =	vsub.f32 v14, v8  }
0x4b7: {  	v49 =	vld [tilespmem:s19+$0xFFFFFFF0];
	v16 =	vmul.f32 v6, v28;
	v17 =	vmul.f32 v23, v26  }
0x4b8: {  	v11 =	vld.idx.msk [tilespmem:v57+s31+$0x0], $0xffff;
	[tilespmem:v3+s2+$0x0] =	vst.idx.msk $0xffff, v8  }
0x4b9: {  	v13 =	vmul.f32 v13, v60;
	v9 =	vsub.f32 v16, v17;
	v16 =	vld [tilespmem:$0x1F960]  }
0x4ba: {  	v18 =	vld [tilespmem:s19+$0x0]  }
0x4bb: {  	v14 =	vmul.f32 v19, v20;
	v7 =	vadd.f32 v10, v13;
	v10 =	vmul.f32 v35, v21;
	v13 =	vld.idx.msk [tilespmem:v50+s3+$0x0], $0xffff  }
0x4bc: {  	v4 =	vmul.f32 v35, v20;
	v15 =	vld.idx.msk [tilespmem:v30+s6+$0x0], $0xffff;
	v8 =	vmul.f32 v19, v21  }
0x4bd: {  	v17 =	vld.idx.msk [tilespmem:v32+s6+$0x0], $0xffff  }
0x4be: {  	v4 =	vsub.f32 v8, v4;
	v8 =	vadd.f32 v10, v14;
	v14 =	vld.idx.msk [tilespmem:v1+s3+$0x0], $0xffff  }
0x4bf: {  	v19 =	vmov v1;
	[tilespmem:v34+s2+$0x0] =	vst.idx.msk $0xffff, v9;
	v9 =	vmul.f32 v23, v28;
	v1 =	vld.idx.msk [tilespmem:v56+s11+$0x0], $0xffff  }
0x4c0: {  	v10 =	vmul.f32 v6, v26;
	[tilespmem:v49+s1+$0x0] =	vst.idx.msk $0xffff, v4;
	v4 =	vmul.f32 v11, v24  }
0x4c1: {  	[tilespmem:v16+s2+$0x0] =	vst.idx.msk $0xffff, v7;
	v7 =	vmul.f32 v12, v24;
	v16 =	vmul.f32 v11, v27  }
0x4c2: {  	[tilespmem:v62+s1+$0x0] =	vst.idx.msk $0xffff, v8;
	v8 =	vmul.f32 v13, v33;
	v11 =	vmul.f32 v12, v27  }
0x4c3: {  	v12 =	vmul.f32 v13, v29;
	v13 =	vmul.f32 v15, v55;
	v7 =	vsub.f32 v7, v16  }
0x4c4: {  	v15 =	vmul.f32 v15, v58;
	[tilespmem:$0x1F900] =	vst v1;
	v16 =	vmul.f32 v17, v58  }
0x4c5: {  	v4 =	vadd.f32 v4, v11;
	v11 =	vld.idx.msk [tilespmem:v31+s3+$0x0], $0xffff;
	[tilespmem:v18+s1+$0x0] =	vst.idx.msk $0xffff, v7;
	v7 =	vmul.f32 v17, v55  }
0x4c6: {  	v34 =	vmov v18;
	v17 =	vld.idx.msk [tilespmem:v5+s3+$0x0], $0xffff;
	v13 =	vsub.f32 v13, v16;
	v16 =	vmul.f32 v14, v29;
	[tilespmem:$0x1FB40] =	vst v38  }
0x4c7: {  	v14 =	vmul.f32 v14, v33;
	v18 =	vld.idx.msk [tilespmem:v38+s9+$0x0], $0xffff;
	[tilespmem:v25+s1+$0x0] =	vst.idx.msk $0xffff, v4;
	v4 =	vadd.f32 v7, v15  }
0x4c8: {  	v48 =	vmov v38;
	v8 =	vsub.f32 v8, v16;
	v38 =	vld [tilespmem:$0x1FB50];
	[tilespmem:v61+s23+$0x0] =	vst.idx.msk $0xffff, v13  }
0x4c9: {  	v9 =	vadd.f32 v9, v10;
	v10 =	vadd.f32 v14, v12;
	[tilespmem:v44+s23+$0x0] =	vst.idx.msk $0xffff, v4  }
0x4ca: {  	[tilespmem:v53+s4+$0x0] =	vst.idx.msk $0xffff, v8  }
0x4cb: {  	[tilespmem:v54+s4+$0x0] =	vst.idx.msk $0xffff, v10  }
0x4cc: {  	v2 =	vld [tilespmem:$0x1F990];
	_ =	sdelay $0x1  }
0x4cd: {  	v1 =	vmul.f32 v59, v40;
	v4 =	vmul.f32 v37, v42  }
0x4ce: {  	v8 =	vmul.f32 v11, v21;
	v13 =	vmul.f32 v17, v20;
	_ =	sdelay $0x1  }
0x4cf: {  	v1 =	vadd.f32 v4, v1;
	v4 =	vsub.f32 v8, v13;
	_ =	sdelay $0x1  }
0x4d0: {  	[tilespmem:v49+s4+$0x0] =	vst.idx.msk $0xffff, v4  }
0x4d1: {  	[tilespmem:v2+s2+$0x0] =	vst.idx.msk $0xffff, v9  }
0x4d2: {  	v2 =	vld [tilespmem:$0x1F860];
	_ =	sdelay $0x3  }
0x4d3: {  	v10 =	vmul.f32 v11, v20;
	v11 =	vmul.f32 v17, v21;
	_ =	sdelay $0x1  }
0x4d4: {  	v8 =	vadd.f32 v11, v10  }
0x4d5: {  	v12 =	vld.idx.msk [tilespmem:v43+s3+$0x0], $0xffff  }
0x4d6: {  	[tilespmem:v62+s4+$0x0] =	vst.idx.msk $0xffff, v8;
	v6 =	vld.idx.msk [tilespmem:v2+s11+$0x0], $0xffff  }
0x4d7: {  	v2 =	vld [tilespmem:$0x1F870]  }
0x4d8: {  	v23 =	vmov v5;
	v5 =	vld.idx.msk [tilespmem:v57+s3+$0x0], $0xffff  }
0x4d9: {  	v14 =	vld.idx.msk [tilespmem:v32+s5+$0x0], $0xffff  }
0x4da: {  	v15 =	vld.idx.msk [tilespmem:v30+s5+$0x0], $0xffff  }
0x4db: {  	v13 =	vld.idx.msk [tilespmem:v50+s7+$0x0], $0xffff  }
0x4dc: {  	v11 =	vld.idx.msk [tilespmem:v19+s7+$0x0], $0xffff;
	v10 =	vmul.f32 v12, v27  }
0x4dd: {  	v7 =	vld.idx.msk [tilespmem:v38+s9+$0x0], $0xffff;
	v9 =	vmul.f32 v12, v24;
	v12 =	vmul.f32 v5, v27  }
0x4de: {  	v17 =	vld.idx.msk [tilespmem:v31+s7+$0x0], $0xffff  }
0x4df: {  	v9 =	vsub.f32 v9, v12;
	v59 =	vld.idx.msk [tilespmem:v2+s11+$0x0], $0xffff;
	[tilespmem:$0x1FB90] =	vst v39  }
0x4e0: {  	[tilespmem:$0x1F970] =	vst v41  }
0x4e1: {  	[tilespmem:v34+s4+$0x0] =	vst.idx.msk $0xffff, v9  }
0x4e2: {  	v3 =	vld [tilespmem:$0x1F880];
	_ =	sdelay $0x3  }
0x4e3: {  	v16 =	vmul.f32 v5, v24;
	_ =	sdelay $0x1  }
0x4e4: {  	v10 =	vadd.f32 v16, v10;
	_ =	sdelay $0x1  }
0x4e5: {  	[tilespmem:v25+s4+$0x0] =	vst.idx.msk $0xffff, v10;
	v9 =	vld.idx.msk [tilespmem:v3+s11+$0x0], $0xffff  }
0x4e6: {  	v3 =	vld [tilespmem:$0x1F890];
	_ =	sdelay $0x7  }
0x4e7: {  	v45 =	vmov v19;
	v19 =	vmul.f32 v7, v41;
	v2 =	vmov v41;
	v41 =	vld.idx.msk [tilespmem:v3+s11+$0x0], $0xffff  }
0x4e8: {  	v3 =	vld [tilespmem:$0x1FA00];
	_ =	sdelay $0x1  }
0x4e9: {  	v8 =	vmul.f32 v14, v58;
	v12 =	vmul.f32 v15, v55  }
0x4ea: {  	v14 =	vmul.f32 v14, v55;
	v15 =	vmul.f32 v15, v58  }
0x4eb: {  	v10 =	vsub.f32 v12, v8  }
0x4ec: {  	v12 =	vadd.f32 v14, v15  }
0x4ed: {  	[tilespmem:v61+s2+$0x0] =	vst.idx.msk $0xffff, v10  }
0x4ee: {  	[tilespmem:v44+s2+$0x0] =	vst.idx.msk $0xffff, v12  }
0x4ef: {  	v14 =	vld.idx.msk [tilespmem:v43+s7+$0x0], $0xffff;
	[tilespmem:v3+s13+$0x0] =	vst.idx.msk $0xffff, v0  }
0x4f0: {  	v5 =	vld [tilespmem:$0x1F8A0]  }
0x4f1: {  	v36 =	vmov v43;
	v43 =	vld [tilespmem:$0x1F8B0];
	_ =	sdelay $0x1  }
0x4f2: {  	v16 =	vmul.f32 v18, v39;
	v22 =	vld.idx.msk [tilespmem:v23+s7+$0x0], $0xffff  }
0x4f3: {  	v4 =	vmovc v39;
	v56 =	vmul.f32 v11, v29;
	v39 =	vmov v23;
	v23 =	vmul.f32 v13, v33;
	_ =	sdelay $0x1  }
0x4f4: {  	v11 =	vmul.f32 v11, v33;
	v10 =	vmul.f32 v13, v29;
	v0 =	vsub.f32 v23, v56  }
0x4f5: {  	v16 =	vsub.f32 v16, v19;
	v15 =	vmul.f32 v17, v21;
	v13 =	vld.idx.msk [tilespmem:v57+s7+$0x0], $0xffff  }
0x4f6: {  	v19 =	vmul.f32 v22, v20;
	v10 =	vadd.f32 v11, v10;
	[tilespmem:v53+s8+$0x0] =	vst.idx.msk $0xffff, v0;
	v8 =	vld.idx.msk [tilespmem:v5+s11+$0x0], $0xffff  }
0x4f7: {  	[tilespmem:v43+s13+$0x0] =	vst.idx.msk $0xffff, v1;
	v1 =	vmul.f32 v17, v20;
	v17 =	vmul.f32 v22, v21;
	v5 =	vld.idx.msk [tilespmem:v30+s11+$0x0], $0xffff  }
0x4f8: {  	v11 =	vsub.f32 v15, v19;
	v30 =	vld [tilespmem:$0x1FA40]  }
0x4f9: {  	v37 =	vmov v34;
	v34 =	vmov v25;
	v25 =	vld [tilespmem:$0x1FA60];
	[tilespmem:v54+s8+$0x0] =	vst.idx.msk $0xffff, v10;
	v1 =	vadd.f32 v17, v1  }
0x4fa: {  	[tilespmem:v49+s8+$0x0] =	vst.idx.msk $0xffff, v11  }
0x4fb: {  	[tilespmem:v62+s8+$0x0] =	vst.idx.msk $0xffff, v1  }
0x4fc: {  	v12 =	vld [tilespmem:$0x1F8C0];
	_ =	sdelay $0x1  }
0x4fd: {  	v15 =	vmul.f32 v18, v2;
	v28 =	vld.idx.msk [tilespmem:v32+s11+$0x0], $0xffff;
	v18 =	vmul.f32 v13, v27  }
0x4fe: {  	v10 =	vmul.f32 v14, v24;
	v11 =	vmul.f32 v14, v27;
	v14 =	vld.idx.msk [tilespmem:v50+s10+$0x0], $0xffff  }
0x4ff: {  	v1 =	vld.idx.msk [tilespmem:v45+s10+$0x0], $0xffff  }
0x500: {  	v10 =	vsub.f32 v10, v18;
	v0 =	vld.idx.msk [tilespmem:v30+s6+$0x0], $0xffff  }
0x501: {  	v13 =	vmul.f32 v13, v24;
	v17 =	vld.idx.msk [tilespmem:v25+s6+$0x0], $0xffff;
	[tilespmem:$0x1FA20] =	vst v45  }
0x502: {  	[tilespmem:v37+s8+$0x0] =	vst.idx.msk $0xffff, v10  }
0x503: {  	v11 =	vadd.f32 v13, v11;
	v13 =	vld.idx.msk [tilespmem:v31+s10+$0x0], $0xffff;
	[tilespmem:v12+s13+$0x0] =	vst.idx.msk $0xffff, v16  }
0x504: {  	v16 =	vld.idx.msk [tilespmem:v39+s10+$0x0], $0xffff;
	[tilespmem:$0x1FA70] =	vst v39  }
0x505: {  	[tilespmem:v34+s8+$0x0] =	vst.idx.msk $0xffff, v11  }
0x506: {  	v32 =	vld [tilespmem:$0x1F8D0];
	_ =	sdelay $0x3  }
0x507: {  	v7 =	vmul.f32 v7, v4;
	_ =	sdelay $0x1  }
0x508: {  	v2 =	vmov v54;
	v7 =	vadd.f32 v7, v15;
	v54 =	vld [tilespmem:$0x1FAA0];
	_ =	sdelay $0x1  }
0x509: {  	[tilespmem:v32+s13+$0x0] =	vst.idx.msk $0xffff, v7  }
0x50a: {  	v26 =	vld [tilespmem:$0x1F8E0];
	_ =	sdelay $0x3  }
0x50b: {  	v10 =	vmul.f32 v0, v47;
	v15 =	vmul.f32 v17, v46  }
0x50c: {  	v0 =	vmul.f32 v0, v46;
	v11 =	vmul.f32 v17, v47;
	v17 =	vld.idx.msk [tilespmem:v54+s6+$0x0], $0xffff  }
0x50d: {  	v7 =	vsub.f32 v10, v15;
	v10 =	vld.idx.msk [tilespmem:v36+s10+$0x0], $0xffff;
	[tilespmem:$0x1FA80] =	vst v36  }
0x50e: {  	v0 =	vadd.f32 v11, v0;
	v11 =	vld.idx.msk [tilespmem:v57+s10+$0x0], $0xffff;
	[tilespmem:$0x1FA90] =	vst v57  }
0x50f: {  	[tilespmem:v26+s23+$0x0] =	vst.idx.msk $0xffff, v7  }
0x510: {  	v4 =	vmovc v37;
	v37 =	vmov v34;
	v34 =	vmov v36;
	v36 =	vmov v57;
	v57 =	vld [tilespmem:$0x1F8F0];
	_ =	sdelay $0x2  }
0x511: {  	v18 =	vmul.f32 v1, v29;
	v15 =	vmul.f32 v14, v33;
	_ =	sdelay $0x1  }
0x512: {  	v56 =	vmov v45;
	v15 =	vsub.f32 v15, v18;
	v45 =	vld [tilespmem:$0x1FAD0];
	_ =	sdelay $0x1  }
0x513: {  	[tilespmem:v53+s12+$0x0] =	vst.idx.msk $0xffff, v15  }
0x514: {  	v1 =	vmul.f32 v1, v33;
	v7 =	vmul.f32 v14, v29;
	[tilespmem:v57+s23+$0x0] =	vst.idx.msk $0xffff, v0  }
0x515: {  	v0 =	vld [tilespmem:$0x1FAE0]  }
0x516: {  	v19 =	vmul.f32 v13, v21;
	v13 =	vmul.f32 v13, v20;
	v7 =	vadd.f32 v1, v7;
	v1 =	vld [tilespmem:$0x1FB20]  }
0x517: {  	v22 =	vmul.f32 v16, v20;
	v16 =	vmul.f32 v16, v21;
	v18 =	vld.idx.msk [tilespmem:v48+s6+$0x0], $0xffff  }
0x518: {  	v23 =	vld.idx.msk [tilespmem:v38+s6+$0x0], $0xffff  }
0x519: {  	v13 =	vadd.f32 v16, v13;
	v16 =	vmul.f32 v11, v27;
	v15 =	vmul.f32 v10, v24;
	v14 =	vld.idx.msk [tilespmem:v45+s6+$0x0], $0xffff  }
0x51a: {  	v19 =	vsub.f32 v19, v22;
	v22 =	vld.idx.msk [tilespmem:v30+s5+$0x0], $0xffff  }
0x51b: {  	v15 =	vsub.f32 v15, v16;
	[tilespmem:v2+s12+$0x0] =	vst.idx.msk $0xffff, v7;
	v16 =	vld.idx.msk [tilespmem:v25+s5+$0x0], $0xffff  }
0x51c: {  	[tilespmem:v49+s12+$0x0] =	vst.idx.msk $0xffff, v19;
	v35 =	vld.idx.msk [tilespmem:v50+s9+$0x0], $0xffff  }
0x51d: {  	v11 =	vmul.f32 v11, v24;
	v10 =	vmul.f32 v10, v27;
	[tilespmem:v62+s12+$0x0] =	vst.idx.msk $0xffff, v13;
	v0 =	vld.idx.msk [tilespmem:v0+s5+$0x0], $0xffff  }
0x51e: {  	v1 =	vld.idx.msk [tilespmem:v1+s5+$0x0], $0xffff;
	[tilespmem:$0x1FB80] =	vst v62  }
0x51f: {  	v10 =	vadd.f32 v11, v10;
	v11 =	vld.idx.msk [tilespmem:v56+s9+$0x0], $0xffff;
	[tilespmem:$0x1FBB0] =	vst v4  }
0x520: {  	[tilespmem:v4+s12+$0x0] =	vst.idx.msk $0xffff, v15  }
0x521: {  	v19 =	vmul.f32 v17, v42;
	v7 =	vmul.f32 v14, v40;
	[tilespmem:v37+s12+$0x0] =	vst.idx.msk $0xffff, v10  }
0x522: {  	v38 =	vmov v2;
	v17 =	vmul.f32 v17, v40;
	v14 =	vmul.f32 v14, v42;
	v2 =	vld [tilespmem:$0x1F900]  }
0x523: {  	v7 =	vsub.f32 v19, v7  }
0x524: {  	v13 =	vadd.f32 v14, v17;
	v14 =	vld.idx.msk [tilespmem:v31+s9+$0x0], $0xffff;
	[tilespmem:$0x1FBC0] =	vst v37  }
0x525: {  	[tilespmem:v3+s23+$0x0] =	vst.idx.msk $0xffff, v7  }
0x526: {  	v25 =	vmov v4;
	v15 =	vmul.f32 v6, v52;
	v4 =	vmul.f32 v6, v51;
	[tilespmem:v43+s23+$0x0] =	vst.idx.msk $0xffff, v13  }
0x527: {  	v10 =	vmul.f32 v2, v51;
	v6 =	vmul.f32 v2, v52;
	v2 =	vld [tilespmem:$0x1F910];
	_ =	sdelay $0x5  }
0x528: {  	v10 =	vsub.f32 v10, v15;
	_ =	sdelay $0x1  }
0x529: {  	[tilespmem:v2+s21+$0x0] =	vst.idx.msk $0xffff, v10  }
0x52a: {  	v3 =	vmul.f32 v5, v58;
	v15 =	vmul.f32 v5, v55;
	v5 =	vld [tilespmem:$0x1F920];
	_ =	sdelay $0x5  }
0x52b: {  	v19 =	vmul.f32 v28, v58;
	v4 =	vadd.f32 v4, v6  }
0x52c: {  	v2 =	vmul.f32 v28, v55  }
0x52d: {  	[tilespmem:v5+s21+$0x0] =	vst.idx.msk $0xffff, v4;
	v4 =	vsub.f32 v15, v19  }
0x52e: {  	v2 =	vadd.f32 v2, v3  }
0x52f: {  	[tilespmem:v61+s21+$0x0] =	vst.idx.msk $0xffff, v4  }
0x530: {  	[tilespmem:v44+s21+$0x0] =	vst.idx.msk $0xffff, v2  }
0x531: {  	v19 =	vld [tilespmem:$0x1F950];
	_ =	sdelay $0x2  }
0x532: {  	v3 =	vmul.f32 v59, v63  }
0x533: {  	v15 =	vmul.f32 v9, v60;
	v4 =	vmul.f32 v9, v63;
	v9 =	vld [tilespmem:$0x1F930];
	_ =	sdelay $0x1  }
0x534: {  	v2 =	vsub.f32 v3, v15  }
0x535: {  	v5 =	vmul.f32 v59, v60  }
0x536: {  	v15 =	vld [tilespmem:$0x1F940];
	[tilespmem:v19+s21+$0x0] =	vst.idx.msk $0xffff, v2  }
0x537: {  	v3 =	vadd.f32 v4, v5;
	v4 =	vmul.f32 v41, v9;
	v2 =	vmul.f32 v8, v9;
	v9 =	vld [tilespmem:$0x1F960];
	_ =	sdelay $0x7  }
0x538: {  	[tilespmem:v9+s21+$0x0] =	vst.idx.msk $0xffff, v3  }
0x539: {  	v9 =	vld [tilespmem:$0x1F980];
	_ =	sdelay $0x1  }
0x53a: {  	v17 =	vld.idx.msk [tilespmem:v39+s9+$0x0], $0xffff  }
0x53b: {  	s29 =	simm.s32 $0xE0;
	v7 =	vld.idx.msk [tilespmem:v34+s9+$0x0], $0xffff  }
0x53c: {  	s22 =	simm.s32 $0x4E0;
	v39 =	vld [tilespmem:s29+$0x10];
	v5 =	vmul.f32 v8, v15  }
0x53d: {  	v56 =	vmov v37;
	v37 =	vld [tilespmem:s22+$0x10];
	v8 =	vmul.f32 v41, v15  }
0x53e: {  	v48 =	vld [tilespmem:s29+$0xFFFFFFF0];
	v3 =	vsub.f32 v4, v5  }
0x53f: {  	v2 =	vadd.f32 v2, v8;
	v8 =	vld [tilespmem:$0x1FB90]  }
0x540: {  	v59 =	vld [tilespmem:$0x1F970];
	[tilespmem:v9+s21+$0x0] =	vst.idx.msk $0xffff, v3  }
0x541: {  	s25 =	simm.s32 $0x14E0;
	v15 =	vld [tilespmem:$0x1F990]  }
0x542: {  	s26 =	simm.s32 $0x8E0;
	v30 =	vmov v62;
	v62 =	vld [tilespmem:s25+$0x10]  }
0x543: {  	v34 =	vld [tilespmem:s26+$0x10]  }
0x544: {  	v13 =	vld.idx.msk [tilespmem:v36+s9+$0x0], $0xffff  }
0x545: {  	v36 =	vld [tilespmem:s22+$0xFFFFFFE0]  }
0x546: {  	v6 =	vld.idx.msk [tilespmem:v54+s5+$0x0], $0xffff  }
0x547: {  	v54 =	vmov v50;
	v50 =	vld [tilespmem:s22+$0xFFFFFFF0];
	v4 =	vmul.f32 v18, v8;
	v5 =	vmul.f32 v23, v59  }
0x548: {  	s24 =	simm.s32 $0x10E0;
	v10 =	vld.idx.msk [tilespmem:v45+s5+$0x0], $0xffff;
	v3 =	vmul.f32 v23, v8;
	v8 =	vmul.f32 v18, v59  }
0x549: {  	v61 =	vld [tilespmem:s24+$0x10];
	[tilespmem:v15+s21+$0x0] =	vst.idx.msk $0xffff, v2;
	v2 =	vsub.f32 v4, v5  }
0x54a: {  	v9 =	vld.idx.msk [tilespmem:v39+s31+$0x0], $0xffff;
	v3 =	vadd.f32 v3, v8;
	v8 =	vmul.f32 v11, v29;
	v5 =	vmul.f32 v35, v33  }
0x54b: {  	v11 =	vmul.f32 v11, v33;
	v4 =	vld.idx.msk [tilespmem:v37+s31+$0x0], $0xffff;
	[tilespmem:v12+s23+$0x0] =	vst.idx.msk $0xffff, v2;
	v2 =	vmul.f32 v35, v29  }
0x54c: {  	s28 =	simm.s32 $0xCE0;
	v45 =	vld [tilespmem:s29+$0x0];
	v5 =	vsub.f32 v5, v8;
	v8 =	vmul.f32 v14, v21;
	v12 =	vmul.f32 v17, v20  }
0x54d: {  	v55 =	vmov v31;
	v31 =	vld [tilespmem:s28+$0x10];
	[tilespmem:v32+s23+$0x0] =	vst.idx.msk $0xffff, v3;
	v3 =	vmul.f32 v14, v20;
	v14 =	vmul.f32 v17, v21  }
0x54e: {  	v58 =	vld [tilespmem:s22+$0x0];
	v2 =	vadd.f32 v11, v2  }
0x54f: {  	v23 =	vld [tilespmem:s29+$0xFFFFFFE0];
	v8 =	vsub.f32 v8, v12;
	[tilespmem:v53+s13+$0x0] =	vst.idx.msk $0xffff, v5;
	v3 =	vadd.f32 v14, v3  }
0x550: {  	v44 =	vld [tilespmem:s24+$0xFFFFFFE0];
	v14 =	vmul.f32 v4, v62;
	[tilespmem:v38+s13+$0x0] =	vst.idx.msk $0xffff, v2;
	v2 =	vmul.f32 v9, v61  }
0x551: {  	v41 =	vld [tilespmem:s25+$0xFFFFFFE0];
	v4 =	vmul.f32 v4, v61;
	[tilespmem:v49+s13+$0x0] =	vst.idx.msk $0xffff, v8;
	v8 =	vmul.f32 v9, v62  }
0x552: {  	v15 =	vld.idx.msk [tilespmem:v50+s31+$0x0], $0xffff;
	v11 =	vmul.f32 v7, v24;
	v2 =	vsub.f32 v2, v14;
	v14 =	vmul.f32 v13, v27  }
0x553: {  	v5 =	vld.idx.msk [tilespmem:v36+s31+$0x0], $0xffff;
	[tilespmem:v30+s13+$0x0] =	vst.idx.msk $0xffff, v3;
	v3 =	vadd.f32 v4, v8  }
0x554: {  	v12 =	vld.idx.msk [tilespmem:v48+s31+$0x0], $0xffff;
	v8 =	vsub.f32 v11, v14;
	[tilespmem:v34+s1+$0x0] =	vst.idx.msk $0xffff, v2  }
0x555: {  	v7 =	vmul.f32 v7, v27;
	v9 =	vld.idx.msk [tilespmem:v45+s31+$0x0], $0xffff;
	v13 =	vmul.f32 v13, v24;
	[tilespmem:v31+s1+$0x0] =	vst.idx.msk $0xffff, v3  }
0x556: {  	v4 =	vld.idx.msk [tilespmem:v58+s31+$0x0], $0xffff;
	[tilespmem:v25+s13+$0x0] =	vst.idx.msk $0xffff, v8  }
0x557: {  	v7 =	vadd.f32 v13, v7;
	v2 =	vld.idx.msk [tilespmem:v23+s31+$0x0], $0xffff;
	[tilespmem:$0x1F9A0] =	vst v47  }
0x558: {  	[tilespmem:$0x1F9B0] =	vst v46  }
0x559: {  	[tilespmem:v56+s13+$0x0] =	vst.idx.msk $0xffff, v7  }
0x55a: {  	v28 =	vld [tilespmem:$0x1F9E0]  }
0x55b: {  	v18 =	vmov v26;
	v32 =	vld [tilespmem:$0x1F9F0]  }
0x55c: {  	v3 =	vmul.f32 v16, v46;
	v8 =	vmul.f32 v22, v47  }
0x55d: {  	v11 =	vmul.f32 v16, v47;
	v13 =	vmul.f32 v22, v46;
	v14 =	vld.idx.msk [tilespmem:v39+s3+$0x0], $0xffff  }
0x55e: {  	v16 =	vld.idx.msk [tilespmem:v37+s3+$0x0], $0xffff;
	v3 =	vsub.f32 v8, v3;
	[tilespmem:$0x1F9C0] =	vst v42  }
0x55f: {  	v11 =	vadd.f32 v11, v13;
	[tilespmem:$0x1F9D0] =	vst v40  }
0x560: {  	[tilespmem:v18+s2+$0x0] =	vst.idx.msk $0xffff, v3;
	v13 =	vmul.f32 v0, v28;
	v17 =	vmul.f32 v1, v32  }
0x561: {  	[tilespmem:v57+s2+$0x0] =	vst.idx.msk $0xffff, v11  }
0x562: {  	v3 =	vsub.f32 v13, v17;
	v17 =	vld [tilespmem:$0x1FA00];
	_ =	sdelay $0x2  }
0x563: {  	v7 =	vmul.f32 v10, v40;
	v8 =	vmul.f32 v6, v42  }
0x564: {  	v52 =	vmov v43;
	v10 =	vmul.f32 v10, v42;
	v6 =	vmul.f32 v6, v40  }
0x565: {  	v7 =	vsub.f32 v8, v7  }
0x566: {  	v6 =	vadd.f32 v10, v6;
	v8 =	vmul.f32 v2, v44;
	v10 =	vmul.f32 v5, v41  }
0x567: {  	v51 =	vld [tilespmem:s24+$0xFFFFFFF0];
	v11 =	vmul.f32 v14, v61;
	v13 =	vmul.f32 v16, v62  }
0x568: {  	v25 =	vld [tilespmem:s25+$0xFFFFFFF0];
	v14 =	vmul.f32 v14, v62;
	[tilespmem:v17+s2+$0x0] =	vst.idx.msk $0xffff, v7;
	v7 =	vmul.f32 v16, v61  }
0x569: {  	[tilespmem:v52+s2+$0x0] =	vst.idx.msk $0xffff, v6;
	v6 =	vsub.f32 v8, v10;
	v8 =	vsub.f32 v11, v13  }
0x56a: {  	v7 =	vadd.f32 v7, v14  }
0x56b: {  	v43 =	vld [tilespmem:s24+$0x0];
	[tilespmem:v34+s4+$0x0] =	vst.idx.msk $0xffff, v8  }
0x56c: {  	v22 =	vld [tilespmem:s26+$0xFFFFFFE0];
	[tilespmem:v31+s4+$0x0] =	vst.idx.msk $0xffff, v7  }
0x56d: {  	v11 =	vmul.f32 v12, v25;
	v7 =	vmul.f32 v12, v51;
	v12 =	vld [tilespmem:$0x1FA10]  }
0x56e: {  	v35 =	vld [tilespmem:s28+$0xFFFFFFE0]  }
0x56f: {  	v47 =	vmov v23;
	v23 =	vld [tilespmem:s26+$0xFFFFFFF0]  }
0x570: {  	v42 =	vld [tilespmem:s28+$0xFFFFFFF0]  }
0x571: {  	v19 =	vmov v53;
	v53 =	vld [tilespmem:s25+$0x0]  }
0x572: {  	v5 =	vmul.f32 v5, v44;
	v2 =	vmul.f32 v2, v41;
	v30 =	vld [tilespmem:s26+$0x0]  }
0x573: {  	v26 =	vmov v49;
	v49 =	vld [tilespmem:s28+$0x0];
	v10 =	vmul.f32 v15, v51;
	v8 =	vmul.f32 v15, v25  }
0x574: {  	v2 =	vadd.f32 v5, v2;
	[tilespmem:v22+s1+$0x0] =	vst.idx.msk $0xffff, v6;
	v6 =	vld.idx.msk [tilespmem:v37+s7+$0x0], $0xffff  }
0x575: {  	v5 =	vsub.f32 v7, v8;
	v7 =	vadd.f32 v10, v11;
	[tilespmem:v12+s2+$0x0] =	vst.idx.msk $0xffff, v3;
	v3 =	vld.idx.msk [tilespmem:v39+s7+$0x0], $0xffff  }
0x576: {  	[tilespmem:v35+s1+$0x0] =	vst.idx.msk $0xffff, v2;
	v2 =	vmul.f32 v9, v43;
	v8 =	vmul.f32 v4, v53  }
0x577: {  	v4 =	vmul.f32 v4, v43;
	[tilespmem:v23+s1+$0x0] =	vst.idx.msk $0xffff, v5;
	v5 =	vmul.f32 v9, v53;
	v9 =	vld.idx.msk [tilespmem:v47+s3+$0x0], $0xffff  }
0x578: {  	v2 =	vsub.f32 v2, v8;
	[tilespmem:v42+s1+$0x0] =	vst.idx.msk $0xffff, v7;
	v7 =	vld.idx.msk [tilespmem:v36+s3+$0x0], $0xffff  }
0x579: {  	v1 =	vmul.f32 v1, v28;
	v0 =	vmul.f32 v0, v32;
	v4 =	vadd.f32 v4, v5;
	v5 =	vld.idx.msk [tilespmem:v48+s3+$0x0], $0xffff  }
0x57a: {  	[tilespmem:v30+s1+$0x0] =	vst.idx.msk $0xffff, v2;
	v2 =	vld.idx.msk [tilespmem:v50+s3+$0x0], $0xffff;
	v10 =	vmul.f32 v6, v62;
	v8 =	vmul.f32 v3, v61  }
0x57b: {  	[tilespmem:v49+s1+$0x0] =	vst.idx.msk $0xffff, v4;
	v4 =	vmul.f32 v6, v61;
	v3 =	vmul.f32 v3, v62  }
0x57c: {  	v0 =	vadd.f32 v1, v0;
	v6 =	vsub.f32 v8, v10;
	v8 =	vmul.f32 v9, v44  }
0x57d: {  	v11 =	vld.idx.msk [tilespmem:v58+s3+$0x0], $0xffff;
	v9 =	vmul.f32 v9, v41;
	v3 =	vadd.f32 v4, v3;
	v4 =	vmul.f32 v7, v41  }
0x57e: {  	v10 =	vld.idx.msk [tilespmem:v45+s3+$0x0], $0xffff;
	v7 =	vmul.f32 v7, v44;
	[tilespmem:v34+s8+$0x0] =	vst.idx.msk $0xffff, v6;
	v6 =	vmul.f32 v5, v51  }
0x57f: {  	v5 =	vmul.f32 v5, v25;
	v4 =	vsub.f32 v8, v4;
	v8 =	vmul.f32 v2, v25  }
0x580: {  	v2 =	vmul.f32 v2, v51;
	v1 =	vadd.f32 v7, v9;
	[tilespmem:v31+s8+$0x0] =	vst.idx.msk $0xffff, v3  }
0x581: {  	v63 =	vld [tilespmem:$0x1FA20];
	[tilespmem:v22+s4+$0x0] =	vst.idx.msk $0xffff, v4;
	v4 =	vsub.f32 v6, v8  }
0x582: {  	v2 =	vadd.f32 v2, v5;
	[tilespmem:v35+s4+$0x0] =	vst.idx.msk $0xffff, v1  }
0x583: {  	v6 =	vmul.f32 v11, v53;
	v1 =	vmul.f32 v10, v43;
	[tilespmem:v23+s4+$0x0] =	vst.idx.msk $0xffff, v4  }
0x584: {  	[tilespmem:v42+s4+$0x0] =	vst.idx.msk $0xffff, v2  }
0x585: {  	v1 =	vsub.f32 v1, v6;
	v6 =	vld [tilespmem:$0x1FA30];
	_ =	sdelay $0x2  }
0x586: {  	v12 =	vld.idx.msk [tilespmem:v54+s6+$0x0], $0xffff  }
0x587: {  	v3 =	vld.idx.msk [tilespmem:v63+s6+$0x0], $0xffff;
	_ =	sdelay $0x1  }
0x588: {  	v7 =	vld.idx.msk [tilespmem:v37+s10+$0x0], $0xffff;
	v8 =	vmul.f32 v11, v43;
	v4 =	vmul.f32 v10, v53;
	_ =	sdelay $0x1  }
0x589: {  	[tilespmem:v6+s2+$0x0] =	vst.idx.msk $0xffff, v0;
	v0 =	vadd.f32 v8, v4  }
0x58a: {  	[tilespmem:v30+s4+$0x0] =	vst.idx.msk $0xffff, v1;
	v1 =	vmul.f32 v12, v33;
	v6 =	vmul.f32 v3, v29  }
0x58b: {  	[tilespmem:v49+s4+$0x0] =	vst.idx.msk $0xffff, v0  }
0x58c: {  	v10 =	vmul.f32 v7, v62;
	v1 =	vsub.f32 v1, v6;
	v6 =	vmul.f32 v7, v61;
	v7 =	vld [tilespmem:$0x1FA40];
	_ =	sdelay $0x4  }
0x58d: {  	v5 =	vld.idx.msk [tilespmem:v39+s10+$0x0], $0xffff;
	_ =	sdelay $0x2  }
0x58e: {  	v7 =	vld.idx.msk [tilespmem:v7+s11+$0x0], $0xffff;
	_ =	sdelay $0x1  }
0x58f: {  	v9 =	vld.idx.msk [tilespmem:v47+s7+$0x0], $0xffff;
	v0 =	vmul.f32 v5, v61  }
0x590: {  	v2 =	vld.idx.msk [tilespmem:v36+s7+$0x0], $0xffff  }
0x591: {  	v4 =	vld.idx.msk [tilespmem:v48+s7+$0x0], $0xffff;
	v0 =	vsub.f32 v0, v10  }
0x592: {  	v8 =	vld.idx.msk [tilespmem:v50+s7+$0x0], $0xffff;
	[tilespmem:$0x1FA50] =	vst v7  }
0x593: {  	[tilespmem:v34+s12+$0x0] =	vst.idx.msk $0xffff, v0  }
0x594: {  	v0 =	vld [tilespmem:$0x1FA60];
	_ =	sdelay $0x2  }
0x595: {  	v5 =	vmul.f32 v5, v62;
	_ =	sdelay $0x1  }
0x596: {  	v5 =	vadd.f32 v6, v5;
	v6 =	vmul.f32 v2, v41  }
0x597: {  	v2 =	vmul.f32 v2, v44;
	v7 =	vmul.f32 v9, v44;
	v11 =	vld.idx.msk [tilespmem:v45+s7+$0x0], $0xffff  }
0x598: {  	v14 =	vmul.f32 v8, v25;
	v9 =	vmul.f32 v9, v41  }
0x599: {  	[tilespmem:v31+s12+$0x0] =	vst.idx.msk $0xffff, v5;
	v5 =	vsub.f32 v7, v6;
	v10 =	vld.idx.msk [tilespmem:v0+s11+$0x0], $0xffff;
	v0 =	vmul.f32 v4, v51  }
0x59a: {  	v2 =	vadd.f32 v2, v9  }
0x59b: {  	v28 =	vld [tilespmem:$0x1FA70];
	[tilespmem:v22+s8+$0x0] =	vst.idx.msk $0xffff, v5;
	v0 =	vsub.f32 v0, v14  }
0x59c: {  	v5 =	vmul.f32 v11, v43;
	v9 =	vmul.f32 v11, v53;
	v11 =	vld [tilespmem:$0x1FA80];
	[tilespmem:v35+s8+$0x0] =	vst.idx.msk $0xffff, v2  }
0x59d: {  	[tilespmem:v23+s8+$0x0] =	vst.idx.msk $0xffff, v0  }
0x59e: {  	v0 =	vld [tilespmem:$0x1FA90]  }
0x59f: {  	v13 =	vld.idx.msk [tilespmem:v58+s7+$0x0], $0xffff;
	_ =	sdelay $0x2  }
0x5a0: {  	v7 =	vmul.f32 v8, v51;
	v4 =	vmul.f32 v4, v25;
	_ =	sdelay $0x1  }
0x5a1: {  	v4 =	vadd.f32 v7, v4;
	v7 =	vmul.f32 v13, v53;
	v14 =	vld.idx.msk [tilespmem:v11+s6+$0x0], $0xffff;
	v11 =	vmul.f32 v13, v43;
	_ =	sdelay $0x1  }
0x5a2: {  	v5 =	vsub.f32 v5, v7;
	v7 =	vadd.f32 v11, v9;
	v9 =	vld.idx.msk [tilespmem:v0+s6+$0x0], $0xffff  }
0x5a3: {  	v0 =	vld [tilespmem:$0x1FAA0];
	_ =	sdelay $0x3  }
0x5a4: {  	v6 =	vld.idx.msk [tilespmem:v55+s6+$0x0], $0xffff  }
0x5a5: {  	v2 =	vmul.f32 v12, v29;
	v12 =	vld.idx.msk [tilespmem:v39+s9+$0x0], $0xffff  }
0x5a6: {  	v8 =	vld.idx.msk [tilespmem:v28+s6+$0x0], $0xffff  }
0x5a7: {  	v13 =	vld.idx.msk [tilespmem:v37+s9+$0x0], $0xffff;
	[tilespmem:v42+s8+$0x0] =	vst.idx.msk $0xffff, v4  }
0x5a8: {  	v11 =	vld.idx.msk [tilespmem:v0+s11+$0x0], $0xffff;
	[tilespmem:$0x1FAB0] =	vst v21  }
0x5a9: {  	v3 =	vmul.f32 v3, v33;
	[tilespmem:$0x1FAC0] =	vst v20  }
0x5aa: {  	v0 =	vld [tilespmem:$0x1FAD0];
	[tilespmem:v30+s8+$0x0] =	vst.idx.msk $0xffff, v5  }
0x5ab: {  	v2 =	vadd.f32 v3, v2;
	[tilespmem:v19+s23+$0x0] =	vst.idx.msk $0xffff, v1  }
0x5ac: {  	[tilespmem:v49+s8+$0x0] =	vst.idx.msk $0xffff, v7  }
0x5ad: {  	[tilespmem:v38+s23+$0x0] =	vst.idx.msk $0xffff, v2  }
0x5ae: {  	v2 =	vld [tilespmem:$0x1FAE0];
	_ =	sdelay $0x6  }
0x5af: {  	v3 =	vmul.f32 v6, v21;
	v15 =	vmul.f32 v8, v20  }
0x5b0: {  	v2 =	vld.idx.msk [tilespmem:v2+s11+$0x0], $0xffff  }
0x5b1: {  	v3 =	vsub.f32 v3, v15;
	v4 =	vmul.f32 v8, v21;
	v15 =	vld.idx.msk [tilespmem:v47+s10+$0x0], $0xffff  }
0x5b2: {  	v8 =	vmul.f32 v13, v62;
	v5 =	vmul.f32 v12, v61;
	v16 =	vld.idx.msk [tilespmem:v36+s10+$0x0], $0xffff  }
0x5b3: {  	v18 =	vld.idx.msk [tilespmem:v48+s10+$0x0], $0xffff  }
0x5b4: {  	v6 =	vmul.f32 v6, v20;
	v1 =	vld.idx.msk [tilespmem:v50+s10+$0x0], $0xffff;
	v5 =	vsub.f32 v5, v8  }
0x5b5: {  	v13 =	vmul.f32 v13, v61;
	v12 =	vmul.f32 v12, v62;
	v0 =	vld.idx.msk [tilespmem:v0+s11+$0x0], $0xffff;
	[tilespmem:$0x1FAF0] =	vst v2  }
0x5b6: {  	[tilespmem:v34+s13+$0x0] =	vst.idx.msk $0xffff, v5  }
0x5b7: {  	v4 =	vadd.f32 v4, v6;
	v6 =	vadd.f32 v13, v12;
	[tilespmem:$0x1FB00] =	vst v24  }
0x5b8: {  	[tilespmem:$0x1FB10] =	vst v27  }
0x5b9: {  	[tilespmem:v31+s13+$0x0] =	vst.idx.msk $0xffff, v6  }
0x5ba: {  	[tilespmem:v26+s23+$0x0] =	vst.idx.msk $0xffff, v3  }
0x5bb: {  	v3 =	vld [tilespmem:$0x1FB20]  }
0x5bc: {  	v17 =	vmul.f32 v9, v27;
	v7 =	vmul.f32 v14, v24  }
0x5bd: {  	v8 =	vmul.f32 v14, v27;
	v12 =	vmul.f32 v16, v41;
	v2 =	vld.idx.msk [tilespmem:v45+s10+$0x0], $0xffff  }
0x5be: {  	v5 =	vmul.f32 v9, v24;
	v9 =	vmul.f32 v15, v44  }
0x5bf: {  	v13 =	vmul.f32 v15, v41;
	v14 =	vmul.f32 v16, v44  }
0x5c0: {  	v16 =	vmul.f32 v1, v25;
	v9 =	vsub.f32 v9, v12;
	v12 =	vmul.f32 v18, v51  }
0x5c1: {  	v13 =	vadd.f32 v14, v13;
	v14 =	vmul.f32 v18, v25  }
0x5c2: {  	v12 =	vsub.f32 v12, v16;
	v16 =	vmul.f32 v2, v43;
	v18 =	vmul.f32 v2, v53;
	v2 =	vld [tilespmem:$0x1FB40]  }
0x5c3: {  	v3 =	vld.idx.msk [tilespmem:v3+s11+$0x0], $0xffff;
	_ =	sdelay $0x4  }
0x5c4: {  	v6 =	vld.idx.msk [tilespmem:v58+s10+$0x0], $0xffff;
	[tilespmem:$0x1FB30] =	vst v3  }
0x5c5: {  	[tilespmem:v22+s12+$0x0] =	vst.idx.msk $0xffff, v9  }
0x5c6: {  	[tilespmem:v23+s12+$0x0] =	vst.idx.msk $0xffff, v12  }
0x5c7: {  	v20 =	vld.idx.msk [tilespmem:v2+s5+$0x0], $0xffff;
	[tilespmem:v35+s12+$0x0] =	vst.idx.msk $0xffff, v13  }
0x5c8: {  	v60 =	vmov v2;
	v2 =	vld [tilespmem:$0x1FB50]  }
0x5c9: {  	v52 =	vmov v54  }
0x5ca: {  	v1 =	vmul.f32 v1, v51;
	v15 =	vld.idx.msk [tilespmem:v39+s6+$0x0], $0xffff  }
0x5cb: {  	v21 =	vsub.f32 v7, v17;
	v17 =	vld.idx.msk [tilespmem:v37+s6+$0x0], $0xffff;
	v9 =	vmul.f32 v6, v53  }
0x5cc: {  	v57 =	vmovc v38;
	v32 =	vmov v19;
	v38 =	vmov v22;
	v1 =	vadd.f32 v1, v14  }
0x5cd: {  	v6 =	vmul.f32 v6, v43;
	v19 =	vld.idx.msk [tilespmem:v63+s5+$0x0], $0xffff;
	v22 =	vadd.f32 v5, v8;
	v8 =	vsub.f32 v16, v9  }
0x5ce: {  	v5 =	vld.idx.msk [tilespmem:v52+s5+$0x0], $0xffff;
	[tilespmem:v42+s12+$0x0] =	vst.idx.msk $0xffff, v1  }
0x5cf: {  	v6 =	vadd.f32 v6, v18;
	v14 =	vld.idx.msk [tilespmem:v47+s9+$0x0], $0xffff;
	[tilespmem:v30+s12+$0x0] =	vst.idx.msk $0xffff, v8;
	v1 =	vmul.f32 v15, v61  }
0x5d0: {  	v12 =	vmul.f32 v17, v61;
	v15 =	vmul.f32 v15, v62;
	v13 =	vld.idx.msk [tilespmem:v2+s5+$0x0], $0xffff;
	[tilespmem:$0x1FB60] =	vst v36  }
0x5d1: {  	[tilespmem:v49+s12+$0x0] =	vst.idx.msk $0xffff, v6  }
0x5d2: {  	v15 =	vadd.f32 v12, v15;
	v12 =	vld [tilespmem:$0x1FB80];
	_ =	sdelay $0x2  }
0x5d3: {  	v9 =	vmul.f32 v17, v62;
	_ =	sdelay $0x1  }
0x5d4: {  	v1 =	vsub.f32 v1, v9  }
0x5d5: {  	v17 =	vld.idx.msk [tilespmem:v36+s9+$0x0], $0xffff;
	[tilespmem:$0x1FB70] =	vst v48  }
0x5d6: {  	[tilespmem:v34+s23+$0x0] =	vst.idx.msk $0xffff, v1  }
0x5d7: {  	[tilespmem:v12+s23+$0x0] =	vst.idx.msk $0xffff, v4  }
0x5d8: {  	v2 =	vld [tilespmem:$0x1FB90];
	[tilespmem:v31+s23+$0x0] =	vst.idx.msk $0xffff, v15  }
0x5d9: {  	v4 =	vld [tilespmem:$0x1FBB0];
	_ =	sdelay $0x1  }
0x5da: {  	v56 =	vmov v55  }
0x5db: {  	v55 =	vmov v23;
	v23 =	vld.idx.msk [tilespmem:v48+s9+$0x0], $0xffff  }
0x5dc: {  	v7 =	vld.idx.msk [tilespmem:v50+s9+$0x0], $0xffff  }
0x5dd: {  	v46 =	vmovc v29;
	v3 =	vmov v52;
	v6 =	vmul.f32 v5, v33;
	v36 =	vmul.f32 v14, v41;
	v16 =	vld.idx.msk [tilespmem:v45+s9+$0x0], $0xffff  }
0x5de: {  	v52 =	vmovc v45;
	v1 =	vld.idx.msk [tilespmem:v58+s9+$0x0], $0xffff;
	v45 =	vmul.f32 v13, v59;
	v48 =	vmov v12;
	v12 =	vmul.f32 v5, v46  }
0x5df: {  	v5 =	vmul.f32 v13, v2;
	v13 =	vmul.f32 v14, v44;
	v14 =	vld.idx.msk [tilespmem:v56+s5+$0x0], $0xffff;
	[tilespmem:$0x1FBA0] =	vst v41  }
0x5e0: {  	[tilespmem:v4+s23+$0x0] =	vst.idx.msk $0xffff, v21  }
0x5e1: {  	v18 =	vmul.f32 v17, v44;
	v15 =	vmul.f32 v17, v41;
	v17 =	vld [tilespmem:$0x1FBC0];
	_ =	sdelay $0x1  }
0x5e2: {  	v27 =	vmov v28;
	_ =	sdelay $0x1  }
0x5e3: {  	v40 =	vmov v26;
	v54 =	vmov v43  }
0x5e4: {  	v29 =	vmovc v30;
	v28 =	vmovc v47;
	v26 =	vmov v50;
	v63 =	vmov v35;
	v43 =	vmov v34  }
0x5e5: {  	v35 =	vmovc v42;
	v47 =	vmovc v49;
	v42 =	vmov v56;
	v8 =	vmul.f32 v19, v46;
	v9 =	vmul.f32 v19, v33  }
0x5e6: {  	v30 =	vmovc v59;
	v59 =	vmov v44;
	v56 =	vmul.f32 v23, v51;
	v19 =	vsub.f32 v13, v15;
	v15 =	vld.idx.msk [tilespmem:v27+s5+$0x0], $0xffff  }
0x5e7: {  	v13 =	vmul.f32 v20, v2;
	v4 =	vld.idx.msk [tilespmem:v39+s5+$0x0], $0xffff;
	[tilespmem:v17+s23+$0x0] =	vst.idx.msk $0xffff, v22;
	v17 =	vmul.f32 v23, v25  }
0x5e8: {  	s30 =	simm.s32 $0x120;
	s29 =	simm.s32 $0xC0;
	v44 =	vmovc v20;
	v41 =	vmov v25;
	v23 =	vld.idx.msk [tilespmem:v37+s5+$0x0], $0xffff;
	v22 =	vmul.f32 v7, v25;
	v7 =	vmul.f32 v7, v51  }
.LBB2_9:
0x5e9: {  	v2 =	vmov v27  }
0x5ea: {  	v20 =	vmul.f32 v16, v54;
	v21 =	vmul.f32 v16, v53  }
0x5eb: {  	s22 =	sadd.s32 $0x40, s22;
	v27 =	vmul.f32 v1, v53;
	v1 =	vmul.f32 v1, v54;
	v18 =	vadd.f32 v18, v36;
	[tilespmem:$0x1F7E0] =	vst v2  }
0x5ec: {  	v36 =	vld [tilespmem:s22+$0xFFFFFFE0];
	[tilespmem:v38+s13+$0x0] =	vst.idx.msk $0xffff, v19;
	v2 =	vmov v26  }
0x5ed: {  	[tilespmem:v63+s13+$0x0] =	vst.idx.msk $0xffff, v18;
	v18 =	vsub.f32 v20, v27;
	v20 =	vadd.f32 v1, v21;
	v1 =	vld [tilespmem:$0x1FA80];
	_ =	sdelay $0x1  }
0x5ee: {  	v34 =	vld [tilespmem:s30+$0x10];
	[tilespmem:$0x1FA70] =	vst v2;
	v2 =	vmov v60  }
0x5ef: {  	v25 =	vld [tilespmem:$0x1FAC0]  }
0x5f0: {  	v24 =	vld [tilespmem:s22+$0x10]  }
0x5f1: {  	v7 =	vadd.f32 v7, v17;
	v17 =	vld [tilespmem:$0x1FAB0];
	[tilespmem:$0x1F7F0] =	vst v2;
	v2 =	vmov v1;
	v1 =	vmov v52  }
0x5f2: {  	v22 =	vsub.f32 v56, v22;
	[tilespmem:$0x1FA80] =	vst v1;
	v1 =	vld [tilespmem:$0x1FB50]  }
0x5f3: {  	v56 =	vld [tilespmem:s30+$0xFFFFFFF0]  }
0x5f4: {  	s24 =	sadd.s32 $0x40, s24;
	v26 =	vld [tilespmem:s22+$0xFFFFFFF0];
	[tilespmem:v55+s13+$0x0] =	vst.idx.msk $0xffff, v22;
	v21 =	vmul.f32 v4, v61  }
0x5f5: {  	v22 =	vmul.f32 v23, v62;
	[tilespmem:v35+s13+$0x0] =	vst.idx.msk $0xffff, v7;
	v7 =	vmul.f32 v23, v61;
	v23 =	vld [tilespmem:s24+$0x10]  }
0x5f6: {  	v4 =	vmul.f32 v4, v62;
	v52 =	vld [tilespmem:s30+$0x0]  }
0x5f7: {  	s25 =	sadd.s32 $0x40, s25;
	[tilespmem:v29+s13+$0x0] =	vst.idx.msk $0xffff, v18;
	v18 =	vsub.f32 v21, v22;
	v27 =	vmov v1;
	v1 =	vld [tilespmem:$0x1FA90]  }
0x5f8: {  	v19 =	vmul.f32 v14, v17;
	v4 =	vadd.f32 v7, v4;
	v22 =	vld [tilespmem:s25+$0x10]  }
0x5f9: {  	v7 =	vmul.f32 v15, v17;
	v21 =	vmul.f32 v15, v25;
	v15 =	vld.idx.msk [tilespmem:v34+s31+$0x0], $0xffff;
	[tilespmem:v43+s2+$0x0] =	vst.idx.msk $0xffff, v18  }
0x5fa: {  	v18 =	vld.idx.msk [tilespmem:v24+s31+$0x0], $0xffff;
	[tilespmem:v31+s2+$0x0] =	vst.idx.msk $0xffff, v4;
	v4 =	vsub.f32 v6, v8  }
0x5fb: {  	[tilespmem:$0x1FB40] =	vst v2;
	v6 =	vadd.f32 v9, v12;
	v9 =	vsub.f32 v19, v21;
	v19 =	vld [tilespmem:$0x1FA50]  }
0x5fc: {  	[tilespmem:v32+s2+$0x0] =	vst.idx.msk $0xffff, v4;
	v4 =	vsub.f32 v13, v45;
	v13 =	vld [tilespmem:$0x1F9B0];
	v2 =	vmov v1;
	v1 =	vmov v58  }
0x5fd: {  	[tilespmem:$0x1FA90] =	vst v1;
	v1 =	vld [tilespmem:$0x1F9A0]  }
0x5fe: {  	v14 =	vmul.f32 v14, v25;
	_ =	sdelay $0x1  }
0x5ff: {  	v7 =	vadd.f32 v7, v14;
	v14 =	vld.idx.msk [tilespmem:v37+s11+$0x0], $0xffff  }
0x600: {  	v37 =	vmov v24;
	v24 =	vld [tilespmem:$0x1F9D0];
	[tilespmem:v57+s2+$0x0] =	vst.idx.msk $0xffff, v6;
	v6 =	vmul.f32 v10, v13  }
0x601: {  	v12 =	vmul.f32 v19, v1;
	v10 =	vmul.f32 v10, v1;
	v1 =	vld [tilespmem:$0x1F9C0];
	_ =	sdelay $0x1  }
0x602: {  	[tilespmem:$0x1F7D0] =	vst v42  }
0x603: {  	[tilespmem:v47+s13+$0x0] =	vst.idx.msk $0xffff, v20  }
0x604: {  	v42 =	vmov v55;
	v8 =	vld.idx.msk [tilespmem:v39+s11+$0x0], $0xffff;
	[tilespmem:v40+s2+$0x0] =	vst.idx.msk $0xffff, v9  }
0x605: {  	v55 =	vld [tilespmem:$0x1F9F0];
	[tilespmem:v48+s2+$0x0] =	vst.idx.msk $0xffff, v7;
	v7 =	vmul.f32 v0, v24;
	v20 =	vmul.f32 v0, v1;
	v0 =	vmov v3  }
0x606: {  	[tilespmem:$0x1F7C0] =	vst v0;
	v0 =	vld [tilespmem:$0x1F8C0]  }
0x607: {  	[tilespmem:$0x1FB50] =	vst v2;
	v2 =	vmul.f32 v44, v30;
	v44 =	vld [tilespmem:$0x1FAF0]  }
0x608: {  	v3 =	vld [tilespmem:$0x1FB30]  }
0x609: {  	s26 =	sadd.s32 $0x40, s26;
	v9 =	vmul.f32 v19, v13;
	v13 =	vmul.f32 v11, v1;
	v1 =	vld [tilespmem:$0x1F9E0]  }
0x60a: {  	v16 =	vmovc v47;
	v45 =	vmul.f32 v8, v61;
	v47 =	vmul.f32 v14, v62;
	v2 =	vadd.f32 v5, v2;
	v5 =	vld [tilespmem:s26+$0x10]  }
0x60b: {  	[tilespmem:$0x1F7B0] =	vst v29;
	v14 =	vmul.f32 v14, v61;
	v8 =	vmul.f32 v8, v62  }
0x60c: {  	[tilespmem:$0x1F800] =	vst v27;
	v27 =	vmul.f32 v15, v23;
	v58 =	vld [tilespmem:s22+$0x0]  }
0x60d: {  	v29 =	vmovc v40;
	v40 =	vmul.f32 v18, v22;
	v8 =	vadd.f32 v14, v8;
	v19 =	vld [tilespmem:s30+$0xFFFFFFE0];
	v14 =	vmul.f32 v3, v55  }
0x60e: {  	v3 =	vmul.f32 v3, v1;
	[tilespmem:v0+s2+$0x0] =	vst.idx.msk $0xffff, v4;
	v4 =	vmul.f32 v44, v1;
	v1 =	vld [tilespmem:$0x1F8E0];
	_ =	sdelay $0x1  }
0x60f: {  	s28 =	sadd.s32 $0x40, s28;
	v27 =	vsub.f32 v27, v40  }
0x610: {  	[tilespmem:$0x1F7A0] =	vst v35;
	v21 =	vld [tilespmem:s28+$0x10];
	v35 =	vsub.f32 v45, v47  }
0x611: {  	v15 =	vmul.f32 v15, v22;
	v49 =	vld [tilespmem:s24+$0xFFFFFFE0];
	[tilespmem:v5+s1+$0x0] =	vst.idx.msk $0xffff, v27  }
0x612: {  	v18 =	vmul.f32 v18, v23;
	v11 =	vmul.f32 v11, v24;
	v24 =	vld.idx.msk [tilespmem:v36+s31+$0x0], $0xffff;
	[tilespmem:v43+s21+$0x0] =	vst.idx.msk $0xffff, v35  }
0x613: {  	v6 =	vsub.f32 v12, v6;
	[tilespmem:v31+s21+$0x0] =	vst.idx.msk $0xffff, v8;
	v8 =	vadd.f32 v10, v9;
	v10 =	vld [tilespmem:s25+$0xFFFFFFE0]  }
0x614: {  	v15 =	vadd.f32 v18, v15;
	v18 =	vld.idx.msk [tilespmem:v19+s31+$0x0], $0xffff  }
0x615: {  	[tilespmem:v1+s21+$0x0] =	vst.idx.msk $0xffff, v6;
	v1 =	vld [tilespmem:$0x1F8F0];
	_ =	sdelay $0x6  }
0x616: {  	v50 =	vmov v28;
	v28 =	vld [tilespmem:$0x1F8D0]  }
0x617: {  	[tilespmem:v1+s21+$0x0] =	vst.idx.msk $0xffff, v8;
	v1 =	vld [tilespmem:$0x1FA00];
	_ =	sdelay $0x5  }
0x618: {  	v12 =	vld.idx.msk [tilespmem:v26+s31+$0x0], $0xffff;
	v7 =	vsub.f32 v13, v7  }
0x619: {  	v45 =	vmov v5;
	v5 =	vld [tilespmem:s24+$0xFFFFFFF0];
	[tilespmem:v28+s2+$0x0] =	vst.idx.msk $0xffff, v2  }
0x61a: {  	v2 =	vld.idx.msk [tilespmem:v56+s31+$0x0], $0xffff;
	[tilespmem:v1+s21+$0x0] =	vst.idx.msk $0xffff, v7;
	v1 =	vmov v46  }
0x61b: {  	[tilespmem:$0x1F9B0] =	vst v1;
	v1 =	vld [tilespmem:$0x1F8B0];
	_ =	sdelay $0x5  }
0x61c: {  	v11 =	vadd.f32 v20, v11;
	_ =	sdelay $0x1  }
0x61d: {  	[tilespmem:v1+s21+$0x0] =	vst.idx.msk $0xffff, v11;
	v1 =	vld [tilespmem:$0x1FBA0];
	_ =	sdelay $0x4  }
0x61e: {  	v46 =	vmov v1;
	v1 =	vmov v25  }
0x61f: {  	[tilespmem:$0x1F9D0] =	vst v1;
	v1 =	vld [tilespmem:$0x1FA10];
	_ =	sdelay $0x4  }
0x620: {  	v39 =	vmov v34;
	v34 =	vld.idx.msk [tilespmem:v52+s31+$0x0], $0xffff  }
0x621: {  	v61 =	vmov v23;
	v23 =	vld.idx.msk [tilespmem:v58+s31+$0x0], $0xffff;
	v4 =	vsub.f32 v4, v14  }
0x622: {  	v11 =	vld [tilespmem:s24+$0x0]  }
0x623: {  	[tilespmem:v1+s21+$0x0] =	vst.idx.msk $0xffff, v4;
	v1 =	vld [tilespmem:$0x1FA30];
	_ =	sdelay $0x3  }
0x624: {  	v9 =	vmul.f32 v44, v55;
	_ =	sdelay $0x1  }
0x625: {  	[tilespmem:v21+s1+$0x0] =	vst.idx.msk $0xffff, v15;
	v3 =	vadd.f32 v3, v9  }
0x626: {  	v15 =	vmul.f32 v24, v10;
	v44 =	vmovc v49;
	v6 =	vmul.f32 v24, v49;
	v49 =	vmov v10;
	v10 =	vld [tilespmem:s25+$0x0]  }
0x627: {  	[tilespmem:v1+s21+$0x0] =	vst.idx.msk $0xffff, v3;
	v1 =	vld [tilespmem:$0x1FB90];
	_ =	sdelay $0x2  }
0x628: {  	v13 =	vld.idx.msk [tilespmem:v39+s3+$0x0], $0xffff  }
0x629: {  	v9 =	vld.idx.msk [tilespmem:v37+s3+$0x0], $0xffff  }
0x62a: {  	v14 =	vmov v1;
	v1 =	vld [tilespmem:$0x1FB00]  }
0x62b: {  	v25 =	vld [tilespmem:s25+$0xFFFFFFF0]  }
0x62c: {  	v27 =	vmov v51;
	v51 =	vmov v5;
	v7 =	vmov v17;
	v5 =	vld [tilespmem:s26+$0xFFFFFFF0]  }
0x62d: {  	[tilespmem:$0x1F9C0] =	vst v7;
	v7 =	vmul.f32 v18, v44  }
0x62e: {  	v62 =	vmov v22;
	v31 =	vmov v21;
	v55 =	vmov v19  }
0x62f: {  	v8 =	vmovc v33;
	v7 =	vsub.f32 v7, v15;
	v4 =	vmul.f32 v18, v49;
	[tilespmem:$0x1F9E0] =	vst v14;
	v3 =	vmov v1  }
0x630: {  	v15 =	vmovc v57;
	v19 =	vmul.f32 v12, v25;
	v18 =	vmul.f32 v2, v51;
	v1 =	vmov v30;
	[tilespmem:$0x1FB90] =	vst v3;
	v3 =	vld [tilespmem:s26+$0xFFFFFFE0]  }
0x631: {  	v4 =	vadd.f32 v6, v4;
	v6 =	vmul.f32 v13, v61;
	v14 =	vmul.f32 v9, v62;
	[tilespmem:$0x1F9F0] =	vst v1;
	v1 =	vld [tilespmem:$0x1FB10]  }
0x632: {  	[tilespmem:$0x1F8F0] =	vst v15;
	v15 =	vld [tilespmem:s28+$0xFFFFFFF0];
	v13 =	vmul.f32 v13, v62;
	v22 =	vsub.f32 v18, v19;
	v9 =	vmul.f32 v9, v61  }
0x633: {  	[tilespmem:$0x1F9A0] =	vst v8;
	v43 =	vmov v11;
	v11 =	vmul.f32 v12, v51;
	v12 =	vld [tilespmem:s26+$0x0];
	v6 =	vsub.f32 v6, v14  }
0x634: {  	v33 =	vmov v53;
	[tilespmem:v5+s1+$0x0] =	vst.idx.msk $0xffff, v22;
	v53 =	vmov v10;
	v10 =	vld [tilespmem:s28+$0x0];
	v9 =	vadd.f32 v9, v13  }
0x635: {  	[tilespmem:v45+s4+$0x0] =	vst.idx.msk $0xffff, v6  }
0x636: {  	v2 =	vmul.f32 v2, v25;
	[tilespmem:v31+s4+$0x0] =	vst.idx.msk $0xffff, v9;
	v8 =	vmov v1;
	v1 =	vmov v32  }
0x637: {  	v13 =	vmul.f32 v34, v43;
	v14 =	vmul.f32 v23, v53;
	v9 =	vld.idx.msk [tilespmem:v50+s6+$0x0], $0xffff;
	[tilespmem:$0x1F970] =	vst v8  }
0x638: {  	v2 =	vadd.f32 v11, v2;
	v20 =	vmul.f32 v34, v53;
	v6 =	vmul.f32 v23, v43;
	[tilespmem:$0x1F8E0] =	vst v1;
	v8 =	vld [tilespmem:s28+$0xFFFFFFE0]  }
0x639: {  	v11 =	vld.idx.msk [tilespmem:v39+s7+$0x0], $0xffff;
	v47 =	vmov v3;
	v1 =	vmov v29;
	[tilespmem:v3+s1+$0x0] =	vst.idx.msk $0xffff, v7;
	v3 =	vsub.f32 v13, v14  }
0x63a: {  	v6 =	vadd.f32 v6, v20;
	v7 =	vld.idx.msk [tilespmem:v37+s7+$0x0], $0xffff;
	[tilespmem:$0x1FA00] =	vst v1  }
0x63b: {  	[tilespmem:v12+s1+$0x0] =	vst.idx.msk $0xffff, v3  }
0x63c: {  	v1 =	vmov v0;
	[tilespmem:v10+s1+$0x0] =	vst.idx.msk $0xffff, v6  }
0x63d: {  	v0 =	vmov v28;
	[tilespmem:$0x1FA10] =	vst v1  }
0x63e: {  	v21 =	vmov v59;
	v13 =	vmov v16;
	[tilespmem:$0x1FA30] =	vst v0;
	v0 =	vld [tilespmem:$0x1FBC0]  }
0x63f: {  	v17 =	vmovc v54;
	v54 =	vld [tilespmem:$0x1FB60];
	v59 =	vmov v10;
	v10 =	vmul.f32 v11, v61;
	[tilespmem:$0x1FBC0] =	vst v13;
	v13 =	vmul.f32 v7, v62  }
0x640: {  	v60 =	vmov v8;
	v1 =	vld [tilespmem:$0x1FBB0];
	[tilespmem:v8+s1+$0x0] =	vst.idx.msk $0xffff, v4;
	v8 =	vmov v48  }
0x641: {  	[tilespmem:$0x1F8B0] =	vst v8;
	v8 =	vld [tilespmem:$0x1F7A0];
	v10 =	vsub.f32 v10, v13  }
0x642: {  	v40 =	vmov v42;
	v42 =	vmov v5;
	[tilespmem:v15+s1+$0x0] =	vst.idx.msk $0xffff, v2;
	v5 =	vld.idx.msk [tilespmem:v36+s3+$0x0], $0xffff  }
0x643: {  	v2 =	vmov v0;
	[tilespmem:v45+s8+$0x0] =	vst.idx.msk $0xffff, v10;
	v10 =	vld [tilespmem:$0x1FA80]  }
0x644: {  	[tilespmem:$0x1F8D0] =	vst v2;
	v2 =	vld.idx.msk [tilespmem:v56+s3+$0x0], $0xffff  }
0x645: {  	v23 =	vmov v56;
	v56 =	vld [tilespmem:$0x1FB40]  }
0x646: {  	v19 =	vmov v8;
	v8 =	vld.idx.msk [tilespmem:v55+s3+$0x0], $0xffff  }
0x647: {  	v35 =	vmov v41;
	v41 =	vmov v12;
	v12 =	vld.idx.msk [tilespmem:v26+s3+$0x0], $0xffff  }
0x648: {  	v18 =	vmov v1;
	v1 =	vld [tilespmem:$0x1F7B0]  }
0x649: {  	v11 =	vmul.f32 v11, v62;
	v7 =	vmul.f32 v7, v61;
	[tilespmem:$0x1F8C0] =	vst v18  }
0x64a: {  	v30 =	vld [tilespmem:$0x1FA70];
	v18 =	vmul.f32 v5, v49;
	[tilespmem:$0x1FB80] =	vst v19;
	v19 =	vmul.f32 v2, v51  }
0x64b: {  	v32 =	vmovc v38;
	v38 =	vmovc v63;
	v63 =	vld [tilespmem:$0x1FB70];
	v48 =	vmov v15;
	v2 =	vmul.f32 v2, v25;
	v15 =	vmul.f32 v8, v44  }
0x64c: {  	v7 =	vadd.f32 v7, v11;
	v20 =	vld.idx.msk [tilespmem:v10+s6+$0x0], $0xffff;
	v10 =	vmul.f32 v12, v25;
	v12 =	vmul.f32 v12, v51  }
0x64d: {  	v6 =	vld.idx.msk [tilespmem:v52+s3+$0x0], $0xffff;
	v5 =	vmul.f32 v5, v44;
	v14 =	vmovc v1;
	v1 =	vmov v36;
	v8 =	vmul.f32 v8, v49  }
0x64e: {  	[tilespmem:v31+s8+$0x0] =	vst.idx.msk $0xffff, v7;
	v15 =	vsub.f32 v15, v18;
	v12 =	vadd.f32 v12, v2;
	v2 =	vld.idx.msk [tilespmem:v56+s5+$0x0], $0xffff  }
0x64f: {  	v4 =	vld.idx.msk [tilespmem:v54+s6+$0x0], $0xffff;
	[tilespmem:$0x1FBB0] =	vst v14;
	v5 =	vadd.f32 v5, v8  }
0x650: {  	v7 =	vld [tilespmem:$0x1FA90];
	[tilespmem:v47+s4+$0x0] =	vst.idx.msk $0xffff, v15  }
0x651: {  	v14 =	vld.idx.msk [tilespmem:v58+s3+$0x0], $0xffff;
	[tilespmem:v60+s4+$0x0] =	vst.idx.msk $0xffff, v5  }
0x652: {  	v15 =	vld.idx.msk [tilespmem:v1+s7+$0x0], $0xffff  }
0x653: {  	[tilespmem:$0x1F820] =	vst v2;
	v2 =	vld [tilespmem:$0x1FB50]  }
0x654: {  	v0 =	vmov v26;
	v26 =	vmov v1;
	v1 =	vld [tilespmem:$0x1FA20];
	_ =	sdelay $0x1  }
0x655: {  	v13 =	vld.idx.msk [tilespmem:v63+s6+$0x0], $0xffff  }
0x656: {  	[tilespmem:$0x1F810] =	vst v50;
	v11 =	vld.idx.msk [tilespmem:v30+s6+$0x0], $0xffff  }
0x657: {  	v22 =	vld.idx.msk [tilespmem:v37+s10+$0x0], $0xffff;
	v18 =	vmul.f32 v6, v43;
	v10 =	vsub.f32 v19, v10;
	v8 =	vmul.f32 v14, v53  }
0x658: {  	[tilespmem:$0x1FAB0] =	vst v27;
	v3 =	vmul.f32 v9, v21;
	v36 =	vmov v21;
	v21 =	vld.idx.msk [tilespmem:v39+s10+$0x0], $0xffff;
	v6 =	vmul.f32 v6, v53  }
0x659: {  	v7 =	vld.idx.msk [tilespmem:v7+s6+$0x0], $0xffff;
	[tilespmem:v42+s4+$0x0] =	vst.idx.msk $0xffff, v10;
	v10 =	vmul.f32 v4, v46;
	v8 =	vsub.f32 v18, v8  }
0x65a: {  	v14 =	vmul.f32 v14, v43;
	[tilespmem:v48+s4+$0x0] =	vst.idx.msk $0xffff, v12;
	v12 =	vmul.f32 v13, v27;
	v50 =	vld.idx.msk [tilespmem:v2+s5+$0x0], $0xffff  }
0x65b: {  	[tilespmem:v41+s4+$0x0] =	vst.idx.msk $0xffff, v8;
	v8 =	vmul.f32 v11, v27;
	v27 =	vsub.f32 v3, v10;
	v10 =	vld.idx.msk [tilespmem:v1+s11+$0x0], $0xffff  }
0x65c: {  	v1 =	vld [tilespmem:$0x1F7D0]  }
0x65d: {  	v6 =	vadd.f32 v14, v6  }
0x65e: {  	v18 =	vmul.f32 v11, v35;
	v19 =	vld.idx.msk [tilespmem:v23+s7+$0x0], $0xffff;
	v5 =	vmov v23  }
0x65f: {  	v23 =	vld.idx.msk [tilespmem:v0+s7+$0x0], $0xffff;
	v11 =	vmul.f32 v22, v62;
	[tilespmem:v59+s4+$0x0] =	vst.idx.msk $0xffff, v6;
	v6 =	vmul.f32 v21, v61  }
0x660: {  	v2 =	vmov v0;
	v22 =	vmul.f32 v22, v61;
	v0 =	vld [tilespmem:$0x1F7C0];
	v21 =	vmul.f32 v21, v62  }
0x661: {  	v6 =	vsub.f32 v6, v11  }
0x662: {  	v11 =	vadd.f32 v22, v21  }
0x663: {  	[tilespmem:v45+s12+$0x0] =	vst.idx.msk $0xffff, v6  }
0x664: {  	[tilespmem:v31+s12+$0x0] =	vst.idx.msk $0xffff, v11;
	v11 =	vld.idx.msk [tilespmem:v1+s11+$0x0], $0xffff  }
0x665: {  	v1 =	vld [tilespmem:$0x1F7F0];
	_ =	sdelay $0x1  }
0x666: {  	v14 =	vld.idx.msk [tilespmem:v55+s7+$0x0], $0xffff  }
0x667: {  	v0 =	vld.idx.msk [tilespmem:v0+s11+$0x0], $0xffff;
	_ =	sdelay $0x4  }
0x668: {  	v57 =	vmul.f32 v14, v44;
	[tilespmem:$0x1FA50] =	vst v0;
	v0 =	vmul.f32 v15, v49;
	v1 =	vld.idx.msk [tilespmem:v1+s11+$0x0], $0xffff;
	_ =	sdelay $0x1  }
0x669: {  	v24 =	vld.idx.msk [tilespmem:v52+s7+$0x0], $0xffff;
	v6 =	vmul.f32 v19, v51;
	v21 =	vsub.f32 v57, v0;
	v0 =	vmul.f32 v23, v25  }
0x66a: {  	v3 =	vld.idx.msk [tilespmem:v58+s7+$0x0], $0xffff  }
0x66b: {  	v6 =	vsub.f32 v6, v0;
	v0 =	vld [tilespmem:$0x1F7E0]  }
0x66c: {  	[tilespmem:$0x1FAF0] =	vst v1;
	v1 =	vld [tilespmem:$0x1F800];
	_ =	sdelay $0x1  }
0x66d: {  	[tilespmem:$0x1FAC0] =	vst v35;
	v14 =	vmul.f32 v14, v49;
	v15 =	vmul.f32 v15, v44  }
0x66e: {  	[tilespmem:$0x1FB00] =	vst v17;
	v29 =	vmul.f32 v3, v53;
	v3 =	vmul.f32 v3, v43  }
0x66f: {  	v28 =	vld.idx.msk [tilespmem:v37+s9+$0x0], $0xffff;
	v14 =	vadd.f32 v15, v14;
	v15 =	vmul.f32 v24, v43;
	v24 =	vmul.f32 v24, v53  }
0x670: {  	v22 =	vmul.f32 v23, v51;
	v19 =	vmul.f32 v19, v25;
	v23 =	vld.idx.msk [tilespmem:v39+s9+$0x0], $0xffff;
	[tilespmem:v47+s8+$0x0] =	vst.idx.msk $0xffff, v21  }
0x671: {  	[tilespmem:v60+s8+$0x0] =	vst.idx.msk $0xffff, v14;
	v14 =	vsub.f32 v15, v29;
	v15 =	vadd.f32 v3, v24;
	v3 =	vld [tilespmem:$0x1F810]  }
0x672: {  	v9 =	vmul.f32 v9, v46;
	v4 =	vmul.f32 v4, v36;
	v16 =	vadd.f32 v22, v19;
	v0 =	vld.idx.msk [tilespmem:v0+s11+$0x0], $0xffff  }
0x673: {  	v13 =	vmul.f32 v13, v35;
	v34 =	vmul.f32 v20, v17;
	[tilespmem:v42+s8+$0x0] =	vst.idx.msk $0xffff, v6;
	v1 =	vld.idx.msk [tilespmem:v1+s11+$0x0], $0xffff  }
0x674: {  	v35 =	vmul.f32 v7, v33;
	v4 =	vadd.f32 v4, v9;
	v9 =	vld.idx.msk [tilespmem:v26+s10+$0x0], $0xffff;
	[tilespmem:v48+s8+$0x0] =	vst.idx.msk $0xffff, v16  }
0x675: {  	v7 =	vmul.f32 v7, v17;
	v12 =	vsub.f32 v12, v18;
	v13 =	vadd.f32 v8, v13;
	v8 =	vld.idx.msk [tilespmem:v5+s10+$0x0], $0xffff  }
0x676: {  	v16 =	vmul.f32 v28, v62;
	v17 =	vld.idx.msk [tilespmem:v2+s10+$0x0], $0xffff;
	[tilespmem:v41+s8+$0x0] =	vst.idx.msk $0xffff, v14;
	v14 =	vmul.f32 v23, v61  }
0x677: {  	v18 =	vmul.f32 v23, v62;
	[tilespmem:v59+s8+$0x0] =	vst.idx.msk $0xffff, v15;
	v15 =	vmul.f32 v28, v61  }
0x678: {  	v6 =	vmul.f32 v20, v33;
	v14 =	vsub.f32 v14, v16;
	[tilespmem:$0x1FB30] =	vst v1;
	v1 =	vld.idx.msk [tilespmem:v55+s10+$0x0], $0xffff  }
0x679: {  	v22 =	vmov v54;
	[tilespmem:v40+s23+$0x0] =	vst.idx.msk $0xffff, v12;
	v15 =	vadd.f32 v15, v18  }
0x67a: {  	v7 =	vadd.f32 v7, v6;
	v6 =	vmul.f32 v9, v49;
	v19 =	vld.idx.msk [tilespmem:v52+s10+$0x0], $0xffff;
	[tilespmem:v45+s13+$0x0] =	vst.idx.msk $0xffff, v14  }
0x67b: {  	v16 =	vld.idx.msk [tilespmem:v58+s10+$0x0], $0xffff;
	v18 =	vmul.f32 v8, v51;
	v24 =	vmul.f32 v17, v25;
	[tilespmem:v31+s13+$0x0] =	vst.idx.msk $0xffff, v15  }
0x67c: {  	v9 =	vmul.f32 v9, v44;
	v12 =	vmul.f32 v17, v51;
	[tilespmem:v32+s23+$0x0] =	vst.idx.msk $0xffff, v27;
	v21 =	vld.idx.msk [tilespmem:v39+s6+$0x0], $0xffff  }
0x67d: {  	v18 =	vsub.f32 v18, v24;
	[tilespmem:v38+s23+$0x0] =	vst.idx.msk $0xffff, v4;
	v17 =	vld.idx.msk [tilespmem:v37+s6+$0x0], $0xffff;
	v4 =	vmul.f32 v1, v44  }
0x67e: {  	[tilespmem:$0x1FA20] =	vst v22;
	v8 =	vmul.f32 v8, v25;
	v14 =	vld.idx.msk [tilespmem:v3+s5+$0x0], $0xffff;
	v1 =	vmul.f32 v1, v49  }
0x67f: {  	v15 =	vld.idx.msk [tilespmem:v54+s5+$0x0], $0xffff;
	[tilespmem:v42+s12+$0x0] =	vst.idx.msk $0xffff, v18;
	v4 =	vsub.f32 v4, v6;
	v6 =	vmov v26  }
0x680: {  	v22 =	vmul.f32 v16, v53;
	v1 =	vadd.f32 v9, v1;
	v9 =	vmul.f32 v19, v43;
	[tilespmem:$0x1FB60] =	vst v6  }
0x681: {  	v16 =	vmul.f32 v16, v43;
	v19 =	vmul.f32 v19, v53;
	[tilespmem:v47+s12+$0x0] =	vst.idx.msk $0xffff, v4  }
0x682: {  	v4 =	vadd.f32 v12, v8;
	v8 =	vmov v5;
	[tilespmem:v60+s12+$0x0] =	vst.idx.msk $0xffff, v1;
	v1 =	vsub.f32 v9, v22  }
0x683: {  	v6 =	vmul.f32 v14, v36;
	v12 =	vadd.f32 v16, v19;
	v16 =	vmul.f32 v17, v62;
	[tilespmem:$0x1FB70] =	vst v8  }
0x684: {  	[tilespmem:v41+s12+$0x0] =	vst.idx.msk $0xffff, v1;
	v1 =	vmul.f32 v17, v61;
	v17 =	vmul.f32 v21, v62  }
0x685: {  	v8 =	vmul.f32 v15, v46;
	v9 =	vmul.f32 v15, v36;
	v15 =	vld.idx.msk [tilespmem:v26+s9+$0x0], $0xffff;
	[tilespmem:v48+s12+$0x0] =	vst.idx.msk $0xffff, v4  }
0x686: {  	[tilespmem:v59+s12+$0x0] =	vst.idx.msk $0xffff, v12;
	v12 =	vmul.f32 v14, v46;
	v14 =	vadd.f32 v1, v17;
	v1 =	vld [tilespmem:$0x1FB80]  }
0x687: {  	v4 =	vmul.f32 v21, v61;
	v21 =	vld.idx.msk [tilespmem:v2+s9+$0x0], $0xffff  }
0x688: {  	v26 =	vmov v2;
	v2 =	vld [tilespmem:$0x1FB90]  }
0x689: {  	v17 =	vld [tilespmem:$0x1F820];
	_ =	sdelay $0x3  }
0x68a: {  	v22 =	vld.idx.msk [tilespmem:v5+s9+$0x0], $0xffff  }
0x68b: {  	v5 =	vmul.f32 v50, v2;
	[tilespmem:v1+s23+$0x0] =	vst.idx.msk $0xffff, v13;
	v13 =	vmul.f32 v17, v2;
	v2 =	vld [tilespmem:$0x1FBB0];
	_ =	sdelay $0x3  }
0x68c: {  	v19 =	vld.idx.msk [tilespmem:v55+s9+$0x0], $0xffff;
	v4 =	vsub.f32 v4, v16  }
0x68d: {  	v16 =	vld.idx.msk [tilespmem:v52+s9+$0x0], $0xffff  }
0x68e: {  	v20 =	vsub.f32 v34, v35;
	[tilespmem:v45+s23+$0x0] =	vst.idx.msk $0xffff, v4;
	v4 =	vld [tilespmem:$0x1F970]  }
0x68f: {  	v35 =	vmov v48;
	v48 =	vmov v1;
	v1 =	vld.idx.msk [tilespmem:v58+s9+$0x0], $0xffff  }
0x690: {  	[tilespmem:v2+s23+$0x0] =	vst.idx.msk $0xffff, v20;
	v2 =	vld [tilespmem:$0x1FBC0]  }
0x691: {  	v23 =	vmov v63  }
0x692: {  	s29 =	sadd.s32 $0x40, s29;
	[tilespmem:$0x1FB10] =	vst v33;
	v57 =	vmovc v38;
	v29 =	vmovc v41;
	v33 =	vmov v36;
	v63 =	vmov v60;
	v28 =	vmov v55  }
0x693: {  	p0 =	slt.u32 s29, $0x3C0;
	[tilespmem:$0x1FBA0] =	vst v49;
	v27 =	vmovc v30;
	v38 =	vmovc v47;
	v54 =	vmov v43;
	v43 =	vmov v45;
	v47 =	vmov v59  }
.Ltmp4:
0x694: {  	v60 =	vmov v56;
	v24 =	vmul.f32 v19, v44;
	v36 =	vmul.f32 v19, v49;
	[tilespmem:v31+s23+$0x0] =	vst.idx.msk $0xffff, v14;
	(pc) =	sbr.rel @p0 .LBB2_9-.Ltmp4, $4  }
0x695: {  	v55 =	vmovc v42;
	v19 =	vmul.f32 v15, v49;
	v30 =	vmov v4;
	v45 =	vmul.f32 v50, v4;
	v4 =	vld.idx.msk [tilespmem:v39+s5+$0x0], $0xffff  }
0x696: {  	v42 =	vmovc v23;
	v41 =	vmov v25;
	v18 =	vmul.f32 v15, v44;
	v56 =	vmul.f32 v22, v51;
	v14 =	vld.idx.msk [tilespmem:v23+s5+$0x0], $0xffff  }
0x697: {  	v59 =	vmovc v44;
	v19 =	vsub.f32 v24, v19;
	v44 =	vmov v17;
	v17 =	vmul.f32 v22, v25;
	v23 =	vld.idx.msk [tilespmem:v37+s5+$0x0], $0xffff  }
0x698: {  	s30 =	sadd.s32 $0x40, s30;
	v22 =	vmul.f32 v21, v25;
	v15 =	vld.idx.msk [tilespmem:v27+s5+$0x0], $0xffff;
	[tilespmem:v2+s23+$0x0] =	vst.idx.msk $0xffff, v7;
	v7 =	vmul.f32 v21, v51  }
0x699: {  	_ =	sdelay $0x2  }
0x69a: {  	v20 =	vmul.f32 v4, v61;
	v21 =	vmul.f32 v23, v62  }
0x69b: {  	v34 =	vmul.f32 v4, v62;
	v25 =	vmul.f32 v23, v61  }
0x69c: {  	v20 =	vsub.f32 v20, v21  }
0x69d: {  	v4 =	vadd.f32 v25, v34  }
0x69e: {  	[tilespmem:v43+s2+$0x0] =	vst.idx.msk $0xffff, v20  }
0x69f: {  	[tilespmem:v31+s2+$0x0] =	vst.idx.msk $0xffff, v4  }
0x6a0: {  	v4 =	vld.idx.msk [tilespmem:v39+s11+$0x0], $0xffff  }
0x6a1: {  	v20 =	vld.idx.msk [tilespmem:v37+s11+$0x0], $0xffff;
	_ =	sdelay $0x4  }
0x6a2: {  	v37 =	vmul.f32 v4, v61;
	v39 =	vmul.f32 v20, v62;
	_ =	sdelay $0x1  }
0x6a3: {  	v21 =	vsub.f32 v37, v39;
	_ =	sdelay $0x1  }
0x6a4: {  	[tilespmem:v43+s21+$0x0] =	vst.idx.msk $0xffff, v21  }
0x6a5: {  	v43 =	vld [tilespmem:$0x1F9A0]  }
0x6a6: {  	v2 =	vld [tilespmem:$0x1FA50]  }
0x6a7: {  	v24 =	vld [tilespmem:$0x1F9B0];
	_ =	sdelay $0x1  }
0x6a8: {  	v20 =	vmul.f32 v20, v61;
	v4 =	vmul.f32 v4, v62;
	_ =	sdelay $0x1  }
0x6a9: {  	v4 =	vadd.f32 v20, v4  }
0x6aa: {  	v61 =	vmul.f32 v10, v43;
	v62 =	vmul.f32 v2, v24  }
0x6ab: {  	[tilespmem:v31+s21+$0x0] =	vst.idx.msk $0xffff, v4  }
0x6ac: {  	v4 =	vadd.f32 v61, v62;
	v61 =	vld [tilespmem:$0x1F8E0];
	_ =	sdelay $0x3  }
0x6ad: {  	v49 =	vmul.f32 v2, v43;
	v50 =	vmul.f32 v10, v24;
	_ =	sdelay $0x1  }
0x6ae: {  	v20 =	vsub.f32 v49, v50  }
0x6af: {  	v31 =	vld [tilespmem:$0x1F9C0]  }
0x6b0: {  	v39 =	vld [tilespmem:$0x1F9D0];
	[tilespmem:v61+s21+$0x0] =	vst.idx.msk $0xffff, v20  }
0x6b1: {  	v20 =	vld [tilespmem:$0x1F8F0];
	_ =	sdelay $0x7  }
0x6b2: {  	[tilespmem:v20+s21+$0x0] =	vst.idx.msk $0xffff, v4  }
0x6b3: {  	v4 =	vld [tilespmem:$0x1FA00];
	_ =	sdelay $0x3  }
0x6b4: {  	v37 =	vmul.f32 v11, v31;
	v43 =	vmul.f32 v0, v39;
	_ =	sdelay $0x1  }
0x6b5: {  	v62 =	vsub.f32 v37, v43;
	_ =	sdelay $0x1  }
0x6b6: {  	[tilespmem:v4+s21+$0x0] =	vst.idx.msk $0xffff, v62  }
0x6b7: {  	v4 =	vld [tilespmem:$0x1F8B0];
	_ =	sdelay $0x3  }
0x6b8: {  	v49 =	vmul.f32 v0, v31;
	v50 =	vmul.f32 v11, v39;
	_ =	sdelay $0x1  }
0x6b9: {  	v0 =	vadd.f32 v49, v50  }
0x6ba: {  	[tilespmem:v38+s13+$0x0] =	vst.idx.msk $0xffff, v19  }
0x6bb: {  	[tilespmem:v4+s21+$0x0] =	vst.idx.msk $0xffff, v0  }
0x6bc: {  	v19 =	vld [tilespmem:$0x1F9E0]  }
0x6bd: {  	v23 =	vadd.f32 v18, v36;
	v2 =	vld [tilespmem:$0x1FAF0]  }
0x6be: {  	v24 =	vsub.f32 v56, v22;
	v18 =	vld [tilespmem:$0x1F9F0]  }
0x6bf: {  	v7 =	vadd.f32 v7, v17;
	v31 =	vld [tilespmem:$0x1FB30];
	[tilespmem:v63+s13+$0x0] =	vst.idx.msk $0xffff, v23  }
0x6c0: {  	[tilespmem:v55+s13+$0x0] =	vst.idx.msk $0xffff, v24  }
0x6c1: {  	[tilespmem:v35+s13+$0x0] =	vst.idx.msk $0xffff, v7  }
0x6c2: {  	v56 =	vld [tilespmem:$0x1FA10];
	_ =	sdelay $0x3  }
0x6c3: {  	v37 =	vmul.f32 v2, v19;
	v39 =	vmul.f32 v31, v18;
	_ =	sdelay $0x1  }
0x6c4: {  	v25 =	vmul.f32 v16, v54;
	v43 =	vmul.f32 v1, v53;
	v50 =	vsub.f32 v37, v39;
	_ =	sdelay $0x1  }
0x6c5: {  	v0 =	vsub.f32 v25, v43;
	v25 =	vld [tilespmem:$0x1FAB0];
	[tilespmem:v56+s21+$0x0] =	vst.idx.msk $0xffff, v50  }
0x6c6: {  	v20 =	vld [tilespmem:$0x1FAC0];
	_ =	sdelay $0x1  }
0x6c7: {  	v36 =	vmul.f32 v16, v53;
	v49 =	vmul.f32 v1, v54;
	_ =	sdelay $0x1  }
0x6c8: {  	v34 =	vmov v33;
	v1 =	vadd.f32 v49, v36;
	v43 =	vsub.f32 v6, v8  }
0x6c9: {  	v33 =	vmov v54;
	v54 =	vmul.f32 v14, v25;
	[tilespmem:v29+s13+$0x0] =	vst.idx.msk $0xffff, v0;
	v61 =	vmul.f32 v15, v20  }
0x6ca: {  	v16 =	vadd.f32 v9, v12;
	v17 =	vmul.f32 v15, v25;
	v22 =	vld [tilespmem:$0x1FB60];
	[tilespmem:v47+s13+$0x0] =	vst.idx.msk $0xffff, v1  }
0x6cb: {  	v21 =	vld [tilespmem:$0x1FB70];
	[tilespmem:v32+s2+$0x0] =	vst.idx.msk $0xffff, v43;
	v36 =	vmul.f32 v14, v20;
	v4 =	vsub.f32 v54, v61  }
0x6cc: {  	[tilespmem:v57+s2+$0x0] =	vst.idx.msk $0xffff, v16  }
0x6cd: {  	v8 =	vadd.f32 v17, v36;
	[tilespmem:v40+s2+$0x0] =	vst.idx.msk $0xffff, v4  }
0x6ce: {  	v54 =	vld [tilespmem:$0x1FBA0]  }
0x6cf: {  	v61 =	vld [tilespmem:$0x1FA20];
	[tilespmem:v48+s2+$0x0] =	vst.idx.msk $0xffff, v8  }
0x6d0: {  	v37 =	vmul.f32 v31, v19;
	v19 =	vld [tilespmem:$0x1FA30];
	_ =	sdelay $0x1  }
0x6d1: {  	v62 =	vld.idx.msk [tilespmem:v28+s6+$0x0], $0xffff  }
0x6d2: {  	v0 =	vld.idx.msk [tilespmem:v26+s6+$0x0], $0xffff  }
0x6d3: {  	v2 =	vmul.f32 v2, v18;
	v49 =	vld.idx.msk [tilespmem:v22+s6+$0x0], $0xffff  }
0x6d4: {  	v39 =	vsub.f32 v13, v45;
	v13 =	vmov v40;
	v40 =	vld.idx.msk [tilespmem:v3+s11+$0x0], $0xffff  }
0x6d5: {  	v1 =	vadd.f32 v37, v2;
	v7 =	vld.idx.msk [tilespmem:v21+s6+$0x0], $0xffff  }
0x6d6: {  	v11 =	vld.idx.msk [tilespmem:v61+s11+$0x0], $0xffff  }
0x6d7: {  	v50 =	vmul.f32 v62, v59;
	[tilespmem:v19+s21+$0x0] =	vst.idx.msk $0xffff, v1  }
0x6d8: {  	v10 =	vmul.f32 v62, v54;
	v62 =	vmul.f32 v49, v54;
	v16 =	vld [tilespmem:$0x1F8C0]  }
0x6d9: {  	v36 =	vmul.f32 v0, v41;
	v6 =	vmul.f32 v49, v59  }
0x6da: {  	v43 =	vmul.f32 v40, v34;
	v31 =	vmul.f32 v7, v51;
	v3 =	vsub.f32 v50, v62  }
0x6db: {  	v6 =	vadd.f32 v6, v10;
	v45 =	vmul.f32 v11, v34;
	v11 =	vmul.f32 v11, v46  }
0x6dc: {  	v1 =	vsub.f32 v31, v36;
	[tilespmem:v38+s23+$0x0] =	vst.idx.msk $0xffff, v3  }
0x6dd: {  	v37 =	vld.idx.msk [tilespmem:v52+s6+$0x0], $0xffff;
	v4 =	vmul.f32 v40, v46;
	[tilespmem:v63+s23+$0x0] =	vst.idx.msk $0xffff, v6;
	v10 =	vsub.f32 v43, v11  }
0x6de: {  	v0 =	vmul.f32 v0, v51;
	v9 =	vld.idx.msk [tilespmem:v42+s11+$0x0], $0xffff;
	v7 =	vmul.f32 v7, v41;
	[tilespmem:v55+s23+$0x0] =	vst.idx.msk $0xffff, v1  }
0x6df: {  	v50 =	vld.idx.msk [tilespmem:v58+s6+$0x0], $0xffff;
	v56 =	vadd.f32 v45, v4;
	[tilespmem:v32+s21+$0x0] =	vst.idx.msk $0xffff, v10  }
0x6e0: {  	v0 =	vadd.f32 v0, v7;
	v3 =	vld.idx.msk [tilespmem:v27+s11+$0x0], $0xffff;
	[tilespmem:v16+s2+$0x0] =	vst.idx.msk $0xffff, v39  }
0x6e1: {  	v40 =	vld [tilespmem:$0x1FA80];
	[tilespmem:v57+s21+$0x0] =	vst.idx.msk $0xffff, v56  }
0x6e2: {  	v17 =	vld [tilespmem:$0x1FA90];
	[tilespmem:v35+s23+$0x0] =	vst.idx.msk $0xffff, v0  }
0x6e3: {  	v15 =	vld [tilespmem:$0x1F8D0];
	_ =	sdelay $0x2  }
0x6e4: {  	v42 =	vmul.f32 v9, v25;
	v61 =	vld.idx.msk [tilespmem:v28+s5+$0x0], $0xffff;
	v43 =	vmul.f32 v3, v20  }
0x6e5: {  	v49 =	vmul.f32 v44, v30;
	v62 =	vld.idx.msk [tilespmem:v22+s5+$0x0], $0xffff  }
0x6e6: {  	v31 =	vmul.f32 v37, v33;
	v32 =	vmul.f32 v50, v53;
	v34 =	vsub.f32 v42, v43  }
0x6e7: {  	v8 =	vmul.f32 v37, v53;
	v14 =	vadd.f32 v5, v49;
	v6 =	vmul.f32 v50, v33;
	v36 =	vld.idx.msk [tilespmem:v21+s5+$0x0], $0xffff  }
0x6e8: {  	v9 =	vmul.f32 v9, v20;
	v0 =	vsub.f32 v31, v32;
	v37 =	vld.idx.msk [tilespmem:v26+s5+$0x0], $0xffff;
	[tilespmem:v13+s21+$0x0] =	vst.idx.msk $0xffff, v34  }
0x6e9: {  	v6 =	vadd.f32 v6, v8;
	v3 =	vmul.f32 v3, v25;
	[tilespmem:v15+s2+$0x0] =	vst.idx.msk $0xffff, v14  }
0x6ea: {  	v42 =	vmul.f32 v62, v54;
	v39 =	vmul.f32 v61, v59;
	v18 =	vld [tilespmem:$0x1FB00];
	[tilespmem:v29+s23+$0x0] =	vst.idx.msk $0xffff, v0  }
0x6eb: {  	v5 =	vmul.f32 v62, v59;
	v4 =	vmul.f32 v61, v54;
	v19 =	vld [tilespmem:$0x1FB10];
	[tilespmem:v47+s23+$0x0] =	vst.idx.msk $0xffff, v6  }
0x6ec: {  	v9 =	vadd.f32 v3, v9;
	v57 =	vsub.f32 v39, v42;
	v49 =	vld [tilespmem:$0x1FB50]  }
0x6ed: {  	v4 =	vadd.f32 v5, v4;
	v56 =	vmul.f32 v36, v51;
	v43 =	vld.idx.msk [tilespmem:v60+s11+$0x0], $0xffff;
	v60 =	vmul.f32 v37, v41  }
0x6ee: {  	v61 =	vmul.f32 v37, v51;
	v10 =	vmul.f32 v36, v41;
	[tilespmem:v38+s2+$0x0] =	vst.idx.msk $0xffff, v57  }
0x6ef: {  	v62 =	vsub.f32 v56, v60;
	[tilespmem:v48+s21+$0x0] =	vst.idx.msk $0xffff, v9  }
0x6f0: {  	v7 =	vld.idx.msk [tilespmem:v40+s5+$0x0], $0xffff;
	v5 =	vadd.f32 v61, v10;
	[tilespmem:v63+s2+$0x0] =	vst.idx.msk $0xffff, v4  }
0x6f1: {  	v23 =	vmov v29;
	v29 =	vld [tilespmem:$0x1FB90];
	[tilespmem:v55+s2+$0x0] =	vst.idx.msk $0xffff, v62  }
0x6f2: {  	v44 =	vld.idx.msk [tilespmem:v17+s5+$0x0], $0xffff;
	[tilespmem:v35+s2+$0x0] =	vst.idx.msk $0xffff, v5  }
0x6f3: {  	v32 =	vld [tilespmem:$0x1FBB0]  }
0x6f4: {  	v50 =	vld.idx.msk [tilespmem:v49+s11+$0x0], $0xffff;
	_ =	sdelay $0x3  }
0x6f5: {  	v45 =	vmul.f32 v7, v18;
	v46 =	vmul.f32 v44, v19  }
0x6f6: {  	v12 =	vld.idx.msk [tilespmem:v52+s5+$0x0], $0xffff;
	v20 =	vmul.f32 v43, v29;
	v25 =	vmul.f32 v50, v30  }
0x6f7: {  	v14 =	vld.idx.msk [tilespmem:v58+s5+$0x0], $0xffff;
	v0 =	vsub.f32 v45, v46  }
0x6f8: {  	v2 =	vsub.f32 v20, v25  }
0x6f9: {  	[tilespmem:v32+s2+$0x0] =	vst.idx.msk $0xffff, v0  }
0x6fa: {  	[tilespmem:v16+s21+$0x0] =	vst.idx.msk $0xffff, v2  }
0x6fb: {  	v24 =	vmov v47;
	v47 =	vld [tilespmem:$0x1FBC0]  }
0x6fc: {  	v27 =	vld.idx.msk [tilespmem:v28+s11+$0x0], $0xffff;
	v34 =	vmul.f32 v12, v33;
	v36 =	vmul.f32 v14, v53  }
0x6fd: {  	v28 =	vld.idx.msk [tilespmem:v22+s11+$0x0], $0xffff;
	v4 =	vmul.f32 v14, v33;
	v3 =	vmul.f32 v12, v53  }
0x6fe: {  	v31 =	vld.idx.msk [tilespmem:v21+s11+$0x0], $0xffff;
	v2 =	vsub.f32 v34, v36  }
0x6ff: {  	v1 =	vmul.f32 v44, v18;
	v7 =	vmul.f32 v7, v19;
	v37 =	vld.idx.msk [tilespmem:v26+s11+$0x0], $0xffff;
	v3 =	vadd.f32 v4, v3  }
0x700: {  	[tilespmem:v23+s2+$0x0] =	vst.idx.msk $0xffff, v2  }
0x701: {  	v1 =	vadd.f32 v1, v7;
	[tilespmem:v24+s2+$0x0] =	vst.idx.msk $0xffff, v3  }
0x702: {  	v8 =	vmul.f32 v43, v30;
	v49 =	vld.idx.msk [tilespmem:v52+s11+$0x0], $0xffff  }
0x703: {  	v42 =	vmul.f32 v28, v54;
	v6 =	vmul.f32 v50, v29;
	v52 =	vld.idx.msk [tilespmem:v58+s11+$0x0], $0xffff;
	[tilespmem:v47+s2+$0x0] =	vst.idx.msk $0xffff, v1  }
0x704: {  	v46 =	vmul.f32 v31, v51;
	v48 =	vmul.f32 v37, v41;
	v39 =	vld.idx.msk [tilespmem:v40+s11+$0x0], $0xffff  }
0x705: {  	v0 =	vmul.f32 v31, v41;
	v6 =	vadd.f32 v6, v8;
	v1 =	vmul.f32 v37, v51;
	v43 =	vld.idx.msk [tilespmem:v17+s11+$0x0], $0xffff  }
0x706: {  	v5 =	vmul.f32 v28, v59;
	v44 =	vmul.f32 v27, v54;
	v4 =	vsub.f32 v46, v48  }
0x707: {  	[tilespmem:v15+s21+$0x0] =	vst.idx.msk $0xffff, v6;
	v40 =	vmul.f32 v27, v59;
	v0 =	vadd.f32 v1, v0  }
0x708: {  	[tilespmem:v55+s21+$0x0] =	vst.idx.msk $0xffff, v4;
	v60 =	vmul.f32 v52, v53;
	v59 =	vmul.f32 v49, v33  }
0x709: {  	v50 =	vadd.f32 v5, v44;
	v45 =	vsub.f32 v40, v42;
	[tilespmem:v35+s21+$0x0] =	vst.idx.msk $0xffff, v0  }
0x70a: {  	v0 =	vsub.f32 v59, v60;
	v54 =	vmul.f32 v39, v18;
	v56 =	vmul.f32 v43, v19  }
0x70b: {  	[tilespmem:v38+s21+$0x0] =	vst.idx.msk $0xffff, v45;
	v57 =	vmul.f32 v43, v18;
	v58 =	vmul.f32 v39, v19  }
0x70c: {  	[tilespmem:v63+s21+$0x0] =	vst.idx.msk $0xffff, v50;
	v3 =	vsub.f32 v54, v56  }
0x70d: {  	s14 =	sadd.s32 $0x1, s14;
	[tilespmem:v23+s21+$0x0] =	vst.idx.msk $0xffff, v0;
	v1 =	vadd.f32 v57, v58  }
0x70e: {  	s24 =	simm.s32 $0x0;
	p0 =	sne.s32 s14, $0x20;
	v61 =	vmul.f32 v52, v33;
	v62 =	vmul.f32 v49, v53;
	[tilespmem:v32+s21+$0x0] =	vst.idx.msk $0xffff, v3  }
.Ltmp5:
0x70f: {  	s30 =	simm.s32 $0x1800;
	s3 =	simm.s32 $0x2000;
	[tilespmem:v47+s21+$0x0] =	vst.idx.msk $0xffff, v1;
	(pc) =	sbr.rel @p0 .LBB2_2-.Ltmp5, $4  }
0x710: {  	s16 =	simm.s32 $0xA000;
	s17 =	simm.s32 $0x2800;
	v63 =	vadd.f32 v61, v62;
	s22 =	rddreg [dreg:$0xa]  }
0x711: {  	s18 =	simm.s32 $0xA800;
	s19 =	simm.s32 $0x3000;
	s22 =	sadd.s32 s15, s22  }
0x712: {  	s20 =	simm.s32 $0xB000;
	s4 =	simm.s32 $0x3800;
	[tilespmem:v24+s21+$0x0] =	vst.idx.msk $0xffff, v63;
	s22 =	sadd.s32 $0x800, s22  }
0x713: {  	[hbm4b:s22+s24] =	stream.linear.scatter [tilespmem:s1], [sflag:$0x4], $0x4000, $0x38;
	[tilespmem:$0x11800] =	vst v63  }
0x714: {  	s0 =	simm.s32 $0x3  }
0x715: {  	_ =	swait.ge [sflag:s0], $0x4000  }
0x716: {  	[sflag:s0] =	ssyncset.done $0x0  }
0x717: {  	s29 =	simm.s32 $0x4;
	[sflag:s0] =	ssyncadd.s32 $0xFFFFC000  }
0x718: {  	_ =	swait.ge [sflag:s29], $0x4000  }
0x719: {  	s1 =	rddreg [dreg:$0xe]  }
0x71a: {  	s22 =	rddreg [dreg:$0xd];
	s1 =	sadd.s32 $0x1, s1  }
0x71b: {  	p0 =	sne.s32 s1, s22  }
.Ltmp6:
0x71c: {  	_ = 	snop;
	(pc) =	sbr.rel @p0 .LBB2_1-.Ltmp6, $3  }
0x71d: {  	_ =	sdelay $0x1  }
0x71e: {  	[sflag:s29] =	ssyncset.done $0x0  }
0x71f: {  	[sflag:s29] =	ssyncadd.s32 $0xFFFFC000  }
0x720: {  	_ =	sfence.sel $0x180000  }
0x721: {  	[bflag:$0x0] =	sbarrier.arrive $0xFFFF  }
0x722: {  	_ =	strace $0x9000004A  }
0x723: {  	s0 =	stileid.u32;
	[bflag:$0x2] =	sbarrier.arrive $0xFFFF  }
0x724: {  	p0 =	sne.s32 s0, $0x0;
	s0 =	rddreg [dreg:$0x2]  }
0x725: {  	s0 =	sadd.s32 @!p0 $0x100000, s0  }
0x726: {  	[sflag:s0] =	ssyncadd.tile.s32 @!p0 $0x1;
	_ =	shalt  }
.Lfunc_end2:
_tile_overlayer_lowered:
.L_overlay_start_2:
0x727: {  	(tag) =	ssettag $0x2  }
0x728: {  	s0 =	rddreg [dreg:$0x0];
	s2 =	stileid.u32  }
0x729: {  	s1 =	rddreg [dreg:$0x1];
	p0 =	sne.s32 s2, $0x0  }
0x72a: {  	s3 =	rddreg [dreg:$0x2];
	[bflag:$0x3] =	sbarrier.arrive $0xFFFF;
	s2 =	simm.s32 @!p0 $0x1C05  }
0x72b: {  	[timem:s3], [sflag:s2] =	dma.local @!p0 [hbm:s0], s1  }
0x72c: {  	s0 =	simm.s32 @!p0 $0x5  }
0x72d: {  	_ =	swait.ge @!p0 [sflag:s0], s1  }
0x72e: {  	s1 =	ssub.s32 @!p0 $0x0, s1;
	[sflag:s0] =	ssyncset.done @!p0 $0x0  }
0x72f: {  	[sflag:s0] =	ssyncadd.s32 @!p0 s1  }
0x730: {  	[bflag:$0x3] =	sbarrier.arrive $0xFFFF  }
0x731: {  	_ =	shalt  }

// kernel: sparse-core-data-format-call.cloned.1.call-start
scs
called_computation_lowered:
.L_overlay_start_0:
0x0: {  	s2 =	sld [smem:$0x3FD9]  }
0x1: {  	s3 =	sld [smem:$0x3FFE];
	_ =	sdelay $0x1  }
0x2: {  	s1 =	srdreg.scid  }
0x3: {  	s0 =	sand.u32 $0x1, s1  }
0x4: {  	s19 =	sshll.u32 s0, $0xA;
	s2 =	sadd.s32 s3, s2  }
0x5: {  	s2 =	sadd.s32 s2, s19  }
0x6: {  	[smem:$0x3FC4] =	sst s2  }
0x7: {  	_ = 	snop  }
0x8: {  	s2 =	sld [smem:$0x3FC9]  }
0x9: {  	s20 =	sld [smem:$0x3FD0];
	(tm) =	ssettm $0x1  }
0xa: {  	s4 =	sld [smem:$0x3FFB];
	_ =	sdelay $0x3  }
0xb: {  	_ =	strace s4  }
0xc: {  	s4 =	sld [smem:$0x3FFC];
	_ =	sdelay $0x3  }
0xd: {  	_ =	strace s4  }
0xe: {  	s4 =	sld [smem:$0x3FFD];
	_ =	sdelay $0x3  }
0xf: {  	_ =	strace s4  }
0x10: {  	_ =	strace $0x8FFFFFFF  }
0x11: {  	s21 =	sld [smem:$0x3FDB];
	_ =	sdelay $0x1  }
0x12: {  	s5 =	simm.s32 $_scs_section_size  }
0x13: {  	s6 =	simm.s32 $_size__tile_overlayer_lowered;
	s7 =	simm.s32 $_tile_overlayer_lowered  }
0x14: {  	s24 =	simm.s32 $0x1BFF;
	s23 =	sshll.u32 s7, $0x1;
	s4 =	sadd.s32 s5, s21  }
0x15: {  	s8 =	simm.s32 $0x0;
	s22 =	sshll.u32 s6, $0x1;
	s6 =	sadd.s32 s23, s4  }
0x16: {  	[timem:s8], [sflag:s24] =	dma.local [hbm:s6], s22  }
0x17: {  	_ =	swait.ge [sflag:s24], s22  }
0x18: {  	s5 =	ssub.s32 $0x0, s22;
	[sflag:s24] =	ssyncset.done $0x0  }
0x19: {  	[sflag:s24] =	ssyncadd.s32 s5;
	_ =	sdelay $0x1  }
0x1a: {  	s25 =	simm.s32 $0x1B8B  }
0x1b: {  	_ =	swait.ge [sflag:s25], $0x1  }
0x1c: {  	[sflag:s25] =	ssyncset.done $0x0  }
0x1d: {  	s26 =	simm.s32 $0x1B8E;
	[sflag:s25] =	ssyncadd.s32 $0xFFFFFFFF  }
0x1e: {  	s27 =	simm.s32 $execute0_lowered;
	[smem:$0x3FD2] =	sst s26  }
0x1f: {  	s5 =	sshll.u32 s27, $0x1;
	_ =	strace $0x80000046;
	[dreg:$0x1] =	wrdreg $0xFFFFFFFF  }
0x20: {  	s28 =	simm.s32 $_size_execute0_lowered;
	s4 =	sadd.s32 s4, s5;
	[dreg:$0x0] =	wrdreg $0x0  }
0x21: {  	s5 =	sshll.u32 s28, $0x1;
	[dreg:$0x2] =	wrdreg s4  }
0x22: {  	[dreg:$0x3] =	wrdreg s5  }
0x23: {  	[dreg:$0x4] =	wrdreg $0xC0  }
0x24: {  	_ =	task [dreg:s8], $0x5FFFF  }
0x25: {  	[dreg:$0x1] =	wrdreg $0xFFFFFFFF  }
0x26: {  	[dreg:$0x0] =	wrdreg $0x60  }
0x27: {  	[dreg:$0x2] =	wrdreg s2  }
0x28: {  	[dreg:$0x3] =	wrdreg s20  }
0x29: {  	[dreg:$0x4] =	wrdreg $0x9  }
0x2a: {  	_ =	task.clear_ibuf [dreg:s8], $0x5FFFF;
	_ =	strace $0x90000046  }
0x2b: {  	s29 =	simm.s32 $0x9;
	_ =	strace $0x80000048  }
0x2c: {  	_ =	swait.ge [sflag:s29], $0x1  }
0x2d: {  	[sflag:s29] =	ssyncadd.s32 $0xFFFFFFFF  }
0x2e: {  	_ =	strace $0x90000048  }
0x2f: {  	_ =	sfence  }
0x30: {  	s30 =	sld [smem:$0x0];
	_ =	sdelay $0x2  }
0x31: {  	s31 =	sshll.u32 s1, $0xD;
	s1 =	sshrl.u32 s1, $0x2  }
0x32: {  	s3 =	sand.u32 $0x4000, s31;
	s1 =	sadd.s32 s1, s30  }
0x33: {  	s0 =	sor.u32 s3, s0;
	s1 =	sshll.u32 s1, $0x11  }
0x34: {  	s0 =	sor.u32 s1, s0  }
0x35: {  	s0 =	sadd.s32 $0x8F2B, s0  }
0x36: {  	[sflag:s0] =	ssyncadd.remote.s32 $0x1  }
0x37: {  	_ =	sfence.sel $0xFFFF  }
0x38: {  	[dreg:$0x0] =	wrdreg $0xFFFFFFFF;
	(pc) =	sbr.abs _section_cstart, $3  }
0x39: {  	[dreg:$0x1] =	wrdreg $0xFFFFFFFF  }
0x3a: {  	_ =	task.clear_ibuf [dreg:s8], $0x2FFFF;
	_ =	strace $0x9FFFFFFF  }
0x3b: {  	(tm) =	ssettm $0x7FFFFFFF  }
tec
execute0_lowered:
.L_overlay_start_1:
0x0: {  	(tag) =	ssettag $0x1  }
0x1: {  	s2 =	rddreg [dreg:$0x0]  }
0x2: {  	s3 =	rddreg [dreg:$0x1]  }
0x3: {  	s0 =	rddreg [dreg:$0x2];
	s4 =	srdreg.scid  }
.Ltmp0:
0x4: {  	_ =	strace $0x80000047;
	s1 =	stileid.u32;
	(pc) =	sbr.rel .LBB1_1-.Ltmp0, $4  }
0x5: {  	s6 =	simm.s32 $0x2;
	p0 =	por $0x0, $0x0;
	s5 =	sshll.u32 s4, $0x4  }
0x6: {  	s9 =	simm.s32 $0x0;
	s4 =	simm.s32 $0x1;
	s5 =	sand.u32 $0x10, s5  }
0x7: {  	s7 =	simm.s32 $0x0;
	[sflag:s4] =	ssyncpa.u1 $0x0;
	s5 =	sor.u32 s1, s5  }
0x8: {  	[sflag:s6] =	ssyncpa.u1 $0x0;
	s6 =	simm.s32 $0x0;
	s8 =	smov.u32 s5  }
.LBB1_7:
0x9: {  	s11 =	sadd.s32 $0x20, s8  }
0xa: {  	p1 =	slt.u32 s7, $0x2;
	s7 =	sadd.s32 $0x1, s7;
	p2 =	sgt.s32 s11, $0x7FF  }
0xb: {  	s11 =	smov.u32 @p2 s5;
	p2 =	sne.s32 s7, $0x42  }
.Ltmp1:
0xc: {  	_ = 	snop;
	(pc) =	sbr.rel @!p2 .LBB1_8-.Ltmp1, $4  }
0xd: {  	s10 =	simm.s32 @!p1 $0x2  }
0xe: {  	_ =	swait.ge @!p1 [sflag:s10], $0x4000  }
0xf: {  	s9 =	smov.u32 s8;
	[sflag:s10] =	ssyncset.done @!p1 $0x0  }
0x10: {  	p0 =	por !p0, !p0;
	s8 =	smov.u32 s11;
	[sflag:s10] =	ssyncadd.s32 @!p1 $0xFFFFC000  }
.LBB1_1:
0x11: {  	p1 =	sgt.u32 s7, $0x3F  }
0x12: {  	s10 =	sxor.u32 @!p1 $0xFFFFFFFF, s7  }
0x13: {  	s11 =	sshll.u32 @!p1 s8, $0xB;
	s10 =	sshll.u32 @!p1 s10, $0xE  }
0x14: {  	s12 =	simm.s32 @!p1 $0x0;
	s11 =	sadd.s32 @!p1 s2, s11;
	s10 =	sand.u32 @!p1 $0x4000, s10  }
0x15: {  	[tilespmem:s10], [sflag:$0x1] =	stream.linear.gather @!p1 [hbm4b:s11+s12], $0x4000, $0x38;
	[tilespmem:$0x10000] =	vst v63  }
0x16: {  	p1 =	seq.s32 s7, $0x0  }
0x17: {  	p2 =	seq.s32 @!p1 s7, $0x41  }
0x18: {  	p1 =	por p1, p2  }
.Ltmp2:
0x19: {  	_ = 	snop;
	(pc) =	sbr.rel @p1 .LBB1_7-.Ltmp2, $1  }
0x1a: {  	_ =	sdelay $0x3  }
0x1b: {  	s10 =	simm.s32 $0x1;
	_ =	swait.ge [sflag:s4], $0x4000;
	s12 =	sshll.u32 s7, $0xE  }
0x1c: {  	s13 =	simm.s32 $0x0;
	s10 =	simm.s32 @!p0 $0x0;
	[sflag:s4] =	ssyncset.done $0x0  }
0x1d: {  	s12 =	sand.u32 $0x4000, s12;
	s11 =	sshll.u32 s10, $0xE;
	[sflag:s4] =	ssyncadd.s32 $0xFFFFC000  }
0x1e: {  	s12 =	sor.u32 $0x8000, s12;
	s10 =	sor.u32 $0x8040, s11;
	s11 =	sor.u32 $0x40, s11  }
.LBB1_3:
0x1f: {  	v0 =	vmov s11;
	_ =	sdelay $0x3  }
0x20: {  	s15 =	simm.s32 $0x0  }
0x21: {  	v6 =	vld.idx.msk [tilespmem:v0+s15+$0x30 ss:$0x1], $0xffff  }
0x22: {  	v7 =	vld.idx.msk [tilespmem:v0+s15+$0xFFFFFFC0 ss:$0x1], $0xffff  }
0x23: {  	v5 =	vld.idx.msk [tilespmem:v0+s15+$0xFFFFFFD0 ss:$0x1], $0xffff  }
0x24: {  	v4 =	vld.idx.msk [tilespmem:v0+s15+$0xFFFFFFE0 ss:$0x1], $0xffff  }
0x25: {  	v3 =	vld.idx.msk [tilespmem:v0+s15+$0xFFFFFFF0 ss:$0x1], $0xffff  }
0x26: {  	v1 =	vld.idx.msk [tilespmem:v0+s15+$0x0 ss:$0x1], $0xffff  }
0x27: {  	v2 =	vld.idx.msk [tilespmem:v0+s15+$0x10 ss:$0x1], $0xffff;
	[tilespmem:s10+$0x30] =	vst v6  }
0x28: {  	s14 =	simm.s32 $0x80;
	s16 =	simm.s32 $0x400;
	[tilespmem:s10+$0xFFFFFFC0] =	vst v7;
	v6 =	vld.idx.msk [tilespmem:v0+s15+$0x20 ss:$0x1], $0xffff;
	s15 =	smov.u32 s10  }
.LBB1_4:
0x29: {  	p1 =	sne.s32 s16, $0xE00;
	v7 =	vld.idx.msk [tilespmem:v0+s14+$0x30 ss:$0x1], $0xffff;
	[tilespmem:s15+$0xFFFFFFD0] =	vst v5  }
0x2a: {  	v8 =	vld.idx.msk [tilespmem:v0+s14+$0xFFFFFFC0 ss:$0x1], $0xffff;
	[tilespmem:s15+$0xFFFFFFE0] =	vst v4  }
0x2b: {  	v5 =	vld.idx.msk [tilespmem:v0+s14+$0xFFFFFFD0 ss:$0x1], $0xffff;
	[tilespmem:s15+$0xFFFFFFF0] =	vst v3  }
.Ltmp3:
0x2c: {  	v4 =	vld.idx.msk [tilespmem:v0+s14+$0xFFFFFFE0 ss:$0x1], $0xffff;
	[tilespmem:s15+$0x0] =	vst v1;
	(pc) =	sbr.rel @p1 .LBB1_4-.Ltmp3, $4  }
0x2d: {  	v3 =	vld.idx.msk [tilespmem:v0+s14+$0xFFFFFFF0 ss:$0x1], $0xffff;
	[tilespmem:s15+$0x10] =	vst v2  }
0x2e: {  	v1 =	vld.idx.msk [tilespmem:v0+s14+$0x0 ss:$0x1], $0xffff;
	[tilespmem:s15+$0x20] =	vst v6;
	s15 =	sadd.s32 $0x800, s15  }
0x2f: {  	v2 =	vld.idx.msk [tilespmem:v0+s14+$0x10 ss:$0x1], $0xffff;
	[tilespmem:s15+$0x30] =	vst v7  }
0x30: {  	[tilespmem:s15+$0xFFFFFFC0] =	vst v8;
	v6 =	vld.idx.msk [tilespmem:v0+s14+$0x20 ss:$0x1], $0xffff;
	s14 =	sshra.s32 s16, $0x2;
	s16 =	sadd.s32 $0x200, s16  }
0x31: {  	_ =	sdelay $0x2  }
0x32: {  	[tilespmem:s15+$0xFFFFFFD0] =	vst v5  }
0x33: {  	v56 =	vld.idx.msk [tilespmem:v0+s14+$0x30 ss:$0x1], $0xffff;
	[tilespmem:s15+$0xFFFFFFE0] =	vst v4  }
0x34: {  	v57 =	vld.idx.msk [tilespmem:v0+s14+$0xFFFFFFC0 ss:$0x1], $0xffff;
	[tilespmem:s15+$0xFFFFFFF0] =	vst v3  }
0x35: {  	v58 =	vld.idx.msk [tilespmem:v0+s14+$0xFFFFFFD0 ss:$0x1], $0xffff;
	[tilespmem:s15+$0x0] =	vst v1  }
0x36: {  	v59 =	vld.idx.msk [tilespmem:v0+s14+$0xFFFFFFE0 ss:$0x1], $0xffff;
	[tilespmem:s15+$0x10] =	vst v2  }
0x37: {  	v60 =	vld.idx.msk [tilespmem:v0+s14+$0xFFFFFFF0 ss:$0x1], $0xffff;
	s31 =	sadd.s32 $0x800, s15;
	[tilespmem:s15+$0x20] =	vst v6  }
0x38: {  	v61 =	vld.idx.msk [tilespmem:v0+s14+$0x0 ss:$0x1], $0xffff;
	[tilespmem:s31+$0x30] =	vst v56  }
0x39: {  	v62 =	vld.idx.msk [tilespmem:v0+s14+$0x10 ss:$0x1], $0xffff;
	s13 =	sadd.s32 $0x1, s13;
	[tilespmem:s31+$0xFFFFFFC0] =	vst v57  }
0x3a: {  	v63 =	vld.idx.msk [tilespmem:v0+s14+$0x20 ss:$0x1], $0xffff;
	p1 =	sne.s32 s13, $0x10;
	[tilespmem:s31+$0xFFFFFFD0] =	vst v58  }
.Ltmp4:
0x3b: {  	[tilespmem:s31+$0xFFFFFFE0] =	vst v59;
	(pc) =	sbr.rel @p1 .LBB1_3-.Ltmp4, $4  }
0x3c: {  	[tilespmem:s31+$0xFFFFFFF0] =	vst v60  }
0x3d: {  	[tilespmem:s31+$0x0] =	vst v61  }
0x3e: {  	[tilespmem:s31+$0x10] =	vst v62  }
0x3f: {  	s10 =	sadd.s32 $0x80, s10;
	s11 =	sadd.s32 $0x400, s11;
	[tilespmem:s31+$0x20] =	vst v63  }
.Ltmp5:
0x40: {  	(pc) =	sbr.rel .LBB1_7-.Ltmp5, $4  }
0x41: {  	_ = 	snop  }
0x42: {  	s9 =	sshll.u32 s9, $0xB  }
0x43: {  	s9 =	sadd.s32 s3, s9  }
0x44: {  	[hbm4b:s9+s6] =	stream.linear.scatter [tilespmem:s12], [sflag:$0x2], $0x4000, $0x38;
	[tilespmem:$0x10000] =	vst v63  }
.LBB1_8:
0x45: {  	_ =	sfence.sel $0x180000  }
0x46: {  	s2 =	simm.s32 $0x1;
	[bflag:$0x0] =	sbarrier.arrive $0xFFFF  }
0x47: {  	s31 =	simm.s32 $0x2;
	[sflag:s2] =	ssyncpa.u1 $0x1  }
0x48: {  	[sflag:s31] =	ssyncpa.u1 $0x1  }
0x49: {  	p0 =	sne.s32 s1, $0x0;
	_ =	strace $0x90000047  }
0x4a: {  	s0 =	sadd.s32 @!p0 $0x100000, s0;
	[bflag:$0x2] =	sbarrier.arrive $0xFFFF  }
0x4b: {  	[sflag:s0] =	ssyncadd.tile.s32 @!p0 $0x1;
	_ =	shalt  }
.Lfunc_end1:
_tile_overlayer_lowered:
.L_overlay_start_2:
0x4c: {  	(tag) =	ssettag $0x2  }
0x4d: {  	s0 =	rddreg [dreg:$0x0];
	s2 =	stileid.u32  }
0x4e: {  	s1 =	rddreg [dreg:$0x1];
	p0 =	sne.s32 s2, $0x0  }
0x4f: {  	s3 =	rddreg [dreg:$0x2];
	[bflag:$0x3] =	sbarrier.arrive $0xFFFF;
	s2 =	simm.s32 @!p0 $0x1C01  }
0x50: {  	[timem:s3], [sflag:s2] =	dma.local @!p0 [hbm:s0], s1  }
0x51: {  	s0 =	simm.s32 @!p0 $0x1  }
0x52: {  	_ =	swait.ge @!p0 [sflag:s0], s1  }
0x53: {  	s1 =	ssub.s32 @!p0 $0x0, s1;
	[sflag:s0] =	ssyncset.done @!p0 $0x0  }
0x54: {  	[sflag:s0] =	ssyncadd.s32 @!p0 s1  }
0x55: {  	[bflag:$0x3] =	sbarrier.arrive $0xFFFF  }
0x56: {  	_ =	shalt  }

</sc_bundles>
